<compile_context>
chip_gen: v7x
topology: tpu7x:2x2x1
jax: 0.10.2.dev20260603
libtpu: 0.0.44.dev20260713+nightly
codegen_flags: <defaults>
</compile_context>

<pallas_src>
import functools

import jax
import jax.numpy as jnp
from jax import lax
from jax.experimental import pallas as pl
from jax.experimental.pallas import tpu as pltpu
from jax.experimental.pallas import tpu_sc as plsc

N = 10000
E = 320000
C = 128
A = 10
RB = 8
H = 64
CORR = 3

NC = 2
NS = 16
NW = NC * NS
K = 64
NCHUNK = 158
EPW = K * NCHUNK
E_PAD = EPW * NW
ROWS_PER_TILE = 632
N_PAD = 10008
LAST_ROWS = N_PAD - 15 * ROWS_PER_TILE

_BLK_N = 1000
_BLK_E = 8192


def _pre_body(nf_ref, w_ref, h_ref):
    h_ref[...] = jnp.dot(nf_ref[...], w_ref[...],
                         preferred_element_type=jnp.float32)


def _mlp_body(rbt_ref, w1_ref, w2_ref, w3_ref, w_ref):
    dn = (((0,), (0,)), ((), ()))
    x = jax.nn.silu(lax.dot_general(rbt_ref[...], w1_ref[...], dn,
                                    preferred_element_type=jnp.float32))
    x = jax.nn.silu(jnp.dot(x, w2_ref[...], preferred_element_type=jnp.float32))
    w = jnp.dot(x, w3_ref[...], preferred_element_type=jnp.float32)
    valid = E - pl.program_id(0) * _BLK_E
    rows = lax.broadcasted_iota(jnp.int32, (_BLK_E, C), 0)
    w_ref[...] = jnp.where(rows < valid, w, 0.0)


def _post_body(p_ref, nf_ref, attr_ref, wpi_ref, wc_ref, wsct_ref, wp_ref,
               out_ref):
    tm = p_ref[0] + p_ref[1]
    m = jnp.dot(tm, wpi_ref[...], preferred_element_type=jnp.float32)
    attr = attr_ref[...]
    m2 = m * m
    contracted = (jnp.dot(attr, wc_ref[0], preferred_element_type=jnp.float32) * m
                  + jnp.dot(attr, wc_ref[1], preferred_element_type=jnp.float32) * m2
                  + jnp.dot(attr, wc_ref[2], preferred_element_type=jnp.float32) * (m2 * m))
    nf = nf_ref[...]
    sc = jnp.zeros_like(m)
    for a in range(A):
        sc = sc + attr[:, a:a + 1] * jnp.dot(nf, wsct_ref[a],
                                             preferred_element_type=jnp.float32)
    out_ref[...] = jnp.dot(contracted + sc, wp_ref[...],
                           preferred_element_type=jnp.float32)


def _agg_body(h_hbm, w_hbm, sph_hbm, src_hbm, dst_hbm, zeros_hbm, out_hbm,
              idx_v, rows_v, msg_v, s_v, sph_v, acc, isem, gsem, ssem, psem,
              csem):
    cid = lax.axis_index("c")
    sid = lax.axis_index("s")
    wid = sid * NC + cid
    base = wid * EPW

    def idx_start(k):
        off = base + k * K
        slot = idx_v.at[k % 6]
        pltpu.async_copy(src_hbm.at[pl.ds(off, K)], slot.at[0], isem.at[k % 6])
        pltpu.async_copy(dst_hbm.at[pl.ds(off, K)], slot.at[1], isem.at[k % 6])

    def idx_wait(k):
        off = base + k * K
        slot = idx_v.at[k % 6]
        pltpu.make_async_copy(src_hbm.at[pl.ds(off, K)], slot.at[0], isem.at[k % 6]).wait()
        pltpu.make_async_copy(dst_hbm.at[pl.ds(off, K)], slot.at[1], isem.at[k % 6]).wait()

    def main_start(k):
        off = base + k * K
        pltpu.async_copy(h_hbm.at[idx_v.at[k % 6].at[0]], rows_v.at[k % 2],
                         gsem.at[k % 2])
        pltpu.async_copy(w_hbm.at[pl.ds(off, K)], s_v.at[k % 2], ssem.at[k % 2])
        pltpu.async_copy(sph_hbm.at[pl.ds(off, K)],
                         sph_v.at[k % 2].at[pl.ds(0, K)], psem.at[k % 2])

    def main_wait(k):
        off = base + k * K
        pltpu.make_async_copy(h_hbm.at[idx_v.at[k % 6].at[0]], rows_v.at[k % 2],
                              gsem.at[k % 2]).wait()
        pltpu.make_async_copy(w_hbm.at[pl.ds(off, K)], s_v.at[k % 2],
                              ssem.at[k % 2]).wait()
        pltpu.make_async_copy(sph_hbm.at[pl.ds(off, K)],
                              sph_v.at[k % 2].at[pl.ds(0, K)],
                              psem.at[k % 2]).wait()

    def scat_start(k):
        pltpu.async_copy(msg_v.at[k % 2], acc.at[idx_v.at[k % 6].at[1]],
                         csem.at[k % 2], add=True)

    def scat_wait(k):
        pltpu.make_async_copy(msg_v.at[k % 2], acc.at[idx_v.at[k % 6].at[1]],
                              csem.at[k % 2]).wait()

    def mul(k):
        b2 = k % 2

        @plsc.parallel_loop(0, K, 1, unroll=2)
        def mul_row(r):
            ssc = sph_v[b2, pl.ds(r, 16)][0]
            for gi in range(C // 16):
                sl = pl.ds(gi * 16, 16)
                msg_v[b2, r, sl] = rows_v[b2, r, sl] * s_v[b2, r, sl] * ssc

    @pl.when(sid < NS - 1)
    def _():
        r = pl.ds(sid * ROWS_PER_TILE, ROWS_PER_TILE)
        pltpu.sync_copy(zeros_hbm.at[r], acc.at[r])

    @pl.when(sid == NS - 1)
    def _():
        r = pl.ds((NS - 1) * ROWS_PER_TILE, LAST_ROWS)
        pltpu.sync_copy(zeros_hbm.at[r], acc.at[r])

    idx_start(0)
    idx_start(1)
    idx_start(2)
    idx_wait(0)
    main_start(0)
    idx_wait(1)
    main_start(1)
    plsc.subcore_barrier()

    def chunk_body(g, carry):
        main_wait(g)

        @pl.when(g >= 2)
        def _():
            scat_wait(g - 2)

        mul(g)
        scat_start(g)

        @pl.when(g + 2 < NCHUNK)
        def _():
            idx_wait(g + 2)
            main_start(g + 2)

        @pl.when(g + 3 < NCHUNK)
        def _():
            idx_start(g + 3)

        return carry

    lax.fori_loop(0, NCHUNK, chunk_body, 0)
    scat_wait(NCHUNK - 2)
    scat_wait(NCHUNK - 1)

    plsc.subcore_barrier()

    @pl.when(sid < NS - 1)
    def _():
        r = pl.ds(sid * ROWS_PER_TILE, ROWS_PER_TILE)
        pltpu.sync_copy(acc.at[r], out_hbm.at[cid].at[r])

    @pl.when(sid == NS - 1)
    def _():
        r = pl.ds((NS - 1) * ROWS_PER_TILE, LAST_ROWS)
        pltpu.sync_copy(acc.at[r], out_hbm.at[cid].at[r])


_agg_kernel = functools.partial(
    pl.kernel,
    out_type=jax.ShapeDtypeStruct((NC, N_PAD, C), jnp.float32),
    mesh=plsc.VectorSubcoreMesh(core_axis_name="c", subcore_axis_name="s"),
    scratch_types=[
        pltpu.VMEM((6, 2, K), jnp.int32),
        pltpu.VMEM((2, K, C), jnp.float32),
        pltpu.VMEM((2, K, C), jnp.float32),
        pltpu.VMEM((2, K, C), jnp.float32),
        pltpu.VMEM((2, K + 16), jnp.float32),
        pltpu.VMEM_SHARED((N_PAD, C), jnp.float32),
        pltpu.SemaphoreType.DMA((6,)),
        pltpu.SemaphoreType.DMA((2,)),
        pltpu.SemaphoreType.DMA((2,)),
        pltpu.SemaphoreType.DMA((2,)),
        pltpu.SemaphoreType.DMA((2,)),
    ],
)(_agg_body)


def kernel(node_features, node_attributes, sph_harmonics, radial_basis,
           edge_index, W_pre, W_mlp1, W_mlp2, W_mlp3, W_post_int,
           W_contr, W_sc, W_post):
    f32 = jnp.float32
    pad = E_PAD - E
    spread = jnp.arange(pad, dtype=jnp.int32) % N
    src = jnp.concatenate([edge_index[0], spread])
    dst = jnp.concatenate([edge_index[1], spread])
    sph_p = jnp.concatenate([sph_harmonics.reshape(E), jnp.zeros((pad,), f32)])
    zeros = jnp.zeros((N_PAD, C), f32)

    h = pl.pallas_call(
        _pre_body,
        grid=(N // _BLK_N,),
        in_specs=[pl.BlockSpec((_BLK_N, C), lambda i: (i, 0)),
                  pl.BlockSpec((C, C), lambda i: (0, 0))],
        out_specs=pl.BlockSpec((_BLK_N, C), lambda i: (i, 0)),
        out_shape=jax.ShapeDtypeStruct((N, C), f32),
    )(node_features, W_pre)

    _last = E // _BLK_E
    w = pl.pallas_call(
        _mlp_body,
        grid=(-(-E_PAD // _BLK_E),),
        in_specs=[pl.BlockSpec((RB, _BLK_E), lambda i: (0, jnp.minimum(i, _last))),
                  pl.BlockSpec((RB, H), lambda i: (0, 0)),
                  pl.BlockSpec((H, H), lambda i: (0, 0)),
                  pl.BlockSpec((H, C), lambda i: (0, 0))],
        out_specs=pl.BlockSpec((_BLK_E, C), lambda i: (i, 0)),
        out_shape=jax.ShapeDtypeStruct((E_PAD, C), f32),
    )(radial_basis.T, W_mlp1, W_mlp2, W_mlp3)

    partials = _agg_kernel(h, w, sph_p, src, dst, zeros)

    W_sc_t = jnp.transpose(W_sc, (1, 0, 2))

    out = pl.pallas_call(
        _post_body,
        grid=(N // _BLK_N,),
        in_specs=[pl.BlockSpec((NC, _BLK_N, C), lambda i: (0, i, 0)),
                  pl.BlockSpec((_BLK_N, C), lambda i: (i, 0)),
                  pl.BlockSpec((_BLK_N, A), lambda i: (i, 0)),
                  pl.BlockSpec((C, C), lambda i: (0, 0)),
                  pl.BlockSpec((CORR, A, C), lambda i: (0, 0, 0)),
                  pl.BlockSpec((A, C, C), lambda i: (0, 0, 0)),
                  pl.BlockSpec((C, C), lambda i: (0, 0))],
        out_specs=pl.BlockSpec((_BLK_N, C), lambda i: (i, 0)),
        out_shape=jax.ShapeDtypeStruct((N, C), f32),
    )(partials, node_features, node_attributes,
      W_post_int, W_contr, W_sc_t, W_post)

    return out

# --- scband reference (transcript-rebuilt; emitter-appended) ---
"""Pipeline reference for scband-macelayer-66460323938668 (READ-ONLY COPY).

The authoritative reference and input builder live on the scoring server;
editing this copy changes nothing except your own understanding.
"""

import jax, jax.numpy as jnp
import numpy as np

N = 10000
E = 320000
C = 128   # channels
A = 10    # node attributes (element types)
RB = 8    # radial basis features
H = 64    # MLP hidden width
CORR = 3  # correlation order


def setup_inputs(seed: int = 0) -> dict:
    key = jax.random.key(seed)
    ks = jax.random.split(key, 16)
    node_features = jax.random.normal(ks[0], (N, C), dtype=jnp.float32)
    node_attributes = jax.random.uniform(ks[1], (N, A), dtype=jnp.float32)
    sph_harmonics = jax.random.normal(ks[2], (E, 1), dtype=jnp.float32)
    radial_basis = jax.random.normal(ks[3], (E, RB), dtype=jnp.float32)
    edge_index = jax.random.randint(ks[4], (2, E), 0, N, dtype=jnp.int32)
    # learned parameters
    W_pre = jax.random.normal(ks[5], (C, C), dtype=jnp.float32) / np.sqrt(C)
    W_mlp1 = jax.random.normal(ks[6], (RB, H), dtype=jnp.float32) / np.sqrt(RB)
    W_mlp2 = jax.random.normal(ks[7], (H, H), dtype=jnp.float32) / np.sqrt(H)
    W_mlp3 = jax.random.normal(ks[8], (H, C), dtype=jnp.float32) / np.sqrt(H)
    W_post_int = jax.random.normal(ks[9], (C, C), dtype=jnp.float32) / np.sqrt(C)
    W_contr = jax.random.normal(ks[10], (CORR, A, C), dtype=jnp.float32) / np.sqrt(A)
    W_sc = jax.random.normal(ks[11], (C, A, C), dtype=jnp.float32) / np.sqrt(C * A)
    W_post = jax.random.normal(ks[12], (C, C), dtype=jnp.float32) / np.sqrt(C)
    return {
        "node_features": node_features,
        "node_attributes": node_attributes,
        "sph_harmonics": sph_harmonics,
        "radial_basis": radial_basis,
        "edge_index": edge_index,
        "W_pre": W_pre,
        "W_mlp1": W_mlp1,
        "W_mlp2": W_mlp2,
        "W_mlp3": W_mlp3,
        "W_post_int": W_post_int,
        "W_contr": W_contr,
        "W_sc": W_sc,
        "W_post": W_post,
    }


def reference(node_features, node_attributes, sph_harmonics, radial_basis,
              edge_index, W_pre, W_mlp1, W_mlp2, W_mlp3, W_post_int,
              W_contr, W_sc, W_post):
    # --- MACEInteraction ---
    # pre_linear (per-irrep channel mixing; scalar 0e block)
    h = node_features @ W_pre
    # index_over_neighbours: gather source-node features per edge
    neigh = jnp.take(h, edge_index[0], axis=0)
    # weight_generator: MLP(SiLU, no bias) on radial basis -> per-edge tp weights
    w = jax.nn.silu(radial_basis @ W_mlp1)
    w = jax.nn.silu(w @ W_mlp2)
    w = w @ W_mlp3  # [E, C] (tp.weight_numel = channels for 0e x 0e -> 0e, uvu)
    # limited tensor product: weighted product of neighbour features with sph harmonics
    messages = neigh * sph_harmonics * w  # [E, C]
    # aggregator: sum over neighbours (scatter-add onto destination nodes)
    total_message = jax.ops.segment_sum(messages, edge_index[1], num_segments=N)
    # post_linear of interaction
    m = total_message @ W_post_int  # internal node features [N, C]
    # --- Contractions (correlation order 3, symmetric powers mixed by node attrs) ---
    contracted = jnp.zeros((N, C), dtype=m.dtype)
    for nu in range(CORR):
        coeff = node_attributes @ W_contr[nu]  # [N, C]
        contracted = contracted + coeff * (m ** (nu + 1))
    # --- residual_update: FullyConnectedTensorProduct(features, attrs 10x0e) ---
    sc = jnp.einsum('nc,na,cao->no', node_features, node_attributes, W_sc)
    contracted = contracted + sc
    # --- post_linear of the layer ---
    out = contracted @ W_post
    return out


if False:  # reference __main__ guard neutralized (emitter)
    inp = setup_inputs()
    out = reference(**inp)
    print(out.shape, out.dtype)

if __name__ == "__main__":
    import jax
    _d = setup_inputs()
    print(jax.jit(kernel)(*tuple(_d.values())))

</pallas_src>

<mosaic_0001>
#map = affine_map<(d0, d1) -> (0, 0)>
#map1 = affine_map<(d0, d1) -> (0)>
#map2 = affine_map<(d0, d1) -> (0, 0, 0)>
module attributes {stable_mosaic.version = 14 : i64} {
  func.func @_agg_body(%arg0: i32, %arg1: i32, %arg2: memref<10000x128xf32, #tpu.memory_space<hbm>>, %arg3: memref<323584x128xf32, #tpu.memory_space<hbm>>, %arg4: memref<323584xf32, #tpu.memory_space<hbm>>, %arg5: memref<323584xi32, #tpu.memory_space<hbm>>, %arg6: memref<323584xi32, #tpu.memory_space<hbm>>, %arg7: memref<10008x128xf32, #tpu.memory_space<hbm>>, %arg8: memref<2x10008x128xf32, #tpu.memory_space<hbm>>, %arg9: memref<6x2x64xi32, #tpu.memory_space<vmem>>, %arg10: memref<2x64x128xf32, #tpu.memory_space<vmem>>, %arg11: memref<2x64x128xf32, #tpu.memory_space<vmem>>, %arg12: memref<2x64x128xf32, #tpu.memory_space<vmem>>, %arg13: memref<2x80xf32, #tpu.memory_space<vmem>>, %arg14: memref<10008x128xf32, #tpu.memory_space<vmem_shared>>, %arg15: memref<6x!tpu.dma_semaphore, #tpu.memory_space<semaphore_mem>>, %arg16: memref<2x!tpu.dma_semaphore, #tpu.memory_space<semaphore_mem>>, %arg17: memref<2x!tpu.dma_semaphore, #tpu.memory_space<semaphore_mem>>, %arg18: memref<2x!tpu.dma_semaphore, #tpu.memory_space<semaphore_mem>>, %arg19: memref<2x!tpu.dma_semaphore, #tpu.memory_space<semaphore_mem>>) attributes {dimension_semantics = [#tpu.dimension_semantics<core_parallel>, #tpu.dimension_semantics<subcore_parallel>], iteration_bounds = array<i64: 2, 16>, scalar_prefetch = 0 : i64, scratch_operands = 11 : i64, tpu.core_type = #tpu.core_type<sc_vector_subcore>, window_params = [{transform_indices = #map}, {transform_indices = #map}, {transform_indices = #map1}, {transform_indices = #map1}, {transform_indices = #map1}, {transform_indices = #map}, {transform_indices = #map2}]} {
    %mul3A = arith.constant 2 : i32
    %mul3A_0 = arith.muli %arg1, %mul3A : i32
    %add3A = arith.addi %mul3A_0, %arg0 : i32
    %mul3A_1 = arith.constant 10112 : i32
    %mul3A_2 = arith.muli %add3A, %mul3A_1 : i32
    %lt3A = arith.constant 15 : i32
    %lt3A_3 = arith.cmpi slt, %arg1, %lt3A : i32
    %convert_element_type3A = arith.extui %lt3A_3 : i1 to i32
    %cond3A = arith.constant 0 : i32
    %cond3A_4 = arith.cmpi ne, %convert_element_type3A, %cond3A : i32
    scf.if %cond3A_4 {
      %mul3A_391 = arith.constant 632 : i32
      %mul3A_392 = arith.muli %arg1, %mul3A_391 : i32
      "tpu.region"() ({
        %run_scoped3A = tpu.sem_alloc : memref<!tpu.dma_semaphore, #tpu.memory_space<semaphore_mem>>
        %dma_start3A_393 = arith.constant 0 : i32
        %dma_start3A_394 = tpu.memref_slice %arg14[%mul3A_392, %dma_start3A_393] : memref<10008x128xf32, #tpu.memory_space<vmem_shared>> -> memref<632x128xf32, #tpu.memory_space<vmem_shared>>
        %dma_start3A_395 = arith.constant 0 : i32
        %dma_start3A_396 = tpu.memref_slice %arg7[%mul3A_392, %dma_start3A_395] : memref<10008x128xf32, #tpu.memory_space<hbm>> -> memref<632x128xf32, #tpu.memory_space<hbm>>
        tpu.enqueue_dma source(%dma_start3A_396 : memref<632x128xf32, #tpu.memory_space<hbm>>) target(%dma_start3A_394 : memref<632x128xf32, #tpu.memory_space<vmem_shared>>) target_semaphore(%run_scoped3A : memref<!tpu.dma_semaphore, #tpu.memory_space<semaphore_mem>>)
        %dma_wait3A_397 = arith.constant 0 : i32
        %dma_wait3A_398 = tpu.memref_slice %arg14[%mul3A_392, %dma_wait3A_397] : memref<10008x128xf32, #tpu.memory_space<vmem_shared>> -> memref<632x128xf32, #tpu.memory_space<vmem_shared>>
        %dma_wait3A_399 = arith.constant 0 : i32
        %dma_wait3A_400 = tpu.memref_slice %arg7[%mul3A_392, %dma_wait3A_399] : memref<10008x128xf32, #tpu.memory_space<hbm>> -> memref<632x128xf32, #tpu.memory_space<hbm>>
        tpu.wait_dma2 semaphore(%run_scoped3A : memref<!tpu.dma_semaphore, #tpu.memory_space<semaphore_mem>>) src(%dma_wait3A_400 : memref<632x128xf32, #tpu.memory_space<hbm>>) dst(%dma_wait3A_398 : memref<632x128xf32, #tpu.memory_space<vmem_shared>>)
        tpu.yield
      }) : () -> ()
    } else {
    }
    %eq3A = arith.constant 15 : i32
    %eq3A_5 = arith.cmpi eq, %arg1, %eq3A : i32
    %convert_element_type3A_6 = arith.extui %eq3A_5 : i1 to i32
    %cond3A_7 = arith.constant 0 : i32
    %cond3A_8 = arith.cmpi ne, %convert_element_type3A_6, %cond3A_7 : i32
    scf.if %cond3A_8 {
      "tpu.region"() ({
        %run_scoped3A = tpu.sem_alloc : memref<!tpu.dma_semaphore, #tpu.memory_space<semaphore_mem>>
        %dma_start3A_391 = arith.constant 9480 : i32
        %dma_start3A_392 = arith.constant 0 : i32
        %dma_start3A_393 = tpu.memref_slice %arg14[%dma_start3A_391, %dma_start3A_392] : memref<10008x128xf32, #tpu.memory_space<vmem_shared>> -> memref<528x128xf32, #tpu.memory_space<vmem_shared>>
        %dma_start3A_394 = arith.constant 9480 : i32
        %dma_start3A_395 = arith.constant 0 : i32
        %dma_start3A_396 = tpu.memref_slice %arg7[%dma_start3A_394, %dma_start3A_395] : memref<10008x128xf32, #tpu.memory_space<hbm>> -> memref<528x128xf32, #tpu.memory_space<hbm>>
        tpu.enqueue_dma source(%dma_start3A_396 : memref<528x128xf32, #tpu.memory_space<hbm>>) target(%dma_start3A_393 : memref<528x128xf32, #tpu.memory_space<vmem_shared>>) target_semaphore(%run_scoped3A : memref<!tpu.dma_semaphore, #tpu.memory_space<semaphore_mem>>)
        %dma_wait3A_397 = arith.constant 9480 : i32
        %dma_wait3A_398 = arith.constant 0 : i32
        %dma_wait3A_399 = tpu.memref_slice %arg14[%dma_wait3A_397, %dma_wait3A_398] : memref<10008x128xf32, #tpu.memory_space<vmem_shared>> -> memref<528x128xf32, #tpu.memory_space<vmem_shared>>
        %dma_wait3A_400 = arith.constant 9480 : i32
        %dma_wait3A_401 = arith.constant 0 : i32
        %dma_wait3A_402 = tpu.memref_slice %arg7[%dma_wait3A_400, %dma_wait3A_401] : memref<10008x128xf32, #tpu.memory_space<hbm>> -> memref<528x128xf32, #tpu.memory_space<hbm>>
        tpu.wait_dma2 semaphore(%run_scoped3A : memref<!tpu.dma_semaphore, #tpu.memory_space<semaphore_mem>>) src(%dma_wait3A_402 : memref<528x128xf32, #tpu.memory_space<hbm>>) dst(%dma_wait3A_399 : memref<528x128xf32, #tpu.memory_space<vmem_shared>>)
        tpu.yield
      }) : () -> ()
    } else {
    }
    %add3A_9 = arith.constant 0 : i32
    %add3A_10 = arith.addi %mul3A_2, %add3A_9 : i32
    %dma_start3A = arith.constant 0 : i32
    %dma_start3A_11 = arith.constant 0 : i32
    %dma_start3A_12 = arith.constant 0 : i32
    %dma_start3A_13 = arith.constant 0 : i32
    %dma_start3A_14 = arith.constant 0 : i32
    %dma_start3A_15 = tpu.memref_slice %arg9[%dma_start3A, %dma_start3A_13, %dma_start3A_14] : memref<6x2x64xi32, #tpu.memory_space<vmem>> -> memref<1x2x64xi32, #tpu.memory_space<vmem>>
    %dma_start3A_16 = tpu.memref_squeeze %dma_start3A_15 : memref<1x2x64xi32, #tpu.memory_space<vmem>> -> memref<2x64xi32, #tpu.memory_space<vmem>>
    %dma_start3A_17 = arith.constant 0 : i32
    %dma_start3A_18 = tpu.memref_slice %dma_start3A_16[%dma_start3A_11, %dma_start3A_17] : memref<2x64xi32, #tpu.memory_space<vmem>> -> memref<1x64xi32, #tpu.memory_space<vmem>>
    %dma_start3A_19 = tpu.memref_squeeze %dma_start3A_18 : memref<1x64xi32, #tpu.memory_space<vmem>> -> memref<64xi32, #tpu.memory_space<vmem>>
    %dma_start3A_20 = tpu.memref_slice %arg5[%add3A_10] : memref<323584xi32, #tpu.memory_space<hbm>> -> memref<64xi32, #tpu.memory_space<hbm>>
    %dma_start3A_21 = tpu.memref_slice %arg15[%dma_start3A_12] : memref<6x!tpu.dma_semaphore, #tpu.memory_space<semaphore_mem>> -> memref<1x!tpu.dma_semaphore, #tpu.memory_space<semaphore_mem>>
    %dma_start3A_22 = tpu.memref_squeeze %dma_start3A_21 : memref<1x!tpu.dma_semaphore, #tpu.memory_space<semaphore_mem>> -> memref<!tpu.dma_semaphore, #tpu.memory_space<semaphore_mem>>
    %dma_start3A_23 = arith.constant 0 : i32
    %dma_start3A_24 = arith.constant 0 : i32
    %dma_start3A_25 = tpu.memref_slice %arg9[%dma_start3A, %dma_start3A_23, %dma_start3A_24] : memref<6x2x64xi32, #tpu.memory_space<vmem>> -> memref<1x2x64xi32, #tpu.memory_space<vmem>>
    %dma_start3A_26 = tpu.memref_squeeze %dma_start3A_25 : memref<1x2x64xi32, #tpu.memory_space<vmem>> -> memref<2x64xi32, #tpu.memory_space<vmem>>
    %dma_start3A_27 = arith.constant 0 : i32
    %dma_start3A_28 = tpu.memref_slice %dma_start3A_26[%dma_start3A_11, %dma_start3A_27] : memref<2x64xi32, #tpu.memory_space<vmem>> -> memref<1x64xi32, #tpu.memory_space<vmem>>
    %dma_start3A_29 = tpu.memref_squeeze %dma_start3A_28 : memref<1x64xi32, #tpu.memory_space<vmem>> -> memref<64xi32, #tpu.memory_space<vmem>>
    %dma_start3A_30 = tpu.memref_slice %arg5[%add3A_10] : memref<323584xi32, #tpu.memory_space<hbm>> -> memref<64xi32, #tpu.memory_space<hbm>>
    tpu.enqueue_dma source(%dma_start3A_30 : memref<64xi32, #tpu.memory_space<hbm>>) target(%dma_start3A_29 : memref<64xi32, #tpu.memory_space<vmem>>) target_semaphore(%dma_start3A_22 : memref<!tpu.dma_semaphore, #tpu.memory_space<semaphore_mem>>)
    %dma_start3A_31 = arith.constant 0 : i32
    %dma_start3A_32 = arith.constant 1 : i32
    %dma_start3A_33 = arith.constant 0 : i32
    %dma_start3A_34 = arith.constant 0 : i32
    %dma_start3A_35 = arith.constant 0 : i32
    %dma_start3A_36 = tpu.memref_slice %arg9[%dma_start3A_31, %dma_start3A_34, %dma_start3A_35] : memref<6x2x64xi32, #tpu.memory_space<vmem>> -> memref<1x2x64xi32, #tpu.memory_space<vmem>>
    %dma_start3A_37 = tpu.memref_squeeze %dma_start3A_36 : memref<1x2x64xi32, #tpu.memory_space<vmem>> -> memref<2x64xi32, #tpu.memory_space<vmem>>
    %dma_start3A_38 = arith.constant 0 : i32
    %dma_start3A_39 = tpu.memref_slice %dma_start3A_37[%dma_start3A_32, %dma_start3A_38] : memref<2x64xi32, #tpu.memory_space<vmem>> -> memref<1x64xi32, #tpu.memory_space<vmem>>
    %dma_start3A_40 = tpu.memref_squeeze %dma_start3A_39 : memref<1x64xi32, #tpu.memory_space<vmem>> -> memref<64xi32, #tpu.memory_space<vmem>>
    %dma_start3A_41 = tpu.memref_slice %arg6[%add3A_10] : memref<323584xi32, #tpu.memory_space<hbm>> -> memref<64xi32, #tpu.memory_space<hbm>>
    %dma_start3A_42 = tpu.memref_slice %arg15[%dma_start3A_33] : memref<6x!tpu.dma_semaphore, #tpu.memory_space<semaphore_mem>> -> memref<1x!tpu.dma_semaphore, #tpu.memory_space<semaphore_mem>>
    %dma_start3A_43 = tpu.memref_squeeze %dma_start3A_42 : memref<1x!tpu.dma_semaphore, #tpu.memory_space<semaphore_mem>> -> memref<!tpu.dma_semaphore, #tpu.memory_space<semaphore_mem>>
    %dma_start3A_44 = arith.constant 0 : i32
    %dma_start3A_45 = arith.constant 0 : i32
    %dma_start3A_46 = tpu.memref_slice %arg9[%dma_start3A_31, %dma_start3A_44, %dma_start3A_45] : memref<6x2x64xi32, #tpu.memory_space<vmem>> -> memref<1x2x64xi32, #tpu.memory_space<vmem>>
    %dma_start3A_47 = tpu.memref_squeeze %dma_start3A_46 : memref<1x2x64xi32, #tpu.memory_space<vmem>> -> memref<2x64xi32, #tpu.memory_space<vmem>>
    %dma_start3A_48 = arith.constant 0 : i32
    %dma_start3A_49 = tpu.memref_slice %dma_start3A_47[%dma_start3A_32, %dma_start3A_48] : memref<2x64xi32, #tpu.memory_space<vmem>> -> memref<1x64xi32, #tpu.memory_space<vmem>>
    %dma_start3A_50 = tpu.memref_squeeze %dma_start3A_49 : memref<1x64xi32, #tpu.memory_space<vmem>> -> memref<64xi32, #tpu.memory_space<vmem>>
    %dma_start3A_51 = tpu.memref_slice %arg6[%add3A_10] : memref<323584xi32, #tpu.memory_space<hbm>> -> memref<64xi32, #tpu.memory_space<hbm>>
    tpu.enqueue_dma source(%dma_start3A_51 : memref<64xi32, #tpu.memory_space<hbm>>) target(%dma_start3A_50 : memref<64xi32, #tpu.memory_space<vmem>>) target_semaphore(%dma_start3A_43 : memref<!tpu.dma_semaphore, #tpu.memory_space<semaphore_mem>>)
    %add3A_52 = arith.constant 64 : i32
    %add3A_53 = arith.addi %mul3A_2, %add3A_52 : i32
    %dma_start3A_54 = arith.constant 1 : i32
    %dma_start3A_55 = arith.constant 0 : i32
    %dma_start3A_56 = arith.constant 1 : i32
    %dma_start3A_57 = arith.constant 0 : i32
    %dma_start3A_58 = arith.constant 0 : i32
    %dma_start3A_59 = tpu.memref_slice %arg9[%dma_start3A_54, %dma_start3A_57, %dma_start3A_58] : memref<6x2x64xi32, #tpu.memory_space<vmem>> -> memref<1x2x64xi32, #tpu.memory_space<vmem>>
    %dma_start3A_60 = tpu.memref_squeeze %dma_start3A_59 : memref<1x2x64xi32, #tpu.memory_space<vmem>> -> memref<2x64xi32, #tpu.memory_space<vmem>>
    %dma_start3A_61 = arith.constant 0 : i32
    %dma_start3A_62 = tpu.memref_slice %dma_start3A_60[%dma_start3A_55, %dma_start3A_61] : memref<2x64xi32, #tpu.memory_space<vmem>> -> memref<1x64xi32, #tpu.memory_space<vmem>>
    %dma_start3A_63 = tpu.memref_squeeze %dma_start3A_62 : memref<1x64xi32, #tpu.memory_space<vmem>> -> memref<64xi32, #tpu.memory_space<vmem>>
    %dma_start3A_64 = tpu.memref_slice %arg5[%add3A_53] : memref<323584xi32, #tpu.memory_space<hbm>> -> memref<64xi32, #tpu.memory_space<hbm>>
    %dma_start3A_65 = tpu.memref_slice %arg15[%dma_start3A_56] : memref<6x!tpu.dma_semaphore, #tpu.memory_space<semaphore_mem>> -> memref<1x!tpu.dma_semaphore, #tpu.memory_space<semaphore_mem>>
    %dma_start3A_66 = tpu.memref_squeeze %dma_start3A_65 : memref<1x!tpu.dma_semaphore, #tpu.memory_space<semaphore_mem>> -> memref<!tpu.dma_semaphore, #tpu.memory_space<semaphore_mem>>
    %dma_start3A_67 = arith.constant 0 : i32
    %dma_start3A_68 = arith.constant 0 : i32
    %dma_start3A_69 = tpu.memref_slice %arg9[%dma_start3A_54, %dma_start3A_67, %dma_start3A_68] : memref<6x2x64xi32, #tpu.memory_space<vmem>> -> memref<1x2x64xi32, #tpu.memory_space<vmem>>
    %dma_start3A_70 = tpu.memref_squeeze %dma_start3A_69 : memref<1x2x64xi32, #tpu.memory_space<vmem>> -> memref<2x64xi32, #tpu.memory_space<vmem>>
    %dma_start3A_71 = arith.constant 0 : i32
    %dma_start3A_72 = tpu.memref_slice %dma_start3A_70[%dma_start3A_55, %dma_start3A_71] : memref<2x64xi32, #tpu.memory_space<vmem>> -> memref<1x64xi32, #tpu.memory_space<vmem>>
    %dma_start3A_73 = tpu.memref_squeeze %dma_start3A_72 : memref<1x64xi32, #tpu.memory_space<vmem>> -> memref<64xi32, #tpu.memory_space<vmem>>
    %dma_start3A_74 = tpu.memref_slice %arg5[%add3A_53] : memref<323584xi32, #tpu.memory_space<hbm>> -> memref<64xi32, #tpu.memory_space<hbm>>
    tpu.enqueue_dma source(%dma_start3A_74 : memref<64xi32, #tpu.memory_space<hbm>>) target(%dma_start3A_73 : memref<64xi32, #tpu.memory_space<vmem>>) target_semaphore(%dma_start3A_66 : memref<!tpu.dma_semaphore, #tpu.memory_space<semaphore_mem>>)
    %dma_start3A_75 = arith.constant 1 : i32
    %dma_start3A_76 = arith.constant 1 : i32
    %dma_start3A_77 = arith.constant 1 : i32
    %dma_start3A_78 = arith.constant 0 : i32
    %dma_start3A_79 = arith.constant 0 : i32
    %dma_start3A_80 = tpu.memref_slice %arg9[%dma_start3A_75, %dma_start3A_78, %dma_start3A_79] : memref<6x2x64xi32, #tpu.memory_space<vmem>> -> memref<1x2x64xi32, #tpu.memory_space<vmem>>
    %dma_start3A_81 = tpu.memref_squeeze %dma_start3A_80 : memref<1x2x64xi32, #tpu.memory_space<vmem>> -> memref<2x64xi32, #tpu.memory_space<vmem>>
    %dma_start3A_82 = arith.constant 0 : i32
    %dma_start3A_83 = tpu.memref_slice %dma_start3A_81[%dma_start3A_76, %dma_start3A_82] : memref<2x64xi32, #tpu.memory_space<vmem>> -> memref<1x64xi32, #tpu.memory_space<vmem>>
    %dma_start3A_84 = tpu.memref_squeeze %dma_start3A_83 : memref<1x64xi32, #tpu.memory_space<vmem>> -> memref<64xi32, #tpu.memory_space<vmem>>
    %dma_start3A_85 = tpu.memref_slice %arg6[%add3A_53] : memref<323584xi32, #tpu.memory_space<hbm>> -> memref<64xi32, #tpu.memory_space<hbm>>
    %dma_start3A_86 = tpu.memref_slice %arg15[%dma_start3A_77] : memref<6x!tpu.dma_semaphore, #tpu.memory_space<semaphore_mem>> -> memref<1x!tpu.dma_semaphore, #tpu.memory_space<semaphore_mem>>
    %dma_start3A_87 = tpu.memref_squeeze %dma_start3A_86 : memref<1x!tpu.dma_semaphore, #tpu.memory_space<semaphore_mem>> -> memref<!tpu.dma_semaphore, #tpu.memory_space<semaphore_mem>>
    %dma_start3A_88 = arith.constant 0 : i32
    %dma_start3A_89 = arith.constant 0 : i32
    %dma_start3A_90 = tpu.memref_slice %arg9[%dma_start3A_75, %dma_start3A_88, %dma_start3A_89] : memref<6x2x64xi32, #tpu.memory_space<vmem>> -> memref<1x2x64xi32, #tpu.memory_space<vmem>>
    %dma_start3A_91 = tpu.memref_squeeze %dma_start3A_90 : memref<1x2x64xi32, #tpu.memory_space<vmem>> -> memref<2x64xi32, #tpu.memory_space<vmem>>
    %dma_start3A_92 = arith.constant 0 : i32
    %dma_start3A_93 = tpu.memref_slice %dma_start3A_91[%dma_start3A_76, %dma_start3A_92] : memref<2x64xi32, #tpu.memory_space<vmem>> -> memref<1x64xi32, #tpu.memory_space<vmem>>
    %dma_start3A_94 = tpu.memref_squeeze %dma_start3A_93 : memref<1x64xi32, #tpu.memory_space<vmem>> -> memref<64xi32, #tpu.memory_space<vmem>>
    %dma_start3A_95 = tpu.memref_slice %arg6[%add3A_53] : memref<323584xi32, #tpu.memory_space<hbm>> -> memref<64xi32, #tpu.memory_space<hbm>>
    tpu.enqueue_dma source(%dma_start3A_95 : memref<64xi32, #tpu.memory_space<hbm>>) target(%dma_start3A_94 : memref<64xi32, #tpu.memory_space<vmem>>) target_semaphore(%dma_start3A_87 : memref<!tpu.dma_semaphore, #tpu.memory_space<semaphore_mem>>)
    %add3A_96 = arith.constant 128 : i32
    %add3A_97 = arith.addi %mul3A_2, %add3A_96 : i32
    %dma_start3A_98 = arith.constant 2 : i32
    %dma_start3A_99 = arith.constant 0 : i32
    %dma_start3A_100 = arith.constant 2 : i32
    %dma_start3A_101 = arith.constant 0 : i32
    %dma_start3A_102 = arith.constant 0 : i32
    %dma_start3A_103 = tpu.memref_slice %arg9[%dma_start3A_98, %dma_start3A_101, %dma_start3A_102] : memref<6x2x64xi32, #tpu.memory_space<vmem>> -> memref<1x2x64xi32, #tpu.memory_space<vmem>>
    %dma_start3A_104 = tpu.memref_squeeze %dma_start3A_103 : memref<1x2x64xi32, #tpu.memory_space<vmem>> -> memref<2x64xi32, #tpu.memory_space<vmem>>
    %dma_start3A_105 = arith.constant 0 : i32
    %dma_start3A_106 = tpu.memref_slice %dma_start3A_104[%dma_start3A_99, %dma_start3A_105] : memref<2x64xi32, #tpu.memory_space<vmem>> -> memref<1x64xi32, #tpu.memory_space<vmem>>
    %dma_start3A_107 = tpu.memref_squeeze %dma_start3A_106 : memref<1x64xi32, #tpu.memory_space<vmem>> -> memref<64xi32, #tpu.memory_space<vmem>>
    %dma_start3A_108 = tpu.memref_slice %arg5[%add3A_97] : memref<323584xi32, #tpu.memory_space<hbm>> -> memref<64xi32, #tpu.memory_space<hbm>>
    %dma_start3A_109 = tpu.memref_slice %arg15[%dma_start3A_100] : memref<6x!tpu.dma_semaphore, #tpu.memory_space<semaphore_mem>> -> memref<1x!tpu.dma_semaphore, #tpu.memory_space<semaphore_mem>>
    %dma_start3A_110 = tpu.memref_squeeze %dma_start3A_109 : memref<1x!tpu.dma_semaphore, #tpu.memory_space<semaphore_mem>> -> memref<!tpu.dma_semaphore, #tpu.memory_space<semaphore_mem>>
    %dma_start3A_111 = arith.constant 0 : i32
    %dma_start3A_112 = arith.constant 0 : i32
    %dma_start3A_113 = tpu.memref_slice %arg9[%dma_start3A_98, %dma_start3A_111, %dma_start3A_112] : memref<6x2x64xi32, #tpu.memory_space<vmem>> -> memref<1x2x64xi32, #tpu.memory_space<vmem>>
    %dma_start3A_114 = tpu.memref_squeeze %dma_start3A_113 : memref<1x2x64xi32, #tpu.memory_space<vmem>> -> memref<2x64xi32, #tpu.memory_space<vmem>>
    %dma_start3A_115 = arith.constant 0 : i32
    %dma_start3A_116 = tpu.memref_slice %dma_start3A_114[%dma_start3A_99, %dma_start3A_115] : memref<2x64xi32, #tpu.memory_space<vmem>> -> memref<1x64xi32, #tpu.memory_space<vmem>>
    %dma_start3A_117 = tpu.memref_squeeze %dma_start3A_116 : memref<1x64xi32, #tpu.memory_space<vmem>> -> memref<64xi32, #tpu.memory_space<vmem>>
    %dma_start3A_118 = tpu.memref_slice %arg5[%add3A_97] : memref<323584xi32, #tpu.memory_space<hbm>> -> memref<64xi32, #tpu.memory_space<hbm>>
    tpu.enqueue_dma source(%dma_start3A_118 : memref<64xi32, #tpu.memory_space<hbm>>) target(%dma_start3A_117 : memref<64xi32, #tpu.memory_space<vmem>>) target_semaphore(%dma_start3A_110 : memref<!tpu.dma_semaphore, #tpu.memory_space<semaphore_mem>>)
    %dma_start3A_119 = arith.constant 2 : i32
    %dma_start3A_120 = arith.constant 1 : i32
    %dma_start3A_121 = arith.constant 2 : i32
    %dma_start3A_122 = arith.constant 0 : i32
    %dma_start3A_123 = arith.constant 0 : i32
    %dma_start3A_124 = tpu.memref_slice %arg9[%dma_start3A_119, %dma_start3A_122, %dma_start3A_123] : memref<6x2x64xi32, #tpu.memory_space<vmem>> -> memref<1x2x64xi32, #tpu.memory_space<vmem>>
    %dma_start3A_125 = tpu.memref_squeeze %dma_start3A_124 : memref<1x2x64xi32, #tpu.memory_space<vmem>> -> memref<2x64xi32, #tpu.memory_space<vmem>>
    %dma_start3A_126 = arith.constant 0 : i32
    %dma_start3A_127 = tpu.memref_slice %dma_start3A_125[%dma_start3A_120, %dma_start3A_126] : memref<2x64xi32, #tpu.memory_space<vmem>> -> memref<1x64xi32, #tpu.memory_space<vmem>>
    %dma_start3A_128 = tpu.memref_squeeze %dma_start3A_127 : memref<1x64xi32, #tpu.memory_space<vmem>> -> memref<64xi32, #tpu.memory_space<vmem>>
    %dma_start3A_129 = tpu.memref_slice %arg6[%add3A_97] : memref<323584xi32, #tpu.memory_space<hbm>> -> memref<64xi32, #tpu.memory_space<hbm>>
    %dma_start3A_130 = tpu.memref_slice %arg15[%dma_start3A_121] : memref<6x!tpu.dma_semaphore, #tpu.memory_space<semaphore_mem>> -> memref<1x!tpu.dma_semaphore, #tpu.memory_space<semaphore_mem>>
    %dma_start3A_131 = tpu.memref_squeeze %dma_start3A_130 : memref<1x!tpu.dma_semaphore, #tpu.memory_space<semaphore_mem>> -> memref<!tpu.dma_semaphore, #tpu.memory_space<semaphore_mem>>
    %dma_start3A_132 = arith.constant 0 : i32
    %dma_start3A_133 = arith.constant 0 : i32
    %dma_start3A_134 = tpu.memref_slice %arg9[%dma_start3A_119, %dma_start3A_132, %dma_start3A_133] : memref<6x2x64xi32, #tpu.memory_space<vmem>> -> memref<1x2x64xi32, #tpu.memory_space<vmem>>
    %dma_start3A_135 = tpu.memref_squeeze %dma_start3A_134 : memref<1x2x64xi32, #tpu.memory_space<vmem>> -> memref<2x64xi32, #tpu.memory_space<vmem>>
    %dma_start3A_136 = arith.constant 0 : i32
    %dma_start3A_137 = tpu.memref_slice %dma_start3A_135[%dma_start3A_120, %dma_start3A_136] : memref<2x64xi32, #tpu.memory_space<vmem>> -> memref<1x64xi32, #tpu.memory_space<vmem>>
    %dma_start3A_138 = tpu.memref_squeeze %dma_start3A_137 : memref<1x64xi32, #tpu.memory_space<vmem>> -> memref<64xi32, #tpu.memory_space<vmem>>
    %dma_start3A_139 = tpu.memref_slice %arg6[%add3A_97] : memref<323584xi32, #tpu.memory_space<hbm>> -> memref<64xi32, #tpu.memory_space<hbm>>
    tpu.enqueue_dma source(%dma_start3A_139 : memref<64xi32, #tpu.memory_space<hbm>>) target(%dma_start3A_138 : memref<64xi32, #tpu.memory_space<vmem>>) target_semaphore(%dma_start3A_131 : memref<!tpu.dma_semaphore, #tpu.memory_space<semaphore_mem>>)
    %add3A_140 = arith.constant 0 : i32
    %add3A_141 = arith.addi %mul3A_2, %add3A_140 : i32
    %dma_wait3A = arith.constant 0 : i32
    %dma_wait3A_142 = arith.constant 0 : i32
    %dma_wait3A_143 = arith.constant 0 : i32
    %dma_wait3A_144 = arith.constant 0 : i32
    %dma_wait3A_145 = arith.constant 0 : i32
    %dma_wait3A_146 = tpu.memref_slice %arg9[%dma_wait3A, %dma_wait3A_144, %dma_wait3A_145] : memref<6x2x64xi32, #tpu.memory_space<vmem>> -> memref<1x2x64xi32, #tpu.memory_space<vmem>>
    %dma_wait3A_147 = tpu.memref_squeeze %dma_wait3A_146 : memref<1x2x64xi32, #tpu.memory_space<vmem>> -> memref<2x64xi32, #tpu.memory_space<vmem>>
    %dma_wait3A_148 = arith.constant 0 : i32
    %dma_wait3A_149 = tpu.memref_slice %dma_wait3A_147[%dma_wait3A_142, %dma_wait3A_148] : memref<2x64xi32, #tpu.memory_space<vmem>> -> memref<1x64xi32, #tpu.memory_space<vmem>>
    %dma_wait3A_150 = tpu.memref_squeeze %dma_wait3A_149 : memref<1x64xi32, #tpu.memory_space<vmem>> -> memref<64xi32, #tpu.memory_space<vmem>>
    %dma_wait3A_151 = tpu.memref_slice %arg5[%add3A_141] : memref<323584xi32, #tpu.memory_space<hbm>> -> memref<64xi32, #tpu.memory_space<hbm>>
    %dma_wait3A_152 = tpu.memref_slice %arg15[%dma_wait3A_143] : memref<6x!tpu.dma_semaphore, #tpu.memory_space<semaphore_mem>> -> memref<1x!tpu.dma_semaphore, #tpu.memory_space<semaphore_mem>>
    %dma_wait3A_153 = tpu.memref_squeeze %dma_wait3A_152 : memref<1x!tpu.dma_semaphore, #tpu.memory_space<semaphore_mem>> -> memref<!tpu.dma_semaphore, #tpu.memory_space<semaphore_mem>>
    %dma_wait3A_154 = arith.constant 0 : i32
    %dma_wait3A_155 = arith.constant 0 : i32
    %dma_wait3A_156 = tpu.memref_slice %arg9[%dma_wait3A, %dma_wait3A_154, %dma_wait3A_155] : memref<6x2x64xi32, #tpu.memory_space<vmem>> -> memref<1x2x64xi32, #tpu.memory_space<vmem>>
    %dma_wait3A_157 = tpu.memref_squeeze %dma_wait3A_156 : memref<1x2x64xi32, #tpu.memory_space<vmem>> -> memref<2x64xi32, #tpu.memory_space<vmem>>
    %dma_wait3A_158 = arith.constant 0 : i32
    %dma_wait3A_159 = tpu.memref_slice %dma_wait3A_157[%dma_wait3A_142, %dma_wait3A_158] : memref<2x64xi32, #tpu.memory_space<vmem>> -> memref<1x64xi32, #tpu.memory_space<vmem>>
    %dma_wait3A_160 = tpu.memref_squeeze %dma_wait3A_159 : memref<1x64xi32, #tpu.memory_space<vmem>> -> memref<64xi32, #tpu.memory_space<vmem>>
    %dma_wait3A_161 = tpu.memref_slice %arg5[%add3A_141] : memref<323584xi32, #tpu.memory_space<hbm>> -> memref<64xi32, #tpu.memory_space<hbm>>
    tpu.wait_dma2 semaphore(%dma_wait3A_153 : memref<!tpu.dma_semaphore, #tpu.memory_space<semaphore_mem>>) src(%dma_wait3A_161 : memref<64xi32, #tpu.memory_space<hbm>>) dst(%dma_wait3A_160 : memref<64xi32, #tpu.memory_space<vmem>>)
    %dma_wait3A_162 = arith.constant 0 : i32
    %dma_wait3A_163 = arith.constant 1 : i32
    %dma_wait3A_164 = arith.constant 0 : i32
    %dma_wait3A_165 = arith.constant 0 : i32
    %dma_wait3A_166 = arith.constant 0 : i32
    %dma_wait3A_167 = tpu.memref_slice %arg9[%dma_wait3A_162, %dma_wait3A_165, %dma_wait3A_166] : memref<6x2x64xi32, #tpu.memory_space<vmem>> -> memref<1x2x64xi32, #tpu.memory_space<vmem>>
    %dma_wait3A_168 = tpu.memref_squeeze %dma_wait3A_167 : memref<1x2x64xi32, #tpu.memory_space<vmem>> -> memref<2x64xi32, #tpu.memory_space<vmem>>
    %dma_wait3A_169 = arith.constant 0 : i32
    %dma_wait3A_170 = tpu.memref_slice %dma_wait3A_168[%dma_wait3A_163, %dma_wait3A_169] : memref<2x64xi32, #tpu.memory_space<vmem>> -> memref<1x64xi32, #tpu.memory_space<vmem>>
    %dma_wait3A_171 = tpu.memref_squeeze %dma_wait3A_170 : memref<1x64xi32, #tpu.memory_space<vmem>> -> memref<64xi32, #tpu.memory_space<vmem>>
    %dma_wait3A_172 = tpu.memref_slice %arg6[%add3A_141] : memref<323584xi32, #tpu.memory_space<hbm>> -> memref<64xi32, #tpu.memory_space<hbm>>
    %dma_wait3A_173 = tpu.memref_slice %arg15[%dma_wait3A_164] : memref<6x!tpu.dma_semaphore, #tpu.memory_space<semaphore_mem>> -> memref<1x!tpu.dma_semaphore, #tpu.memory_space<semaphore_mem>>
    %dma_wait3A_174 = tpu.memref_squeeze %dma_wait3A_173 : memref<1x!tpu.dma_semaphore, #tpu.memory_space<semaphore_mem>> -> memref<!tpu.dma_semaphore, #tpu.memory_space<semaphore_mem>>
    %dma_wait3A_175 = arith.constant 0 : i32
    %dma_wait3A_176 = arith.constant 0 : i32
    %dma_wait3A_177 = tpu.memref_slice %arg9[%dma_wait3A_162, %dma_wait3A_175, %dma_wait3A_176] : memref<6x2x64xi32, #tpu.memory_space<vmem>> -> memref<1x2x64xi32, #tpu.memory_space<vmem>>
    %dma_wait3A_178 = tpu.memref_squeeze %dma_wait3A_177 : memref<1x2x64xi32, #tpu.memory_space<vmem>> -> memref<2x64xi32, #tpu.memory_space<vmem>>
    %dma_wait3A_179 = arith.constant 0 : i32
    %dma_wait3A_180 = tpu.memref_slice %dma_wait3A_178[%dma_wait3A_163, %dma_wait3A_179] : memref<2x64xi32, #tpu.memory_space<vmem>> -> memref<1x64xi32, #tpu.memory_space<vmem>>
    %dma_wait3A_181 = tpu.memref_squeeze %dma_wait3A_180 : memref<1x64xi32, #tpu.memory_space<vmem>> -> memref<64xi32, #tpu.memory_space<vmem>>
    %dma_wait3A_182 = tpu.memref_slice %arg6[%add3A_141] : memref<323584xi32, #tpu.memory_space<hbm>> -> memref<64xi32, #tpu.memory_space<hbm>>
    tpu.wait_dma2 semaphore(%dma_wait3A_174 : memref<!tpu.dma_semaphore, #tpu.memory_space<semaphore_mem>>) src(%dma_wait3A_182 : memref<64xi32, #tpu.memory_space<hbm>>) dst(%dma_wait3A_181 : memref<64xi32, #tpu.memory_space<vmem>>)
    %add3A_183 = arith.constant 0 : i32
    %add3A_184 = arith.addi %mul3A_2, %add3A_183 : i32
    %dma_start3A_185 = arith.constant 0 : i32
    %dma_start3A_186 = arith.constant 0 : i32
    %dma_start3A_187 = arith.constant 0 : i32
    %dma_start3A_188 = arith.constant 0 : i32
    %dma_start3A_189 = arith.constant 0 : i32
    %dma_start3A_190 = arith.constant 0 : i32
    %dma_start3A_191 = tpu.memref_slice %arg10[%dma_start3A_187, %dma_start3A_189, %dma_start3A_190] : memref<2x64x128xf32, #tpu.memory_space<vmem>> -> memref<1x64x128xf32, #tpu.memory_space<vmem>>
    %dma_start3A_192 = tpu.memref_squeeze %dma_start3A_191 : memref<1x64x128xf32, #tpu.memory_space<vmem>> -> memref<64x128xf32, #tpu.memory_space<vmem>>
    %dma_start3A_193 = arith.constant 0 : i32
    %dma_start3A_194 = arith.constant 0 : i32
    %dma_start3A_195 = tpu.memref_slice %arg9[%dma_start3A_185, %dma_start3A_193, %dma_start3A_194] : memref<6x2x64xi32, #tpu.memory_space<vmem>> -> memref<1x2x64xi32, #tpu.memory_space<vmem>>
    %dma_start3A_196 = tpu.memref_squeeze %dma_start3A_195 : memref<1x2x64xi32, #tpu.memory_space<vmem>> -> memref<2x64xi32, #tpu.memory_space<vmem>>
    %dma_start3A_197 = arith.constant 0 : i32
    %dma_start3A_198 = tpu.memref_slice %dma_start3A_196[%dma_start3A_186, %dma_start3A_197] : memref<2x64xi32, #tpu.memory_space<vmem>> -> memref<1x64xi32, #tpu.memory_space<vmem>>
    %dma_start3A_199 = tpu.memref_squeeze %dma_start3A_198 : memref<1x64xi32, #tpu.memory_space<vmem>> -> memref<64xi32, #tpu.memory_space<vmem>>
    %dma_start3A_200 = arith.constant 0 : i32
    %dma_start3A_201 = arith.constant 0 : i32
    %dma_start3A_202 = tpu.memref_slice %arg2[%dma_start3A_200, %dma_start3A_201] : memref<10000x128xf32, #tpu.memory_space<hbm>> -> memref<10000x128xf32, #tpu.memory_space<hbm>>
    %dma_start3A_203 = tpu.memref_slice %arg16[%dma_start3A_188] : memref<2x!tpu.dma_semaphore, #tpu.memory_space<semaphore_mem>> -> memref<1x!tpu.dma_semaphore, #tpu.memory_space<semaphore_mem>>
    %dma_start3A_204 = tpu.memref_squeeze %dma_start3A_203 : memref<1x!tpu.dma_semaphore, #tpu.memory_space<semaphore_mem>> -> memref<!tpu.dma_semaphore, #tpu.memory_space<semaphore_mem>>
    tpu.enqueue_indirect_dma source(%dma_start3A_202 : memref<10000x128xf32, #tpu.memory_space<hbm>>) target(%dma_start3A_192 : memref<64x128xf32, #tpu.memory_space<vmem>>) offsets(%dma_start3A_199 : memref<64xi32, #tpu.memory_space<vmem>>) semaphore(%dma_start3A_204 : memref<!tpu.dma_semaphore, #tpu.memory_space<semaphore_mem>>)
    %dma_start3A_205 = arith.constant 0 : i32
    %dma_start3A_206 = arith.constant 0 : i32
    %dma_start3A_207 = arith.constant 0 : i32
    %dma_start3A_208 = arith.constant 0 : i32
    %dma_start3A_209 = tpu.memref_slice %arg12[%dma_start3A_205, %dma_start3A_207, %dma_start3A_208] : memref<2x64x128xf32, #tpu.memory_space<vmem>> -> memref<1x64x128xf32, #tpu.memory_space<vmem>>
    %dma_start3A_210 = tpu.memref_squeeze %dma_start3A_209 : memref<1x64x128xf32, #tpu.memory_space<vmem>> -> memref<64x128xf32, #tpu.memory_space<vmem>>
    %dma_start3A_211 = arith.constant 0 : i32
    %dma_start3A_212 = tpu.memref_slice %arg3[%add3A_184, %dma_start3A_211] : memref<323584x128xf32, #tpu.memory_space<hbm>> -> memref<64x128xf32, #tpu.memory_space<hbm>>
    %dma_start3A_213 = tpu.memref_slice %arg17[%dma_start3A_206] : memref<2x!tpu.dma_semaphore, #tpu.memory_space<semaphore_mem>> -> memref<1x!tpu.dma_semaphore, #tpu.memory_space<semaphore_mem>>
    %dma_start3A_214 = tpu.memref_squeeze %dma_start3A_213 : memref<1x!tpu.dma_semaphore, #tpu.memory_space<semaphore_mem>> -> memref<!tpu.dma_semaphore, #tpu.memory_space<semaphore_mem>>
    %dma_start3A_215 = arith.constant 0 : i32
    %dma_start3A_216 = arith.constant 0 : i32
    %dma_start3A_217 = tpu.memref_slice %arg12[%dma_start3A_205, %dma_start3A_215, %dma_start3A_216] : memref<2x64x128xf32, #tpu.memory_space<vmem>> -> memref<1x64x128xf32, #tpu.memory_space<vmem>>
    %dma_start3A_218 = tpu.memref_squeeze %dma_start3A_217 : memref<1x64x128xf32, #tpu.memory_space<vmem>> -> memref<64x128xf32, #tpu.memory_space<vmem>>
    %dma_start3A_219 = arith.constant 0 : i32
    %dma_start3A_220 = tpu.memref_slice %arg3[%add3A_184, %dma_start3A_219] : memref<323584x128xf32, #tpu.memory_space<hbm>> -> memref<64x128xf32, #tpu.memory_space<hbm>>
    tpu.enqueue_dma source(%dma_start3A_220 : memref<64x128xf32, #tpu.memory_space<hbm>>) target(%dma_start3A_218 : memref<64x128xf32, #tpu.memory_space<vmem>>) target_semaphore(%dma_start3A_214 : memref<!tpu.dma_semaphore, #tpu.memory_space<semaphore_mem>>)
    %dma_start3A_221 = arith.constant 0 : i32
    %dma_start3A_222 = arith.constant 0 : i32
    %dma_start3A_223 = arith.constant 0 : i32
    %dma_start3A_224 = tpu.memref_slice %arg13[%dma_start3A_221, %dma_start3A_223] : memref<2x80xf32, #tpu.memory_space<vmem>> -> memref<1x80xf32, #tpu.memory_space<vmem>>
    %dma_start3A_225 = tpu.memref_squeeze %dma_start3A_224 : memref<1x80xf32, #tpu.memory_space<vmem>> -> memref<80xf32, #tpu.memory_space<vmem>>
    %dma_start3A_226 = arith.constant 0 : i32
    %dma_start3A_227 = tpu.memref_slice %dma_start3A_225[%dma_start3A_226] : memref<80xf32, #tpu.memory_space<vmem>> -> memref<64xf32, #tpu.memory_space<vmem>>
    %dma_start3A_228 = tpu.memref_slice %arg4[%add3A_184] : memref<323584xf32, #tpu.memory_space<hbm>> -> memref<64xf32, #tpu.memory_space<hbm>>
    %dma_start3A_229 = tpu.memref_slice %arg18[%dma_start3A_222] : memref<2x!tpu.dma_semaphore, #tpu.memory_space<semaphore_mem>> -> memref<1x!tpu.dma_semaphore, #tpu.memory_space<semaphore_mem>>
    %dma_start3A_230 = tpu.memref_squeeze %dma_start3A_229 : memref<1x!tpu.dma_semaphore, #tpu.memory_space<semaphore_mem>> -> memref<!tpu.dma_semaphore, #tpu.memory_space<semaphore_mem>>
    %dma_start3A_231 = arith.constant 0 : i32
    %dma_start3A_232 = tpu.memref_slice %arg13[%dma_start3A_221, %dma_start3A_231] : memref<2x80xf32, #tpu.memory_space<vmem>> -> memref<1x80xf32, #tpu.memory_space<vmem>>
    %dma_start3A_233 = tpu.memref_squeeze %dma_start3A_232 : memref<1x80xf32, #tpu.memory_space<vmem>> -> memref<80xf32, #tpu.memory_space<vmem>>
    %dma_start3A_234 = arith.constant 0 : i32
    %dma_start3A_235 = tpu.memref_slice %dma_start3A_233[%dma_start3A_234] : memref<80xf32, #tpu.memory_space<vmem>> -> memref<64xf32, #tpu.memory_space<vmem>>
    %dma_start3A_236 = tpu.memref_slice %arg4[%add3A_184] : memref<323584xf32, #tpu.memory_space<hbm>> -> memref<64xf32, #tpu.memory_space<hbm>>
    tpu.enqueue_dma source(%dma_start3A_236 : memref<64xf32, #tpu.memory_space<hbm>>) target(%dma_start3A_235 : memref<64xf32, #tpu.memory_space<vmem>>) target_semaphore(%dma_start3A_230 : memref<!tpu.dma_semaphore, #tpu.memory_space<semaphore_mem>>)
    %add3A_237 = arith.constant 64 : i32
    %add3A_238 = arith.addi %mul3A_2, %add3A_237 : i32
    %dma_wait3A_239 = arith.constant 1 : i32
    %dma_wait3A_240 = arith.constant 0 : i32
    %dma_wait3A_241 = arith.constant 1 : i32
    %dma_wait3A_242 = arith.constant 0 : i32
    %dma_wait3A_243 = arith.constant 0 : i32
    %dma_wait3A_244 = tpu.memref_slice %arg9[%dma_wait3A_239, %dma_wait3A_242, %dma_wait3A_243] : memref<6x2x64xi32, #tpu.memory_space<vmem>> -> memref<1x2x64xi32, #tpu.memory_space<vmem>>
    %dma_wait3A_245 = tpu.memref_squeeze %dma_wait3A_244 : memref<1x2x64xi32, #tpu.memory_space<vmem>> -> memref<2x64xi32, #tpu.memory_space<vmem>>
    %dma_wait3A_246 = arith.constant 0 : i32
    %dma_wait3A_247 = tpu.memref_slice %dma_wait3A_245[%dma_wait3A_240, %dma_wait3A_246] : memref<2x64xi32, #tpu.memory_space<vmem>> -> memref<1x64xi32, #tpu.memory_space<vmem>>
    %dma_wait3A_248 = tpu.memref_squeeze %dma_wait3A_247 : memref<1x64xi32, #tpu.memory_space<vmem>> -> memref<64xi32, #tpu.memory_space<vmem>>
    %dma_wait3A_249 = tpu.memref_slice %arg5[%add3A_238] : memref<323584xi32, #tpu.memory_space<hbm>> -> memref<64xi32, #tpu.memory_space<hbm>>
    %dma_wait3A_250 = tpu.memref_slice %arg15[%dma_wait3A_241] : memref<6x!tpu.dma_semaphore, #tpu.memory_space<semaphore_mem>> -> memref<1x!tpu.dma_semaphore, #tpu.memory_space<semaphore_mem>>
    %dma_wait3A_251 = tpu.memref_squeeze %dma_wait3A_250 : memref<1x!tpu.dma_semaphore, #tpu.memory_space<semaphore_mem>> -> memref<!tpu.dma_semaphore, #tpu.memory_space<semaphore_mem>>
    %dma_wait3A_252 = arith.constant 0 : i32
    %dma_wait3A_253 = arith.constant 0 : i32
    %dma_wait3A_254 = tpu.memref_slice %arg9[%dma_wait3A_239, %dma_wait3A_252, %dma_wait3A_253] : memref<6x2x64xi32, #tpu.memory_space<vmem>> -> memref<1x2x64xi32, #tpu.memory_space<vmem>>
    %dma_wait3A_255 = tpu.memref_squeeze %dma_wait3A_254 : memref<1x2x64xi32, #tpu.memory_space<vmem>> -> memref<2x64xi32, #tpu.memory_space<vmem>>
    %dma_wait3A_256 = arith.constant 0 : i32
    %dma_wait3A_257 = tpu.memref_slice %dma_wait3A_255[%dma_wait3A_240, %dma_wait3A_256] : memref<2x64xi32, #tpu.memory_space<vmem>> -> memref<1x64xi32, #tpu.memory_space<vmem>>
    %dma_wait3A_258 = tpu.memref_squeeze %dma_wait3A_257 : memref<1x64xi32, #tpu.memory_space<vmem>> -> memref<64xi32, #tpu.memory_space<vmem>>
    %dma_wait3A_259 = tpu.memref_slice %arg5[%add3A_238] : memref<323584xi32, #tpu.memory_space<hbm>> -> memref<64xi32, #tpu.memory_space<hbm>>
    tpu.wait_dma2 semaphore(%dma_wait3A_251 : memref<!tpu.dma_semaphore, #tpu.memory_space<semaphore_mem>>) src(%dma_wait3A_259 : memref<64xi32, #tpu.memory_space<hbm>>) dst(%dma_wait3A_258 : memref<64xi32, #tpu.memory_space<vmem>>)
    %dma_wait3A_260 = arith.constant 1 : i32
    %dma_wait3A_261 = arith.constant 1 : i32
    %dma_wait3A_262 = arith.constant 1 : i32
    %dma_wait3A_263 = arith.constant 0 : i32
    %dma_wait3A_264 = arith.constant 0 : i32
    %dma_wait3A_265 = tpu.memref_slice %arg9[%dma_wait3A_260, %dma_wait3A_263, %dma_wait3A_264] : memref<6x2x64xi32, #tpu.memory_space<vmem>> -> memref<1x2x64xi32, #tpu.memory_space<vmem>>
    %dma_wait3A_266 = tpu.memref_squeeze %dma_wait3A_265 : memref<1x2x64xi32, #tpu.memory_space<vmem>> -> memref<2x64xi32, #tpu.memory_space<vmem>>
    %dma_wait3A_267 = arith.constant 0 : i32
    %dma_wait3A_268 = tpu.memref_slice %dma_wait3A_266[%dma_wait3A_261, %dma_wait3A_267] : memref<2x64xi32, #tpu.memory_space<vmem>> -> memref<1x64xi32, #tpu.memory_space<vmem>>
    %dma_wait3A_269 = tpu.memref_squeeze %dma_wait3A_268 : memref<1x64xi32, #tpu.memory_space<vmem>> -> memref<64xi32, #tpu.memory_space<vmem>>
    %dma_wait3A_270 = tpu.memref_slice %arg6[%add3A_238] : memref<323584xi32, #tpu.memory_space<hbm>> -> memref<64xi32, #tpu.memory_space<hbm>>
    %dma_wait3A_271 = tpu.memref_slice %arg15[%dma_wait3A_262] : memref<6x!tpu.dma_semaphore, #tpu.memory_space<semaphore_mem>> -> memref<1x!tpu.dma_semaphore, #tpu.memory_space<semaphore_mem>>
    %dma_wait3A_272 = tpu.memref_squeeze %dma_wait3A_271 : memref<1x!tpu.dma_semaphore, #tpu.memory_space<semaphore_mem>> -> memref<!tpu.dma_semaphore, #tpu.memory_space<semaphore_mem>>
    %dma_wait3A_273 = arith.constant 0 : i32
    %dma_wait3A_274 = arith.constant 0 : i32
    %dma_wait3A_275 = tpu.memref_slice %arg9[%dma_wait3A_260, %dma_wait3A_273, %dma_wait3A_274] : memref<6x2x64xi32, #tpu.memory_space<vmem>> -> memref<1x2x64xi32, #tpu.memory_space<vmem>>
    %dma_wait3A_276 = tpu.memref_squeeze %dma_wait3A_275 : memref<1x2x64xi32, #tpu.memory_space<vmem>> -> memref<2x64xi32, #tpu.memory_space<vmem>>
    %dma_wait3A_277 = arith.constant 0 : i32
    %dma_wait3A_278 = tpu.memref_slice %dma_wait3A_276[%dma_wait3A_261, %dma_wait3A_277] : memref<2x64xi32, #tpu.memory_space<vmem>> -> memref<1x64xi32, #tpu.memory_space<vmem>>
    %dma_wait3A_279 = tpu.memref_squeeze %dma_wait3A_278 : memref<1x64xi32, #tpu.memory_space<vmem>> -> memref<64xi32, #tpu.memory_space<vmem>>
    %dma_wait3A_280 = tpu.memref_slice %arg6[%add3A_238] : memref<323584xi32, #tpu.memory_space<hbm>> -> memref<64xi32, #tpu.memory_space<hbm>>
    tpu.wait_dma2 semaphore(%dma_wait3A_272 : memref<!tpu.dma_semaphore, #tpu.memory_space<semaphore_mem>>) src(%dma_wait3A_280 : memref<64xi32, #tpu.memory_space<hbm>>) dst(%dma_wait3A_279 : memref<64xi32, #tpu.memory_space<vmem>>)
    %add3A_281 = arith.constant 64 : i32
    %add3A_282 = arith.addi %mul3A_2, %add3A_281 : i32
    %dma_start3A_283 = arith.constant 1 : i32
    %dma_start3A_284 = arith.constant 0 : i32
    %dma_start3A_285 = arith.constant 1 : i32
    %dma_start3A_286 = arith.constant 1 : i32
    %dma_start3A_287 = arith.constant 0 : i32
    %dma_start3A_288 = arith.constant 0 : i32
    %dma_start3A_289 = tpu.memref_slice %arg10[%dma_start3A_285, %dma_start3A_287, %dma_start3A_288] : memref<2x64x128xf32, #tpu.memory_space<vmem>> -> memref<1x64x128xf32, #tpu.memory_space<vmem>>
    %dma_start3A_290 = tpu.memref_squeeze %dma_start3A_289 : memref<1x64x128xf32, #tpu.memory_space<vmem>> -> memref<64x128xf32, #tpu.memory_space<vmem>>
    %dma_start3A_291 = arith.constant 0 : i32
    %dma_start3A_292 = arith.constant 0 : i32
    %dma_start3A_293 = tpu.memref_slice %arg9[%dma_start3A_283, %dma_start3A_291, %dma_start3A_292] : memref<6x2x64xi32, #tpu.memory_space<vmem>> -> memref<1x2x64xi32, #tpu.memory_space<vmem>>
    %dma_start3A_294 = tpu.memref_squeeze %dma_start3A_293 : memref<1x2x64xi32, #tpu.memory_space<vmem>> -> memref<2x64xi32, #tpu.memory_space<vmem>>
    %dma_start3A_295 = arith.constant 0 : i32
    %dma_start3A_296 = tpu.memref_slice %dma_start3A_294[%dma_start3A_284, %dma_start3A_295] : memref<2x64xi32, #tpu.memory_space<vmem>> -> memref<1x64xi32, #tpu.memory_space<vmem>>
    %dma_start3A_297 = tpu.memref_squeeze %dma_start3A_296 : memref<1x64xi32, #tpu.memory_space<vmem>> -> memref<64xi32, #tpu.memory_space<vmem>>
    %dma_start3A_298 = arith.constant 0 : i32
    %dma_start3A_299 = arith.constant 0 : i32
    %dma_start3A_300 = tpu.memref_slice %arg2[%dma_start3A_298, %dma_start3A_299] : memref<10000x128xf32, #tpu.memory_space<hbm>> -> memref<10000x128xf32, #tpu.memory_space<hbm>>
    %dma_start3A_301 = tpu.memref_slice %arg16[%dma_start3A_286] : memref<2x!tpu.dma_semaphore, #tpu.memory_space<semaphore_mem>> -> memref<1x!tpu.dma_semaphore, #tpu.memory_space<semaphore_mem>>
    %dma_start3A_302 = tpu.memref_squeeze %dma_start3A_301 : memref<1x!tpu.dma_semaphore, #tpu.memory_space<semaphore_mem>> -> memref<!tpu.dma_semaphore, #tpu.memory_space<semaphore_mem>>
    tpu.enqueue_indirect_dma source(%dma_start3A_300 : memref<10000x128xf32, #tpu.memory_space<hbm>>) target(%dma_start3A_290 : memref<64x128xf32, #tpu.memory_space<vmem>>) offsets(%dma_start3A_297 : memref<64xi32, #tpu.memory_space<vmem>>) semaphore(%dma_start3A_302 : memref<!tpu.dma_semaphore, #tpu.memory_space<semaphore_mem>>)
    %dma_start3A_303 = arith.constant 1 : i32
    %dma_start3A_304 = arith.constant 1 : i32
    %dma_start3A_305 = arith.constant 0 : i32
    %dma_start3A_306 = arith.constant 0 : i32
    %dma_start3A_307 = tpu.memref_slice %arg12[%dma_start3A_303, %dma_start3A_305, %dma_start3A_306] : memref<2x64x128xf32, #tpu.memory_space<vmem>> -> memref<1x64x128xf32, #tpu.memory_space<vmem>>
    %dma_start3A_308 = tpu.memref_squeeze %dma_start3A_307 : memref<1x64x128xf32, #tpu.memory_space<vmem>> -> memref<64x128xf32, #tpu.memory_space<vmem>>
    %dma_start3A_309 = arith.constant 0 : i32
    %dma_start3A_310 = tpu.memref_slice %arg3[%add3A_282, %dma_start3A_309] : memref<323584x128xf32, #tpu.memory_space<hbm>> -> memref<64x128xf32, #tpu.memory_space<hbm>>
    %dma_start3A_311 = tpu.memref_slice %arg17[%dma_start3A_304] : memref<2x!tpu.dma_semaphore, #tpu.memory_space<semaphore_mem>> -> memref<1x!tpu.dma_semaphore, #tpu.memory_space<semaphore_mem>>
    %dma_start3A_312 = tpu.memref_squeeze %dma_start3A_311 : memref<1x!tpu.dma_semaphore, #tpu.memory_space<semaphore_mem>> -> memref<!tpu.dma_semaphore, #tpu.memory_space<semaphore_mem>>
    %dma_start3A_313 = arith.constant 0 : i32
    %dma_start3A_314 = arith.constant 0 : i32
    %dma_start3A_315 = tpu.memref_slice %arg12[%dma_start3A_303, %dma_start3A_313, %dma_start3A_314] : memref<2x64x128xf32, #tpu.memory_space<vmem>> -> memref<1x64x128xf32, #tpu.memory_space<vmem>>
    %dma_start3A_316 = tpu.memref_squeeze %dma_start3A_315 : memref<1x64x128xf32, #tpu.memory_space<vmem>> -> memref<64x128xf32, #tpu.memory_space<vmem>>
    %dma_start3A_317 = arith.constant 0 : i32
    %dma_start3A_318 = tpu.memref_slice %arg3[%add3A_282, %dma_start3A_317] : memref<323584x128xf32, #tpu.memory_space<hbm>> -> memref<64x128xf32, #tpu.memory_space<hbm>>
    tpu.enqueue_dma source(%dma_start3A_318 : memref<64x128xf32, #tpu.memory_space<hbm>>) target(%dma_start3A_316 : memref<64x128xf32, #tpu.memory_space<vmem>>) target_semaphore(%dma_start3A_312 : memref<!tpu.dma_semaphore, #tpu.memory_space<semaphore_mem>>)
    %dma_start3A_319 = arith.constant 1 : i32
    %dma_start3A_320 = arith.constant 1 : i32
    %dma_start3A_321 = arith.constant 0 : i32
    %dma_start3A_322 = tpu.memref_slice %arg13[%dma_start3A_319, %dma_start3A_321] : memref<2x80xf32, #tpu.memory_space<vmem>> -> memref<1x80xf32, #tpu.memory_space<vmem>>
    %dma_start3A_323 = tpu.memref_squeeze %dma_start3A_322 : memref<1x80xf32, #tpu.memory_space<vmem>> -> memref<80xf32, #tpu.memory_space<vmem>>
    %dma_start3A_324 = arith.constant 0 : i32
    %dma_start3A_325 = tpu.memref_slice %dma_start3A_323[%dma_start3A_324] : memref<80xf32, #tpu.memory_space<vmem>> -> memref<64xf32, #tpu.memory_space<vmem>>
    %dma_start3A_326 = tpu.memref_slice %arg4[%add3A_282] : memref<323584xf32, #tpu.memory_space<hbm>> -> memref<64xf32, #tpu.memory_space<hbm>>
    %dma_start3A_327 = tpu.memref_slice %arg18[%dma_start3A_320] : memref<2x!tpu.dma_semaphore, #tpu.memory_space<semaphore_mem>> -> memref<1x!tpu.dma_semaphore, #tpu.memory_space<semaphore_mem>>
    %dma_start3A_328 = tpu.memref_squeeze %dma_start3A_327 : memref<1x!tpu.dma_semaphore, #tpu.memory_space<semaphore_mem>> -> memref<!tpu.dma_semaphore, #tpu.memory_space<semaphore_mem>>
    %dma_start3A_329 = arith.constant 0 : i32
    %dma_start3A_330 = tpu.memref_slice %arg13[%dma_start3A_319, %dma_start3A_329] : memref<2x80xf32, #tpu.memory_space<vmem>> -> memref<1x80xf32, #tpu.memory_space<vmem>>
    %dma_start3A_331 = tpu.memref_squeeze %dma_start3A_330 : memref<1x80xf32, #tpu.memory_space<vmem>> -> memref<80xf32, #tpu.memory_space<vmem>>
    %dma_start3A_332 = arith.constant 0 : i32
    %dma_start3A_333 = tpu.memref_slice %dma_start3A_331[%dma_start3A_332] : memref<80xf32, #tpu.memory_space<vmem>> -> memref<64xf32, #tpu.memory_space<vmem>>
    %dma_start3A_334 = tpu.memref_slice %arg4[%add3A_282] : memref<323584xf32, #tpu.memory_space<hbm>> -> memref<64xf32, #tpu.memory_space<hbm>>
    tpu.enqueue_dma source(%dma_start3A_334 : memref<64xf32, #tpu.memory_space<hbm>>) target(%dma_start3A_333 : memref<64xf32, #tpu.memory_space<vmem>>) target_semaphore(%dma_start3A_328 : memref<!tpu.dma_semaphore, #tpu.memory_space<semaphore_mem>>)
    %barrier3A = arith.constant 0 : index
    tpu.barrier barrier_id(%barrier3A)
    %scan3A = arith.constant 0 : i32
    %scan3A_335 = arith.constant 0 : i32
    %scan3A_336 = arith.constant 158 : i32
    %scan3A_337 = arith.addi %scan3A_335, %scan3A_336 : i32
    %scan3A_338 = arith.constant 1 : i32
    scf.for %scan3A_391 = %scan3A_335 to %scan3A_337 step %scan3A_338  : i32 {
      %mul3A_392 = arith.constant 64 : i32
      %mul3A_393 = arith.muli %scan3A_391, %mul3A_392 : i32
      %add3A_394 = arith.addi %mul3A_2, %mul3A_393 : i32
      %jit3A = arith.constant 6 : i32
      %eq3A_395 = arith.constant 0 : i32
      %eq3A_396 = arith.cmpi eq, %jit3A, %eq3A_395 : i32
      %jit3A_397 = arith.constant 1 : i32
      %select_n3A = arith.select %eq3A_396, %jit3A_397, %jit3A : i32
      %rem3A = arith.remsi %scan3A_391, %select_n3A : i32
      %ne3A = arith.constant 0 : i32
      %ne3A_398 = arith.cmpi ne, %rem3A, %ne3A : i32
      %lt3A_399 = arith.constant 0 : i32
      %lt3A_400 = arith.cmpi slt, %rem3A, %lt3A_399 : i32
      %lt3A_401 = arith.constant 0 : i32
      %lt3A_402 = arith.cmpi slt, %select_n3A, %lt3A_401 : i32
      %ne3A_403 = arith.xori %lt3A_400, %lt3A_402 : i1
      %and3A = arith.andi %ne3A_403, %ne3A_398 : i1
      %add3A_404 = arith.addi %rem3A, %select_n3A : i32
      %select_n3A_405 = arith.select %and3A, %add3A_404, %rem3A : i32
      %jit3A_406 = arith.constant 2 : i32
      %eq3A_407 = arith.constant 0 : i32
      %eq3A_408 = arith.cmpi eq, %jit3A_406, %eq3A_407 : i32
      %jit3A_409 = arith.constant 1 : i32
      %select_n3A_410 = arith.select %eq3A_408, %jit3A_409, %jit3A_406 : i32
      %rem3A_411 = arith.remsi %scan3A_391, %select_n3A_410 : i32
      %ne3A_412 = arith.constant 0 : i32
      %ne3A_413 = arith.cmpi ne, %rem3A_411, %ne3A_412 : i32
      %lt3A_414 = arith.constant 0 : i32
      %lt3A_415 = arith.cmpi slt, %rem3A_411, %lt3A_414 : i32
      %lt3A_416 = arith.constant 0 : i32
      %lt3A_417 = arith.cmpi slt, %select_n3A_410, %lt3A_416 : i32
      %ne3A_418 = arith.xori %lt3A_415, %lt3A_417 : i1
      %and3A_419 = arith.andi %ne3A_418, %ne3A_413 : i1
      %add3A_420 = arith.addi %rem3A_411, %select_n3A_410 : i32
      %select_n3A_421 = arith.select %and3A_419, %add3A_420, %rem3A_411 : i32
      %jit3A_422 = arith.constant 2 : i32
      %eq3A_423 = arith.constant 0 : i32
      %eq3A_424 = arith.cmpi eq, %jit3A_422, %eq3A_423 : i32
      %jit3A_425 = arith.constant 1 : i32
      %select_n3A_426 = arith.select %eq3A_424, %jit3A_425, %jit3A_422 : i32
      %rem3A_427 = arith.remsi %scan3A_391, %select_n3A_426 : i32
      %ne3A_428 = arith.constant 0 : i32
      %ne3A_429 = arith.cmpi ne, %rem3A_427, %ne3A_428 : i32
      %lt3A_430 = arith.constant 0 : i32
      %lt3A_431 = arith.cmpi slt, %rem3A_427, %lt3A_430 : i32
      %lt3A_432 = arith.constant 0 : i32
      %lt3A_433 = arith.cmpi slt, %select_n3A_426, %lt3A_432 : i32
      %ne3A_434 = arith.xori %lt3A_431, %lt3A_433 : i1
      %and3A_435 = arith.andi %ne3A_434, %ne3A_429 : i1
      %add3A_436 = arith.addi %rem3A_427, %select_n3A_426 : i32
      %select_n3A_437 = arith.select %and3A_435, %add3A_436, %rem3A_427 : i32
      %dma_wait3A_438 = arith.constant 0 : i32
      %dma_wait3A_439 = arith.constant 0 : i32
      %dma_wait3A_440 = arith.constant 0 : i32
      %dma_wait3A_441 = tpu.memref_slice %arg10[%select_n3A_421, %dma_wait3A_439, %dma_wait3A_440] : memref<2x64x128xf32, #tpu.memory_space<vmem>> -> memref<1x64x128xf32, #tpu.memory_space<vmem>>
      %dma_wait3A_442 = tpu.memref_squeeze %dma_wait3A_441 : memref<1x64x128xf32, #tpu.memory_space<vmem>> -> memref<64x128xf32, #tpu.memory_space<vmem>>
      %dma_wait3A_443 = arith.constant 0 : i32
      %dma_wait3A_444 = arith.constant 0 : i32
      %dma_wait3A_445 = tpu.memref_slice %arg9[%select_n3A_405, %dma_wait3A_443, %dma_wait3A_444] : memref<6x2x64xi32, #tpu.memory_space<vmem>> -> memref<1x2x64xi32, #tpu.memory_space<vmem>>
      %dma_wait3A_446 = tpu.memref_squeeze %dma_wait3A_445 : memref<1x2x64xi32, #tpu.memory_space<vmem>> -> memref<2x64xi32, #tpu.memory_space<vmem>>
      %dma_wait3A_447 = arith.constant 0 : i32
      %dma_wait3A_448 = tpu.memref_slice %dma_wait3A_446[%dma_wait3A_438, %dma_wait3A_447] : memref<2x64xi32, #tpu.memory_space<vmem>> -> memref<1x64xi32, #tpu.memory_space<vmem>>
      %dma_wait3A_449 = tpu.memref_squeeze %dma_wait3A_448 : memref<1x64xi32, #tpu.memory_space<vmem>> -> memref<64xi32, #tpu.memory_space<vmem>>
      %dma_wait3A_450 = arith.constant 0 : i32
      %dma_wait3A_451 = arith.constant 0 : i32
      %dma_wait3A_452 = tpu.memref_slice %arg2[%dma_wait3A_450, %dma_wait3A_451] : memref<10000x128xf32, #tpu.memory_space<hbm>> -> memref<10000x128xf32, #tpu.memory_space<hbm>>
      %dma_wait3A_453 = tpu.memref_slice %arg16[%select_n3A_437] : memref<2x!tpu.dma_semaphore, #tpu.memory_space<semaphore_mem>> -> memref<1x!tpu.dma_semaphore, #tpu.memory_space<semaphore_mem>>
      %dma_wait3A_454 = tpu.memref_squeeze %dma_wait3A_453 : memref<1x!tpu.dma_semaphore, #tpu.memory_space<semaphore_mem>> -> memref<!tpu.dma_semaphore, #tpu.memory_space<semaphore_mem>>
      tpu.wait_indirect_dma semaphore(%dma_wait3A_454 : memref<!tpu.dma_semaphore, #tpu.memory_space<semaphore_mem>>) src(%dma_wait3A_452 : memref<10000x128xf32, #tpu.memory_space<hbm>>) dst(%dma_wait3A_442 : memref<64x128xf32, #tpu.memory_space<vmem>>)
      %jit3A_455 = arith.constant 2 : i32
      %eq3A_456 = arith.constant 0 : i32
      %eq3A_457 = arith.cmpi eq, %jit3A_455, %eq3A_456 : i32
      %jit3A_458 = arith.constant 1 : i32
      %select_n3A_459 = arith.select %eq3A_457, %jit3A_458, %jit3A_455 : i32
      %rem3A_460 = arith.remsi %scan3A_391, %select_n3A_459 : i32
      %ne3A_461 = arith.constant 0 : i32
      %ne3A_462 = arith.cmpi ne, %rem3A_460, %ne3A_461 : i32
      %lt3A_463 = arith.constant 0 : i32
      %lt3A_464 = arith.cmpi slt, %rem3A_460, %lt3A_463 : i32
      %lt3A_465 = arith.constant 0 : i32
      %lt3A_466 = arith.cmpi slt, %select_n3A_459, %lt3A_465 : i32
      %ne3A_467 = arith.xori %lt3A_464, %lt3A_466 : i1
      %and3A_468 = arith.andi %ne3A_467, %ne3A_462 : i1
      %add3A_469 = arith.addi %rem3A_460, %select_n3A_459 : i32
      %select_n3A_470 = arith.select %and3A_468, %add3A_469, %rem3A_460 : i32
      %jit3A_471 = arith.constant 2 : i32
      %eq3A_472 = arith.constant 0 : i32
      %eq3A_473 = arith.cmpi eq, %jit3A_471, %eq3A_472 : i32
      %jit3A_474 = arith.constant 1 : i32
      %select_n3A_475 = arith.select %eq3A_473, %jit3A_474, %jit3A_471 : i32
      %rem3A_476 = arith.remsi %scan3A_391, %select_n3A_475 : i32
      %ne3A_477 = arith.constant 0 : i32
      %ne3A_478 = arith.cmpi ne, %rem3A_476, %ne3A_477 : i32
      %lt3A_479 = arith.constant 0 : i32
      %lt3A_480 = arith.cmpi slt, %rem3A_476, %lt3A_479 : i32
      %lt3A_481 = arith.constant 0 : i32
      %lt3A_482 = arith.cmpi slt, %select_n3A_475, %lt3A_481 : i32
      %ne3A_483 = arith.xori %lt3A_480, %lt3A_482 : i1
      %and3A_484 = arith.andi %ne3A_483, %ne3A_478 : i1
      %add3A_485 = arith.addi %rem3A_476, %select_n3A_475 : i32
      %select_n3A_486 = arith.select %and3A_484, %add3A_485, %rem3A_476 : i32
      %dma_wait3A_487 = arith.constant 0 : i32
      %dma_wait3A_488 = arith.constant 0 : i32
      %dma_wait3A_489 = tpu.memref_slice %arg12[%select_n3A_470, %dma_wait3A_487, %dma_wait3A_488] : memref<2x64x128xf32, #tpu.memory_space<vmem>> -> memref<1x64x128xf32, #tpu.memory_space<vmem>>
      %dma_wait3A_490 = tpu.memref_squeeze %dma_wait3A_489 : memref<1x64x128xf32, #tpu.memory_space<vmem>> -> memref<64x128xf32, #tpu.memory_space<vmem>>
      %dma_wait3A_491 = arith.constant 0 : i32
      %dma_wait3A_492 = tpu.memref_slice %arg3[%add3A_394, %dma_wait3A_491] : memref<323584x128xf32, #tpu.memory_space<hbm>> -> memref<64x128xf32, #tpu.memory_space<hbm>>
      %dma_wait3A_493 = tpu.memref_slice %arg17[%select_n3A_486] : memref<2x!tpu.dma_semaphore, #tpu.memory_space<semaphore_mem>> -> memref<1x!tpu.dma_semaphore, #tpu.memory_space<semaphore_mem>>
      %dma_wait3A_494 = tpu.memref_squeeze %dma_wait3A_493 : memref<1x!tpu.dma_semaphore, #tpu.memory_space<semaphore_mem>> -> memref<!tpu.dma_semaphore, #tpu.memory_space<semaphore_mem>>
      %dma_wait3A_495 = arith.constant 0 : i32
      %dma_wait3A_496 = arith.constant 0 : i32
      %dma_wait3A_497 = tpu.memref_slice %arg12[%select_n3A_470, %dma_wait3A_495, %dma_wait3A_496] : memref<2x64x128xf32, #tpu.memory_space<vmem>> -> memref<1x64x128xf32, #tpu.memory_space<vmem>>
      %dma_wait3A_498 = tpu.memref_squeeze %dma_wait3A_497 : memref<1x64x128xf32, #tpu.memory_space<vmem>> -> memref<64x128xf32, #tpu.memory_space<vmem>>
      %dma_wait3A_499 = arith.constant 0 : i32
      %dma_wait3A_500 = tpu.memref_slice %arg3[%add3A_394, %dma_wait3A_499] : memref<323584x128xf32, #tpu.memory_space<hbm>> -> memref<64x128xf32, #tpu.memory_space<hbm>>
      tpu.wait_dma2 semaphore(%dma_wait3A_494 : memref<!tpu.dma_semaphore, #tpu.memory_space<semaphore_mem>>) src(%dma_wait3A_500 : memref<64x128xf32, #tpu.memory_space<hbm>>) dst(%dma_wait3A_498 : memref<64x128xf32, #tpu.memory_space<vmem>>)
      %jit3A_501 = arith.constant 2 : i32
      %eq3A_502 = arith.constant 0 : i32
      %eq3A_503 = arith.cmpi eq, %jit3A_501, %eq3A_502 : i32
      %jit3A_504 = arith.constant 1 : i32
      %select_n3A_505 = arith.select %eq3A_503, %jit3A_504, %jit3A_501 : i32
      %rem3A_506 = arith.remsi %scan3A_391, %select_n3A_505 : i32
      %ne3A_507 = arith.constant 0 : i32
      %ne3A_508 = arith.cmpi ne, %rem3A_506, %ne3A_507 : i32
      %lt3A_509 = arith.constant 0 : i32
      %lt3A_510 = arith.cmpi slt, %rem3A_506, %lt3A_509 : i32
      %lt3A_511 = arith.constant 0 : i32
      %lt3A_512 = arith.cmpi slt, %select_n3A_505, %lt3A_511 : i32
      %ne3A_513 = arith.xori %lt3A_510, %lt3A_512 : i1
      %and3A_514 = arith.andi %ne3A_513, %ne3A_508 : i1
      %add3A_515 = arith.addi %rem3A_506, %select_n3A_505 : i32
      %select_n3A_516 = arith.select %and3A_514, %add3A_515, %rem3A_506 : i32
      %jit3A_517 = arith.constant 2 : i32
      %eq3A_518 = arith.constant 0 : i32
      %eq3A_519 = arith.cmpi eq, %jit3A_517, %eq3A_518 : i32
      %jit3A_520 = arith.constant 1 : i32
      %select_n3A_521 = arith.select %eq3A_519, %jit3A_520, %jit3A_517 : i32
      %rem3A_522 = arith.remsi %scan3A_391, %select_n3A_521 : i32
      %ne3A_523 = arith.constant 0 : i32
      %ne3A_524 = arith.cmpi ne, %rem3A_522, %ne3A_523 : i32
      %lt3A_525 = arith.constant 0 : i32
      %lt3A_526 = arith.cmpi slt, %rem3A_522, %lt3A_525 : i32
      %lt3A_527 = arith.constant 0 : i32
      %lt3A_528 = arith.cmpi slt, %select_n3A_521, %lt3A_527 : i32
      %ne3A_529 = arith.xori %lt3A_526, %lt3A_528 : i1
      %and3A_530 = arith.andi %ne3A_529, %ne3A_524 : i1
      %add3A_531 = arith.addi %rem3A_522, %select_n3A_521 : i32
      %select_n3A_532 = arith.select %and3A_530, %add3A_531, %rem3A_522 : i32
      %dma_wait3A_533 = arith.constant 0 : i32
      %dma_wait3A_534 = tpu.memref_slice %arg13[%select_n3A_516, %dma_wait3A_533] : memref<2x80xf32, #tpu.memory_space<vmem>> -> memref<1x80xf32, #tpu.memory_space<vmem>>
      %dma_wait3A_535 = tpu.memref_squeeze %dma_wait3A_534 : memref<1x80xf32, #tpu.memory_space<vmem>> -> memref<80xf32, #tpu.memory_space<vmem>>
      %dma_wait3A_536 = arith.constant 0 : i32
      %dma_wait3A_537 = tpu.memref_slice %dma_wait3A_535[%dma_wait3A_536] : memref<80xf32, #tpu.memory_space<vmem>> -> memref<64xf32, #tpu.memory_space<vmem>>
      %dma_wait3A_538 = tpu.memref_slice %arg4[%add3A_394] : memref<323584xf32, #tpu.memory_space<hbm>> -> memref<64xf32, #tpu.memory_space<hbm>>
      %dma_wait3A_539 = tpu.memref_slice %arg18[%select_n3A_532] : memref<2x!tpu.dma_semaphore, #tpu.memory_space<semaphore_mem>> -> memref<1x!tpu.dma_semaphore, #tpu.memory_space<semaphore_mem>>
      %dma_wait3A_540 = tpu.memref_squeeze %dma_wait3A_539 : memref<1x!tpu.dma_semaphore, #tpu.memory_space<semaphore_mem>> -> memref<!tpu.dma_semaphore, #tpu.memory_space<semaphore_mem>>
      %dma_wait3A_541 = arith.constant 0 : i32
      %dma_wait3A_542 = tpu.memref_slice %arg13[%select_n3A_516, %dma_wait3A_541] : memref<2x80xf32, #tpu.memory_space<vmem>> -> memref<1x80xf32, #tpu.memory_space<vmem>>
      %dma_wait3A_543 = tpu.memref_squeeze %dma_wait3A_542 : memref<1x80xf32, #tpu.memory_space<vmem>> -> memref<80xf32, #tpu.memory_space<vmem>>
      %dma_wait3A_544 = arith.constant 0 : i32
      %dma_wait3A_545 = tpu.memref_slice %dma_wait3A_543[%dma_wait3A_544] : memref<80xf32, #tpu.memory_space<vmem>> -> memref<64xf32, #tpu.memory_space<vmem>>
      %dma_wait3A_546 = tpu.memref_slice %arg4[%add3A_394] : memref<323584xf32, #tpu.memory_space<hbm>> -> memref<64xf32, #tpu.memory_space<hbm>>
      tpu.wait_dma2 semaphore(%dma_wait3A_540 : memref<!tpu.dma_semaphore, #tpu.memory_space<semaphore_mem>>) src(%dma_wait3A_546 : memref<64xf32, #tpu.memory_space<hbm>>) dst(%dma_wait3A_545 : memref<64xf32, #tpu.memory_space<vmem>>)
      %ge3A = arith.constant 2 : i32
      %ge3A_547 = arith.cmpi sge, %scan3A_391, %ge3A : i32
      %convert_element_type3A_548 = arith.extui %ge3A_547 : i1 to i32
      %cond3A_549 = arith.constant 0 : i32
      %cond3A_550 = arith.cmpi ne, %convert_element_type3A_548, %cond3A_549 : i32
      scf.if %cond3A_550 {
        %sub3A = arith.constant 2 : i32
        %sub3A_648 = arith.subi %scan3A_391, %sub3A : i32
        %jit3A_649 = arith.constant 2 : i32
        %eq3A_650 = arith.constant 0 : i32
        %eq3A_651 = arith.cmpi eq, %jit3A_649, %eq3A_650 : i32
        %jit3A_652 = arith.constant 1 : i32
        %select_n3A_653 = arith.select %eq3A_651, %jit3A_652, %jit3A_649 : i32
        %rem3A_654 = arith.remsi %sub3A_648, %select_n3A_653 : i32
        %ne3A_655 = arith.constant 0 : i32
        %ne3A_656 = arith.cmpi ne, %rem3A_654, %ne3A_655 : i32
        %lt3A_657 = arith.constant 0 : i32
        %lt3A_658 = arith.cmpi slt, %rem3A_654, %lt3A_657 : i32
        %lt3A_659 = arith.constant 0 : i32
        %lt3A_660 = arith.cmpi slt, %select_n3A_653, %lt3A_659 : i32
        %ne3A_661 = arith.xori %lt3A_658, %lt3A_660 : i1
        %and3A_662 = arith.andi %ne3A_661, %ne3A_656 : i1
        %add3A_663 = arith.addi %rem3A_654, %select_n3A_653 : i32
        %select_n3A_664 = arith.select %and3A_662, %add3A_663, %rem3A_654 : i32
        %jit3A_665 = arith.constant 6 : i32
        %eq3A_666 = arith.constant 0 : i32
        %eq3A_667 = arith.cmpi eq, %jit3A_665, %eq3A_666 : i32
        %jit3A_668 = arith.constant 1 : i32
        %select_n3A_669 = arith.select %eq3A_667, %jit3A_668, %jit3A_665 : i32
        %rem3A_670 = arith.remsi %sub3A_648, %select_n3A_669 : i32
        %ne3A_671 = arith.constant 0 : i32
        %ne3A_672 = arith.cmpi ne, %rem3A_670, %ne3A_671 : i32
        %lt3A_673 = arith.constant 0 : i32
        %lt3A_674 = arith.cmpi slt, %rem3A_670, %lt3A_673 : i32
        %lt3A_675 = arith.constant 0 : i32
        %lt3A_676 = arith.cmpi slt, %select_n3A_669, %lt3A_675 : i32
        %ne3A_677 = arith.xori %lt3A_674, %lt3A_676 : i1
        %and3A_678 = arith.andi %ne3A_677, %ne3A_672 : i1
        %add3A_679 = arith.addi %rem3A_670, %select_n3A_669 : i32
        %select_n3A_680 = arith.select %and3A_678, %add3A_679, %rem3A_670 : i32
        %jit3A_681 = arith.constant 2 : i32
        %eq3A_682 = arith.constant 0 : i32
        %eq3A_683 = arith.cmpi eq, %jit3A_681, %eq3A_682 : i32
        %jit3A_684 = arith.constant 1 : i32
        %select_n3A_685 = arith.select %eq3A_683, %jit3A_684, %jit3A_681 : i32
        %rem3A_686 = arith.remsi %sub3A_648, %select_n3A_685 : i32
        %ne3A_687 = arith.constant 0 : i32
        %ne3A_688 = arith.cmpi ne, %rem3A_686, %ne3A_687 : i32
        %lt3A_689 = arith.constant 0 : i32
        %lt3A_690 = arith.cmpi slt, %rem3A_686, %lt3A_689 : i32
        %lt3A_691 = arith.constant 0 : i32
        %lt3A_692 = arith.cmpi slt, %select_n3A_685, %lt3A_691 : i32
        %ne3A_693 = arith.xori %lt3A_690, %lt3A_692 : i1
        %and3A_694 = arith.andi %ne3A_693, %ne3A_688 : i1
        %add3A_695 = arith.addi %rem3A_686, %select_n3A_685 : i32
        %select_n3A_696 = arith.select %and3A_694, %add3A_695, %rem3A_686 : i32
        %dma_wait3A_697 = arith.constant 1 : i32
        %dma_wait3A_698 = arith.constant 0 : i32
        %dma_wait3A_699 = arith.constant 0 : i32
        %dma_wait3A_700 = tpu.memref_slice %arg11[%select_n3A_664, %dma_wait3A_698, %dma_wait3A_699] : memref<2x64x128xf32, #tpu.memory_space<vmem>> -> memref<1x64x128xf32, #tpu.memory_space<vmem>>
        %dma_wait3A_701 = tpu.memref_squeeze %dma_wait3A_700 : memref<1x64x128xf32, #tpu.memory_space<vmem>> -> memref<64x128xf32, #tpu.memory_space<vmem>>
        %dma_wait3A_702 = arith.constant 0 : i32
        %dma_wait3A_703 = arith.constant 0 : i32
        %dma_wait3A_704 = tpu.memref_slice %arg9[%select_n3A_680, %dma_wait3A_702, %dma_wait3A_703] : memref<6x2x64xi32, #tpu.memory_space<vmem>> -> memref<1x2x64xi32, #tpu.memory_space<vmem>>
        %dma_wait3A_705 = tpu.memref_squeeze %dma_wait3A_704 : memref<1x2x64xi32, #tpu.memory_space<vmem>> -> memref<2x64xi32, #tpu.memory_space<vmem>>
        %dma_wait3A_706 = arith.constant 0 : i32
        %dma_wait3A_707 = tpu.memref_slice %dma_wait3A_705[%dma_wait3A_697, %dma_wait3A_706] : memref<2x64xi32, #tpu.memory_space<vmem>> -> memref<1x64xi32, #tpu.memory_space<vmem>>
        %dma_wait3A_708 = tpu.memref_squeeze %dma_wait3A_707 : memref<1x64xi32, #tpu.memory_space<vmem>> -> memref<64xi32, #tpu.memory_space<vmem>>
        %dma_wait3A_709 = arith.constant 0 : i32
        %dma_wait3A_710 = arith.constant 0 : i32
        %dma_wait3A_711 = tpu.memref_slice %arg14[%dma_wait3A_709, %dma_wait3A_710] : memref<10008x128xf32, #tpu.memory_space<vmem_shared>> -> memref<10008x128xf32, #tpu.memory_space<vmem_shared>>
        %dma_wait3A_712 = tpu.memref_slice %arg19[%select_n3A_696] : memref<2x!tpu.dma_semaphore, #tpu.memory_space<semaphore_mem>> -> memref<1x!tpu.dma_semaphore, #tpu.memory_space<semaphore_mem>>
        %dma_wait3A_713 = tpu.memref_squeeze %dma_wait3A_712 : memref<1x!tpu.dma_semaphore, #tpu.memory_space<semaphore_mem>> -> memref<!tpu.dma_semaphore, #tpu.memory_space<semaphore_mem>>
        tpu.wait_indirect_dma semaphore(%dma_wait3A_713 : memref<!tpu.dma_semaphore, #tpu.memory_space<semaphore_mem>>) src(%dma_wait3A_701 : memref<64x128xf32, #tpu.memory_space<vmem>>) dst(%dma_wait3A_711 : memref<10008x128xf32, #tpu.memory_space<vmem_shared>>)
      } else {
      }
      %jit3A_551 = arith.constant 2 : i32
      %eq3A_552 = arith.constant 0 : i32
      %eq3A_553 = arith.cmpi eq, %jit3A_551, %eq3A_552 : i32
      %jit3A_554 = arith.constant 1 : i32
      %select_n3A_555 = arith.select %eq3A_553, %jit3A_554, %jit3A_551 : i32
      %rem3A_556 = arith.remsi %scan3A_391, %select_n3A_555 : i32
      %ne3A_557 = arith.constant 0 : i32
      %ne3A_558 = arith.cmpi ne, %rem3A_556, %ne3A_557 : i32
      %lt3A_559 = arith.constant 0 : i32
      %lt3A_560 = arith.cmpi slt, %rem3A_556, %lt3A_559 : i32
      %lt3A_561 = arith.constant 0 : i32
      %lt3A_562 = arith.cmpi slt, %select_n3A_555, %lt3A_561 : i32
      %ne3A_563 = arith.xori %lt3A_560, %lt3A_562 : i1
      %and3A_564 = arith.andi %ne3A_563, %ne3A_558 : i1
      %add3A_565 = arith.addi %rem3A_556, %select_n3A_555 : i32
      %select_n3A_566 = arith.select %and3A_564, %add3A_565, %rem3A_556 : i32
      %parallel_loop3A = arith.constant 0 : i32
      %parallel_loop3A_567 = arith.constant 64 : i32
      %parallel_loop3A_568 = arith.constant 1 : i32
      scf.for %parallel_loop3A_648 = %parallel_loop3A to %parallel_loop3A_567 step %parallel_loop3A_568  : i32 {
        %parallel_loop3A_649 = arith.index_cast %select_n3A_566 : i32 to index
        %parallel_loop3A_650 = arith.index_cast %parallel_loop3A_648 : i32 to index
        %parallel_loop3A_651 = tpu.vector_load %arg13[%parallel_loop3A_649, %parallel_loop3A_650] {strides = array<i32>} : memref<2x80xf32, #tpu.memory_space<vmem>>, vector<1x16xf32>,
        %parallel_loop3A_652 = vector.shape_cast %parallel_loop3A_651 : vector<1x16xf32> to vector<16xf32>
        %parallel_loop3A_653 = vector.extract_strided_slice %parallel_loop3A_652 {offsets = [0], sizes = [1], strides = [1]} : vector<16xf32> to vector<1xf32>
        %parallel_loop3A_654 = vector.extract %parallel_loop3A_653[0] : f32 from vector<1xf32>
        %parallel_loop3A_655 = arith.index_cast %select_n3A_566 : i32 to index
        %parallel_loop3A_656 = arith.index_cast %parallel_loop3A_648 : i32 to index
        %parallel_loop3A_657 = arith.constant 0 : index
        %parallel_loop3A_658 = tpu.vector_load %arg10[%parallel_loop3A_655, %parallel_loop3A_656, %parallel_loop3A_657] {strides = array<i32>} : memref<2x64x128xf32, #tpu.memory_space<vmem>>, vector<1x1x16xf32>,
        %parallel_loop3A_659 = vector.shape_cast %parallel_loop3A_658 : vector<1x1x16xf32> to vector<16xf32>
        %parallel_loop3A_660 = arith.index_cast %select_n3A_566 : i32 to index
        %parallel_loop3A_661 = arith.index_cast %parallel_loop3A_648 : i32 to index
        %parallel_loop3A_662 = arith.constant 0 : index
        %parallel_loop3A_663 = tpu.vector_load %arg12[%parallel_loop3A_660, %parallel_loop3A_661, %parallel_loop3A_662] {strides = array<i32>} : memref<2x64x128xf32, #tpu.memory_space<vmem>>, vector<1x1x16xf32>,
        %parallel_loop3A_664 = vector.shape_cast %parallel_loop3A_663 : vector<1x1x16xf32> to vector<16xf32>
        %parallel_loop3A_665 = arith.mulf %parallel_loop3A_659, %parallel_loop3A_664 : vector<16xf32>
        %parallel_loop3A_666 = vector.broadcast %parallel_loop3A_654 : f32 to vector<16xf32>
        %parallel_loop3A_667 = arith.mulf %parallel_loop3A_665, %parallel_loop3A_666 : vector<16xf32>
        %parallel_loop3A_668 = arith.index_cast %select_n3A_566 : i32 to index
        %parallel_loop3A_669 = arith.index_cast %parallel_loop3A_648 : i32 to index
        %parallel_loop3A_670 = arith.constant 0 : index
        %parallel_loop3A_671 = tpu.vector_load %arg11[%parallel_loop3A_668, %parallel_loop3A_669, %parallel_loop3A_670] {strides = array<i32>} : memref<2x64x128xf32, #tpu.memory_space<vmem>>, vector<1x1x16xf32>,
        %parallel_loop3A_672 = vector.shape_cast %parallel_loop3A_671 : vector<1x1x16xf32> to vector<16xf32>
        %parallel_loop3A_673 = vector.shape_cast %parallel_loop3A_667 : vector<16xf32> to vector<1x1x16xf32>
        tpu.vector_store %arg11[%parallel_loop3A_668, %parallel_loop3A_669, %parallel_loop3A_670], %parallel_loop3A_673 {strides = array<i32>} : memref<2x64x128xf32, #tpu.memory_space<vmem>>, vector<1x1x16xf32>,
        %parallel_loop3A_674 = arith.index_cast %select_n3A_566 : i32 to index
        %parallel_loop3A_675 = arith.index_cast %parallel_loop3A_648 : i32 to index
        %parallel_loop3A_676 = arith.constant 16 : index
        %parallel_loop3A_677 = tpu.vector_load %arg10[%parallel_loop3A_674, %parallel_loop3A_675, %parallel_loop3A_676] {strides = array<i32>} : memref<2x64x128xf32, #tpu.memory_space<vmem>>, vector<1x1x16xf32>,
        %parallel_loop3A_678 = vector.shape_cast %parallel_loop3A_677 : vector<1x1x16xf32> to vector<16xf32>
        %parallel_loop3A_679 = arith.index_cast %select_n3A_566 : i32 to index
        %parallel_loop3A_680 = arith.index_cast %parallel_loop3A_648 : i32 to index
        %parallel_loop3A_681 = arith.constant 16 : index
        %parallel_loop3A_682 = tpu.vector_load %arg12[%parallel_loop3A_679, %parallel_loop3A_680, %parallel_loop3A_681] {strides = array<i32>} : memref<2x64x128xf32, #tpu.memory_space<vmem>>, vector<1x1x16xf32>,
        %parallel_loop3A_683 = vector.shape_cast %parallel_loop3A_682 : vector<1x1x16xf32> to vector<16xf32>
        %parallel_loop3A_684 = arith.mulf %parallel_loop3A_678, %parallel_loop3A_683 : vector<16xf32>
        %parallel_loop3A_685 = vector.broadcast %parallel_loop3A_654 : f32 to vector<16xf32>
        %parallel_loop3A_686 = arith.mulf %parallel_loop3A_684, %parallel_loop3A_685 : vector<16xf32>
        %parallel_loop3A_687 = arith.index_cast %select_n3A_566 : i32 to index
        %parallel_loop3A_688 = arith.index_cast %parallel_loop3A_648 : i32 to index
        %parallel_loop3A_689 = arith.constant 16 : index
        %parallel_loop3A_690 = tpu.vector_load %arg11[%parallel_loop3A_687, %parallel_loop3A_688, %parallel_loop3A_689] {strides = array<i32>} : memref<2x64x128xf32, #tpu.memory_space<vmem>>, vector<1x1x16xf32>,
        %parallel_loop3A_691 = vector.shape_cast %parallel_loop3A_690 : vector<1x1x16xf32> to vector<16xf32>
        %parallel_loop3A_692 = vector.shape_cast %parallel_loop3A_686 : vector<16xf32> to vector<1x1x16xf32>
        tpu.vector_store %arg11[%parallel_loop3A_687, %parallel_loop3A_688, %parallel_loop3A_689], %parallel_loop3A_692 {strides = array<i32>} : memref<2x64x128xf32, #tpu.memory_space<vmem>>, vector<1x1x16xf32>,
        %parallel_loop3A_693 = arith.index_cast %select_n3A_566 : i32 to index
        %parallel_loop3A_694 = arith.index_cast %parallel_loop3A_648 : i32 to index
        %parallel_loop3A_695 = arith.constant 32 : index
        %parallel_loop3A_696 = tpu.vector_load %arg10[%parallel_loop3A_693, %parallel_loop3A_694, %parallel_loop3A_695] {strides = array<i32>} : memref<2x64x128xf32, #tpu.memory_space<vmem>>, vector<1x1x16xf32>,
        %parallel_loop3A_697 = vector.shape_cast %parallel_loop3A_696 : vector<1x1x16xf32> to vector<16xf32>
        %parallel_loop3A_698 = arith.index_cast %select_n3A_566 : i32 to index
        %parallel_loop3A_699 = arith.index_cast %parallel_loop3A_648 : i32 to index
        %parallel_loop3A_700 = arith.constant 32 : index
        %parallel_loop3A_701 = tpu.vector_load %arg12[%parallel_loop3A_698, %parallel_loop3A_699, %parallel_loop3A_700] {strides = array<i32>} : memref<2x64x128xf32, #tpu.memory_space<vmem>>, vector<1x1x16xf32>,
        %parallel_loop3A_702 = vector.shape_cast %parallel_loop3A_701 : vector<1x1x16xf32> to vector<16xf32>
        %parallel_loop3A_703 = arith.mulf %parallel_loop3A_697, %parallel_loop3A_702 : vector<16xf32>
        %parallel_loop3A_704 = vector.broadcast %parallel_loop3A_654 : f32 to vector<16xf32>
        %parallel_loop3A_705 = arith.mulf %parallel_loop3A_703, %parallel_loop3A_704 : vector<16xf32>
        %parallel_loop3A_706 = arith.index_cast %select_n3A_566 : i32 to index
        %parallel_loop3A_707 = arith.index_cast %parallel_loop3A_648 : i32 to index
        %parallel_loop3A_708 = arith.constant 32 : index
        %parallel_loop3A_709 = tpu.vector_load %arg11[%parallel_loop3A_706, %parallel_loop3A_707, %parallel_loop3A_708] {strides = array<i32>} : memref<2x64x128xf32, #tpu.memory_space<vmem>>, vector<1x1x16xf32>,
        %parallel_loop3A_710 = vector.shape_cast %parallel_loop3A_709 : vector<1x1x16xf32> to vector<16xf32>
        %parallel_loop3A_711 = vector.shape_cast %parallel_loop3A_705 : vector<16xf32> to vector<1x1x16xf32>
        tpu.vector_store %arg11[%parallel_loop3A_706, %parallel_loop3A_707, %parallel_loop3A_708], %parallel_loop3A_711 {strides = array<i32>} : memref<2x64x128xf32, #tpu.memory_space<vmem>>, vector<1x1x16xf32>,
        %parallel_loop3A_712 = arith.index_cast %select_n3A_566 : i32 to index
        %parallel_loop3A_713 = arith.index_cast %parallel_loop3A_648 : i32 to index
        %parallel_loop3A_714 = arith.constant 48 : index
        %parallel_loop3A_715 = tpu.vector_load %arg10[%parallel_loop3A_712, %parallel_loop3A_713, %parallel_loop3A_714] {strides = array<i32>} : memref<2x64x128xf32, #tpu.memory_space<vmem>>, vector<1x1x16xf32>,
        %parallel_loop3A_716 = vector.shape_cast %parallel_loop3A_715 : vector<1x1x16xf32> to vector<16xf32>
        %parallel_loop3A_717 = arith.index_cast %select_n3A_566 : i32 to index
        %parallel_loop3A_718 = arith.index_cast %parallel_loop3A_648 : i32 to index
        %parallel_loop3A_719 = arith.constant 48 : index
        %parallel_loop3A_720 = tpu.vector_load %arg12[%parallel_loop3A_717, %parallel_loop3A_718, %parallel_loop3A_719] {strides = array<i32>} : memref<2x64x128xf32, #tpu.memory_space<vmem>>, vector<1x1x16xf32>,
        %parallel_loop3A_721 = vector.shape_cast %parallel_loop3A_720 : vector<1x1x16xf32> to vector<16xf32>
        %parallel_loop3A_722 = arith.mulf %parallel_loop3A_716, %parallel_loop3A_721 : vector<16xf32>
        %parallel_loop3A_723 = vector.broadcast %parallel_loop3A_654 : f32 to vector<16xf32>
        %parallel_loop3A_724 = arith.mulf %parallel_loop3A_722, %parallel_loop3A_723 : vector<16xf32>
        %parallel_loop3A_725 = arith.index_cast %select_n3A_566 : i32 to index
        %parallel_loop3A_726 = arith.index_cast %parallel_loop3A_648 : i32 to index
        %parallel_loop3A_727 = arith.constant 48 : index
        %parallel_loop3A_728 = tpu.vector_load %arg11[%parallel_loop3A_725, %parallel_loop3A_726, %parallel_loop3A_727] {strides = array<i32>} : memref<2x64x128xf32, #tpu.memory_space<vmem>>, vector<1x1x16xf32>,
        %parallel_loop3A_729 = vector.shape_cast %parallel_loop3A_728 : vector<1x1x16xf32> to vector<16xf32>
        %parallel_loop3A_730 = vector.shape_cast %parallel_loop3A_724 : vector<16xf32> to vector<1x1x16xf32>
        tpu.vector_store %arg11[%parallel_loop3A_725, %parallel_loop3A_726, %parallel_loop3A_727], %parallel_loop3A_730 {strides = array<i32>} : memref<2x64x128xf32, #tpu.memory_space<vmem>>, vector<1x1x16xf32>,
        %parallel_loop3A_731 = arith.index_cast %select_n3A_566 : i32 to index
        %parallel_loop3A_732 = arith.index_cast %parallel_loop3A_648 : i32 to index
        %parallel_loop3A_733 = arith.constant 64 : index
        %parallel_loop3A_734 = tpu.vector_load %arg10[%parallel_loop3A_731, %parallel_loop3A_732, %parallel_loop3A_733] {strides = array<i32>} : memref<2x64x128xf32, #tpu.memory_space<vmem>>, vector<1x1x16xf32>,
        %parallel_loop3A_735 = vector.shape_cast %parallel_loop3A_734 : vector<1x1x16xf32> to vector<16xf32>
        %parallel_loop3A_736 = arith.index_cast %select_n3A_566 : i32 to index
        %parallel_loop3A_737 = arith.index_cast %parallel_loop3A_648 : i32 to index
        %parallel_loop3A_738 = arith.constant 64 : index
        %parallel_loop3A_739 = tpu.vector_load %arg12[%parallel_loop3A_736, %parallel_loop3A_737, %parallel_loop3A_738] {strides = array<i32>} : memref<2x64x128xf32, #tpu.memory_space<vmem>>, vector<1x1x16xf32>,
        %parallel_loop3A_740 = vector.shape_cast %parallel_loop3A_739 : vector<1x1x16xf32> to vector<16xf32>
        %parallel_loop3A_741 = arith.mulf %parallel_loop3A_735, %parallel_loop3A_740 : vector<16xf32>
        %parallel_loop3A_742 = vector.broadcast %parallel_loop3A_654 : f32 to vector<16xf32>
        %parallel_loop3A_743 = arith.mulf %parallel_loop3A_741, %parallel_loop3A_742 : vector<16xf32>
        %parallel_loop3A_744 = arith.index_cast %select_n3A_566 : i32 to index
        %parallel_loop3A_745 = arith.index_cast %parallel_loop3A_648 : i32 to index
        %parallel_loop3A_746 = arith.constant 64 : index
        %parallel_loop3A_747 = tpu.vector_load %arg11[%parallel_loop3A_744, %parallel_loop3A_745, %parallel_loop3A_746] {strides = array<i32>} : memref<2x64x128xf32, #tpu.memory_space<vmem>>, vector<1x1x16xf32>,
        %parallel_loop3A_748 = vector.shape_cast %parallel_loop3A_747 : vector<1x1x16xf32> to vector<16xf32>
        %parallel_loop3A_749 = vector.shape_cast %parallel_loop3A_743 : vector<16xf32> to vector<1x1x16xf32>
        tpu.vector_store %arg11[%parallel_loop3A_744, %parallel_loop3A_745, %parallel_loop3A_746], %parallel_loop3A_749 {strides = array<i32>} : memref<2x64x128xf32, #tpu.memory_space<vmem>>, vector<1x1x16xf32>,
        %parallel_loop3A_750 = arith.index_cast %select_n3A_566 : i32 to index
        %parallel_loop3A_751 = arith.index_cast %parallel_loop3A_648 : i32 to index
        %parallel_loop3A_752 = arith.constant 80 : index
        %parallel_loop3A_753 = tpu.vector_load %arg10[%parallel_loop3A_750, %parallel_loop3A_751, %parallel_loop3A_752] {strides = array<i32>} : memref<2x64x128xf32, #tpu.memory_space<vmem>>, vector<1x1x16xf32>,
        %parallel_loop3A_754 = vector.shape_cast %parallel_loop3A_753 : vector<1x1x16xf32> to vector<16xf32>
        %parallel_loop3A_755 = arith.index_cast %select_n3A_566 : i32 to index
        %parallel_loop3A_756 = arith.index_cast %parallel_loop3A_648 : i32 to index
        %parallel_loop3A_757 = arith.constant 80 : index
        %parallel_loop3A_758 = tpu.vector_load %arg12[%parallel_loop3A_755, %parallel_loop3A_756, %parallel_loop3A_757] {strides = array<i32>} : memref<2x64x128xf32, #tpu.memory_space<vmem>>, vector<1x1x16xf32>,
        %parallel_loop3A_759 = vector.shape_cast %parallel_loop3A_758 : vector<1x1x16xf32> to vector<16xf32>
        %parallel_loop3A_760 = arith.mulf %parallel_loop3A_754, %parallel_loop3A_759 : vector<16xf32>
        %parallel_loop3A_761 = vector.broadcast %parallel_loop3A_654 : f32 to vector<16xf32>
        %parallel_loop3A_762 = arith.mulf %parallel_loop3A_760, %parallel_loop3A_761 : vector<16xf32>
        %parallel_loop3A_763 = arith.index_cast %select_n3A_566 : i32 to index
        %parallel_loop3A_764 = arith.index_cast %parallel_loop3A_648 : i32 to index
        %parallel_loop3A_765 = arith.constant 80 : index
        %parallel_loop3A_766 = tpu.vector_load %arg11[%parallel_loop3A_763, %parallel_loop3A_764, %parallel_loop3A_765] {strides = array<i32>} : memref<2x64x128xf32, #tpu.memory_space<vmem>>, vector<1x1x16xf32>,
        %parallel_loop3A_767 = vector.shape_cast %parallel_loop3A_766 : vector<1x1x16xf32> to vector<16xf32>
        %parallel_loop3A_768 = vector.shape_cast %parallel_loop3A_762 : vector<16xf32> to vector<1x1x16xf32>
        tpu.vector_store %arg11[%parallel_loop3A_763, %parallel_loop3A_764, %parallel_loop3A_765], %parallel_loop3A_768 {strides = array<i32>} : memref<2x64x128xf32, #tpu.memory_space<vmem>>, vector<1x1x16xf32>,
        %parallel_loop3A_769 = arith.index_cast %select_n3A_566 : i32 to index
        %parallel_loop3A_770 = arith.index_cast %parallel_loop3A_648 : i32 to index
        %parallel_loop3A_771 = arith.constant 96 : index
        %parallel_loop3A_772 = tpu.vector_load %arg10[%parallel_loop3A_769, %parallel_loop3A_770, %parallel_loop3A_771] {strides = array<i32>} : memref<2x64x128xf32, #tpu.memory_space<vmem>>, vector<1x1x16xf32>,
        %parallel_loop3A_773 = vector.shape_cast %parallel_loop3A_772 : vector<1x1x16xf32> to vector<16xf32>
        %parallel_loop3A_774 = arith.index_cast %select_n3A_566 : i32 to index
        %parallel_loop3A_775 = arith.index_cast %parallel_loop3A_648 : i32 to index
        %parallel_loop3A_776 = arith.constant 96 : index
        %parallel_loop3A_777 = tpu.vector_load %arg12[%parallel_loop3A_774, %parallel_loop3A_775, %parallel_loop3A_776] {strides = array<i32>} : memref<2x64x128xf32, #tpu.memory_space<vmem>>, vector<1x1x16xf32>,
        %parallel_loop3A_778 = vector.shape_cast %parallel_loop3A_777 : vector<1x1x16xf32> to vector<16xf32>
        %parallel_loop3A_779 = arith.mulf %parallel_loop3A_773, %parallel_loop3A_778 : vector<16xf32>
        %parallel_loop3A_780 = vector.broadcast %parallel_loop3A_654 : f32 to vector<16xf32>
        %parallel_loop3A_781 = arith.mulf %parallel_loop3A_779, %parallel_loop3A_780 : vector<16xf32>
        %parallel_loop3A_782 = arith.index_cast %select_n3A_566 : i32 to index
        %parallel_loop3A_783 = arith.index_cast %parallel_loop3A_648 : i32 to index
        %parallel_loop3A_784 = arith.constant 96 : index
        %parallel_loop3A_785 = tpu.vector_load %arg11[%parallel_loop3A_782, %parallel_loop3A_783, %parallel_loop3A_784] {strides = array<i32>} : memref<2x64x128xf32, #tpu.memory_space<vmem>>, vector<1x1x16xf32>,
        %parallel_loop3A_786 = vector.shape_cast %parallel_loop3A_785 : vector<1x1x16xf32> to vector<16xf32>
        %parallel_loop3A_787 = vector.shape_cast %parallel_loop3A_781 : vector<16xf32> to vector<1x1x16xf32>
        tpu.vector_store %arg11[%parallel_loop3A_782, %parallel_loop3A_783, %parallel_loop3A_784], %parallel_loop3A_787 {strides = array<i32>} : memref<2x64x128xf32, #tpu.memory_space<vmem>>, vector<1x1x16xf32>,
        %parallel_loop3A_788 = arith.index_cast %select_n3A_566 : i32 to index
        %parallel_loop3A_789 = arith.index_cast %parallel_loop3A_648 : i32 to index
        %parallel_loop3A_790 = arith.constant 112 : index
        %parallel_loop3A_791 = tpu.vector_load %arg10[%parallel_loop3A_788, %parallel_loop3A_789, %parallel_loop3A_790] {strides = array<i32>} : memref<2x64x128xf32, #tpu.memory_space<vmem>>, vector<1x1x16xf32>,
        %parallel_loop3A_792 = vector.shape_cast %parallel_loop3A_791 : vector<1x1x16xf32> to vector<16xf32>
        %parallel_loop3A_793 = arith.index_cast %select_n3A_566 : i32 to index
        %parallel_loop3A_794 = arith.index_cast %parallel_loop3A_648 : i32 to index
        %parallel_loop3A_795 = arith.constant 112 : index
        %parallel_loop3A_796 = tpu.vector_load %arg12[%parallel_loop3A_793, %parallel_loop3A_794, %parallel_loop3A_795] {strides = array<i32>} : memref<2x64x128xf32, #tpu.memory_space<vmem>>, vector<1x1x16xf32>,
        %parallel_loop3A_797 = vector.shape_cast %parallel_loop3A_796 : vector<1x1x16xf32> to vector<16xf32>
        %parallel_loop3A_798 = arith.mulf %parallel_loop3A_792, %parallel_loop3A_797 : vector<16xf32>
        %parallel_loop3A_799 = vector.broadcast %parallel_loop3A_654 : f32 to vector<16xf32>
        %parallel_loop3A_800 = arith.mulf %parallel_loop3A_798, %parallel_loop3A_799 : vector<16xf32>
        %parallel_loop3A_801 = arith.index_cast %select_n3A_566 : i32 to index
        %parallel_loop3A_802 = arith.index_cast %parallel_loop3A_648 : i32 to index
        %parallel_loop3A_803 = arith.constant 112 : index
        %parallel_loop3A_804 = tpu.vector_load %arg11[%parallel_loop3A_801, %parallel_loop3A_802, %parallel_loop3A_803] {strides = array<i32>} : memref<2x64x128xf32, #tpu.memory_space<vmem>>, vector<1x1x16xf32>,
        %parallel_loop3A_805 = vector.shape_cast %parallel_loop3A_804 : vector<1x1x16xf32> to vector<16xf32>
        %parallel_loop3A_806 = vector.shape_cast %parallel_loop3A_800 : vector<16xf32> to vector<1x1x16xf32>
        tpu.vector_store %arg11[%parallel_loop3A_801, %parallel_loop3A_802, %parallel_loop3A_803], %parallel_loop3A_806 {strides = array<i32>} : memref<2x64x128xf32, #tpu.memory_space<vmem>>, vector<1x1x16xf32>,
      } {sc.loop_unroll_factor = 2 : i64, sc.parallel_access}
      %jit3A_569 = arith.constant 2 : i32
      %eq3A_570 = arith.constant 0 : i32
      %eq3A_571 = arith.cmpi eq, %jit3A_569, %eq3A_570 : i32
      %jit3A_572 = arith.constant 1 : i32
      %select_n3A_573 = arith.select %eq3A_571, %jit3A_572, %jit3A_569 : i32
      %rem3A_574 = arith.remsi %scan3A_391, %select_n3A_573 : i32
      %ne3A_575 = arith.constant 0 : i32
      %ne3A_576 = arith.cmpi ne, %rem3A_574, %ne3A_575 : i32
      %lt3A_577 = arith.constant 0 : i32
      %lt3A_578 = arith.cmpi slt, %rem3A_574, %lt3A_577 : i32
      %lt3A_579 = arith.constant 0 : i32
      %lt3A_580 = arith.cmpi slt, %select_n3A_573, %lt3A_579 : i32
      %ne3A_581 = arith.xori %lt3A_578, %lt3A_580 : i1
      %and3A_582 = arith.andi %ne3A_581, %ne3A_576 : i1
      %add3A_583 = arith.addi %rem3A_574, %select_n3A_573 : i32
      %select_n3A_584 = arith.select %and3A_582, %add3A_583, %rem3A_574 : i32
      %jit3A_585 = arith.constant 6 : i32
      %eq3A_586 = arith.constant 0 : i32
      %eq3A_587 = arith.cmpi eq, %jit3A_585, %eq3A_586 : i32
      %jit3A_588 = arith.constant 1 : i32
      %select_n3A_589 = arith.select %eq3A_587, %jit3A_588, %jit3A_585 : i32
      %rem3A_590 = arith.remsi %scan3A_391, %select_n3A_589 : i32
      %ne3A_591 = arith.constant 0 : i32
      %ne3A_592 = arith.cmpi ne, %rem3A_590, %ne3A_591 : i32
      %lt3A_593 = arith.constant 0 : i32
      %lt3A_594 = arith.cmpi slt, %rem3A_590, %lt3A_593 : i32
      %lt3A_595 = arith.constant 0 : i32
      %lt3A_596 = arith.cmpi slt, %select_n3A_589, %lt3A_595 : i32
      %ne3A_597 = arith.xori %lt3A_594, %lt3A_596 : i1
      %and3A_598 = arith.andi %ne3A_597, %ne3A_592 : i1
      %add3A_599 = arith.addi %rem3A_590, %select_n3A_589 : i32
      %select_n3A_600 = arith.select %and3A_598, %add3A_599, %rem3A_590 : i32
      %jit3A_601 = arith.constant 2 : i32
      %eq3A_602 = arith.constant 0 : i32
      %eq3A_603 = arith.cmpi eq, %jit3A_601, %eq3A_602 : i32
      %jit3A_604 = arith.constant 1 : i32
      %select_n3A_605 = arith.select %eq3A_603, %jit3A_604, %jit3A_601 : i32
      %rem3A_606 = arith.remsi %scan3A_391, %select_n3A_605 : i32
      %ne3A_607 = arith.constant 0 : i32
      %ne3A_608 = arith.cmpi ne, %rem3A_606, %ne3A_607 : i32
      %lt3A_609 = arith.constant 0 : i32
      %lt3A_610 = arith.cmpi slt, %rem3A_606, %lt3A_609 : i32
      %lt3A_611 = arith.constant 0 : i32
      %lt3A_612 = arith.cmpi slt, %select_n3A_605, %lt3A_611 : i32
      %ne3A_613 = arith.xori %lt3A_610, %lt3A_612 : i1
      %and3A_614 = arith.andi %ne3A_613, %ne3A_608 : i1
      %add3A_615 = arith.addi %rem3A_606, %select_n3A_605 : i32
      %select_n3A_616 = arith.select %and3A_614, %add3A_615, %rem3A_606 : i32
      %dma_start3A_617 = arith.constant 1 : i32
      %dma_start3A_618 = arith.constant 0 : i32
      %dma_start3A_619 = arith.constant 0 : i32
      %dma_start3A_620 = tpu.memref_slice %arg11[%select_n3A_584, %dma_start3A_618, %dma_start3A_619] : memref<2x64x128xf32, #tpu.memory_space<vmem>> -> memref<1x64x128xf32, #tpu.memory_space<vmem>>
      %dma_start3A_621 = tpu.memref_squeeze %dma_start3A_620 : memref<1x64x128xf32, #tpu.memory_space<vmem>> -> memref<64x128xf32, #tpu.memory_space<vmem>>
      %dma_start3A_622 = arith.constant 0 : i32
      %dma_start3A_623 = arith.constant 0 : i32
      %dma_start3A_624 = tpu.memref_slice %arg9[%select_n3A_600, %dma_start3A_622, %dma_start3A_623] : memref<6x2x64xi32, #tpu.memory_space<vmem>> -> memref<1x2x64xi32, #tpu.memory_space<vmem>>
      %dma_start3A_625 = tpu.memref_squeeze %dma_start3A_624 : memref<1x2x64xi32, #tpu.memory_space<vmem>> -> memref<2x64xi32, #tpu.memory_space<vmem>>
      %dma_start3A_626 = arith.constant 0 : i32
      %dma_start3A_627 = tpu.memref_slice %dma_start3A_625[%dma_start3A_617, %dma_start3A_626] : memref<2x64xi32, #tpu.memory_space<vmem>> -> memref<1x64xi32, #tpu.memory_space<vmem>>
      %dma_start3A_628 = tpu.memref_squeeze %dma_start3A_627 : memref<1x64xi32, #tpu.memory_space<vmem>> -> memref<64xi32, #tpu.memory_space<vmem>>
      %dma_start3A_629 = arith.constant 0 : i32
      %dma_start3A_630 = arith.constant 0 : i32
      %dma_start3A_631 = tpu.memref_slice %arg14[%dma_start3A_629, %dma_start3A_630] : memref<10008x128xf32, #tpu.memory_space<vmem_shared>> -> memref<10008x128xf32, #tpu.memory_space<vmem_shared>>
      %dma_start3A_632 = tpu.memref_slice %arg19[%select_n3A_616] : memref<2x!tpu.dma_semaphore, #tpu.memory_space<semaphore_mem>> -> memref<1x!tpu.dma_semaphore, #tpu.memory_space<semaphore_mem>>
      %dma_start3A_633 = tpu.memref_squeeze %dma_start3A_632 : memref<1x!tpu.dma_semaphore, #tpu.memory_space<semaphore_mem>> -> memref<!tpu.dma_semaphore, #tpu.memory_space<semaphore_mem>>
      tpu.enqueue_indirect_dma source(%dma_start3A_621 : memref<64x128xf32, #tpu.memory_space<vmem>>) target(%dma_start3A_631 : memref<10008x128xf32, #tpu.memory_space<vmem_shared>>) offsets(%dma_start3A_628 : memref<64xi32, #tpu.memory_space<vmem>>) semaphore(%dma_start3A_633 : memref<!tpu.dma_semaphore, #tpu.memory_space<semaphore_mem>>) {add = true}
      %add3A_634 = arith.constant 2 : i32
      %add3A_635 = arith.addi %scan3A_391, %add3A_634 : i32
      %lt3A_636 = arith.constant 158 : i32
      %lt3A_637 = arith.cmpi slt, %add3A_635, %lt3A_636 : i32
      %convert_element_type3A_638 = arith.extui %lt3A_637 : i1 to i32
      %cond3A_639 = arith.constant 0 : i32
      %cond3A_640 = arith.cmpi ne, %convert_element_type3A_638, %cond3A_639 : i32
      scf.if %cond3A_640 {
        %add3A_648 = arith.constant 2 : i32
        %add3A_649 = arith.addi %scan3A_391, %add3A_648 : i32
        %mul3A_650 = arith.constant 64 : i32
        %mul3A_651 = arith.muli %add3A_649, %mul3A_650 : i32
        %add3A_652 = arith.addi %mul3A_2, %mul3A_651 : i32
        %jit3A_653 = arith.constant 6 : i32
        %eq3A_654 = arith.constant 0 : i32
        %eq3A_655 = arith.cmpi eq, %jit3A_653, %eq3A_654 : i32
        %jit3A_656 = arith.constant 1 : i32
        %select_n3A_657 = arith.select %eq3A_655, %jit3A_656, %jit3A_653 : i32
        %rem3A_658 = arith.remsi %add3A_649, %select_n3A_657 : i32
        %ne3A_659 = arith.constant 0 : i32
        %ne3A_660 = arith.cmpi ne, %rem3A_658, %ne3A_659 : i32
        %lt3A_661 = arith.constant 0 : i32
        %lt3A_662 = arith.cmpi slt, %rem3A_658, %lt3A_661 : i32
        %lt3A_663 = arith.constant 0 : i32
        %lt3A_664 = arith.cmpi slt, %select_n3A_657, %lt3A_663 : i32
        %ne3A_665 = arith.xori %lt3A_662, %lt3A_664 : i1
        %and3A_666 = arith.andi %ne3A_665, %ne3A_660 : i1
        %add3A_667 = arith.addi %rem3A_658, %select_n3A_657 : i32
        %select_n3A_668 = arith.select %and3A_666, %add3A_667, %rem3A_658 : i32
        %jit3A_669 = arith.constant 6 : i32
        %eq3A_670 = arith.constant 0 : i32
        %eq3A_671 = arith.cmpi eq, %jit3A_669, %eq3A_670 : i32
        %jit3A_672 = arith.constant 1 : i32
        %select_n3A_673 = arith.select %eq3A_671, %jit3A_672, %jit3A_669 : i32
        %rem3A_674 = arith.remsi %add3A_649, %select_n3A_673 : i32
        %ne3A_675 = arith.constant 0 : i32
        %ne3A_676 = arith.cmpi ne, %rem3A_674, %ne3A_675 : i32
        %lt3A_677 = arith.constant 0 : i32
        %lt3A_678 = arith.cmpi slt, %rem3A_674, %lt3A_677 : i32
        %lt3A_679 = arith.constant 0 : i32
        %lt3A_680 = arith.cmpi slt, %select_n3A_673, %lt3A_679 : i32
        %ne3A_681 = arith.xori %lt3A_678, %lt3A_680 : i1
        %and3A_682 = arith.andi %ne3A_681, %ne3A_676 : i1
        %add3A_683 = arith.addi %rem3A_674, %select_n3A_673 : i32
        %select_n3A_684 = arith.select %and3A_682, %add3A_683, %rem3A_674 : i32
        %dma_wait3A_685 = arith.constant 0 : i32
        %dma_wait3A_686 = arith.constant 0 : i32
        %dma_wait3A_687 = arith.constant 0 : i32
        %dma_wait3A_688 = tpu.memref_slice %arg9[%select_n3A_668, %dma_wait3A_686, %dma_wait3A_687] : memref<6x2x64xi32, #tpu.memory_space<vmem>> -> memref<1x2x64xi32, #tpu.memory_space<vmem>>
        %dma_wait3A_689 = tpu.memref_squeeze %dma_wait3A_688 : memref<1x2x64xi32, #tpu.memory_space<vmem>> -> memref<2x64xi32, #tpu.memory_space<vmem>>
        %dma_wait3A_690 = arith.constant 0 : i32
        %dma_wait3A_691 = tpu.memref_slice %dma_wait3A_689[%dma_wait3A_685, %dma_wait3A_690] : memref<2x64xi32, #tpu.memory_space<vmem>> -> memref<1x64xi32, #tpu.memory_space<vmem>>
        %dma_wait3A_692 = tpu.memref_squeeze %dma_wait3A_691 : memref<1x64xi32, #tpu.memory_space<vmem>> -> memref<64xi32, #tpu.memory_space<vmem>>
        %dma_wait3A_693 = tpu.memref_slice %arg5[%add3A_652] : memref<323584xi32, #tpu.memory_space<hbm>> -> memref<64xi32, #tpu.memory_space<hbm>>
        %dma_wait3A_694 = tpu.memref_slice %arg15[%select_n3A_684] : memref<6x!tpu.dma_semaphore, #tpu.memory_space<semaphore_mem>> -> memref<1x!tpu.dma_semaphore, #tpu.memory_space<semaphore_mem>>
        %dma_wait3A_695 = tpu.memref_squeeze %dma_wait3A_694 : memref<1x!tpu.dma_semaphore, #tpu.memory_space<semaphore_mem>> -> memref<!tpu.dma_semaphore, #tpu.memory_space<semaphore_mem>>
        %dma_wait3A_696 = arith.constant 0 : i32
        %dma_wait3A_697 = arith.constant 0 : i32
        %dma_wait3A_698 = tpu.memref_slice %arg9[%select_n3A_668, %dma_wait3A_696, %dma_wait3A_697] : memref<6x2x64xi32, #tpu.memory_space<vmem>> -> memref<1x2x64xi32, #tpu.memory_space<vmem>>
        %dma_wait3A_699 = tpu.memref_squeeze %dma_wait3A_698 : memref<1x2x64xi32, #tpu.memory_space<vmem>> -> memref<2x64xi32, #tpu.memory_space<vmem>>
        %dma_wait3A_700 = arith.constant 0 : i32
        %dma_wait3A_701 = tpu.memref_slice %dma_wait3A_699[%dma_wait3A_685, %dma_wait3A_700] : memref<2x64xi32, #tpu.memory_space<vmem>> -> memref<1x64xi32, #tpu.memory_space<vmem>>
        %dma_wait3A_702 = tpu.memref_squeeze %dma_wait3A_701 : memref<1x64xi32, #tpu.memory_space<vmem>> -> memref<64xi32, #tpu.memory_space<vmem>>
        %dma_wait3A_703 = tpu.memref_slice %arg5[%add3A_652] : memref<323584xi32, #tpu.memory_space<hbm>> -> memref<64xi32, #tpu.memory_space<hbm>>
        tpu.wait_dma2 semaphore(%dma_wait3A_695 : memref<!tpu.dma_semaphore, #tpu.memory_space<semaphore_mem>>) src(%dma_wait3A_703 : memref<64xi32, #tpu.memory_space<hbm>>) dst(%dma_wait3A_702 : memref<64xi32, #tpu.memory_space<vmem>>)
        %jit3A_704 = arith.constant 6 : i32
        %eq3A_705 = arith.constant 0 : i32
        %eq3A_706 = arith.cmpi eq, %jit3A_704, %eq3A_705 : i32
        %jit3A_707 = arith.constant 1 : i32
        %select_n3A_708 = arith.select %eq3A_706, %jit3A_707, %jit3A_704 : i32
        %rem3A_709 = arith.remsi %add3A_649, %select_n3A_708 : i32
        %ne3A_710 = arith.constant 0 : i32
        %ne3A_711 = arith.cmpi ne, %rem3A_709, %ne3A_710 : i32
        %lt3A_712 = arith.constant 0 : i32
        %lt3A_713 = arith.cmpi slt, %rem3A_709, %lt3A_712 : i32
        %lt3A_714 = arith.constant 0 : i32
        %lt3A_715 = arith.cmpi slt, %select_n3A_708, %lt3A_714 : i32
        %ne3A_716 = arith.xori %lt3A_713, %lt3A_715 : i1
        %and3A_717 = arith.andi %ne3A_716, %ne3A_711 : i1
        %add3A_718 = arith.addi %rem3A_709, %select_n3A_708 : i32
        %select_n3A_719 = arith.select %and3A_717, %add3A_718, %rem3A_709 : i32
        %dma_wait3A_720 = arith.constant 1 : i32
        %dma_wait3A_721 = arith.constant 0 : i32
        %dma_wait3A_722 = arith.constant 0 : i32
        %dma_wait3A_723 = tpu.memref_slice %arg9[%select_n3A_668, %dma_wait3A_721, %dma_wait3A_722] : memref<6x2x64xi32, #tpu.memory_space<vmem>> -> memref<1x2x64xi32, #tpu.memory_space<vmem>>
        %dma_wait3A_724 = tpu.memref_squeeze %dma_wait3A_723 : memref<1x2x64xi32, #tpu.memory_space<vmem>> -> memref<2x64xi32, #tpu.memory_space<vmem>>
        %dma_wait3A_725 = arith.constant 0 : i32
        %dma_wait3A_726 = tpu.memref_slice %dma_wait3A_724[%dma_wait3A_720, %dma_wait3A_725] : memref<2x64xi32, #tpu.memory_space<vmem>> -> memref<1x64xi32, #tpu.memory_space<vmem>>
        %dma_wait3A_727 = tpu.memref_squeeze %dma_wait3A_726 : memref<1x64xi32, #tpu.memory_space<vmem>> -> memref<64xi32, #tpu.memory_space<vmem>>
        %dma_wait3A_728 = tpu.memref_slice %arg6[%add3A_652] : memref<323584xi32, #tpu.memory_space<hbm>> -> memref<64xi32, #tpu.memory_space<hbm>>
        %dma_wait3A_729 = tpu.memref_slice %arg15[%select_n3A_719] : memref<6x!tpu.dma_semaphore, #tpu.memory_space<semaphore_mem>> -> memref<1x!tpu.dma_semaphore, #tpu.memory_space<semaphore_mem>>
        %dma_wait3A_730 = tpu.memref_squeeze %dma_wait3A_729 : memref<1x!tpu.dma_semaphore, #tpu.memory_space<semaphore_mem>> -> memref<!tpu.dma_semaphore, #tpu.memory_space<semaphore_mem>>
        %dma_wait3A_731 = arith.constant 0 : i32
        %dma_wait3A_732 = arith.constant 0 : i32
        %dma_wait3A_733 = tpu.memref_slice %arg9[%select_n3A_668, %dma_wait3A_731, %dma_wait3A_732] : memref<6x2x64xi32, #tpu.memory_space<vmem>> -> memref<1x2x64xi32, #tpu.memory_space<vmem>>
        %dma_wait3A_734 = tpu.memref_squeeze %dma_wait3A_733 : memref<1x2x64xi32, #tpu.memory_space<vmem>> -> memref<2x64xi32, #tpu.memory_space<vmem>>
        %dma_wait3A_735 = arith.constant 0 : i32
        %dma_wait3A_736 = tpu.memref_slice %dma_wait3A_734[%dma_wait3A_720, %dma_wait3A_735] : memref<2x64xi32, #tpu.memory_space<vmem>> -> memref<1x64xi32, #tpu.memory_space<vmem>>
        %dma_wait3A_737 = tpu.memref_squeeze %dma_wait3A_736 : memref<1x64xi32, #tpu.memory_space<vmem>> -> memref<64xi32, #tpu.memory_space<vmem>>
        %dma_wait3A_738 = tpu.memref_slice %arg6[%add3A_652] : memref<323584xi32, #tpu.memory_space<hbm>> -> memref<64xi32, #tpu.memory_space<hbm>>
        tpu.wait_dma2 semaphore(%dma_wait3A_730 : memref<!tpu.dma_semaphore, #tpu.memory_space<semaphore_mem>>) src(%dma_wait3A_738 : memref<64xi32, #tpu.memory_space<hbm>>) dst(%dma_wait3A_737 : memref<64xi32, #tpu.memory_space<vmem>>)
        %add3A_739 = arith.constant 2 : i32
        %add3A_740 = arith.addi %scan3A_391, %add3A_739 : i32
        %mul3A_741 = arith.constant 64 : i32
        %mul3A_742 = arith.muli %add3A_740, %mul3A_741 : i32
        %add3A_743 = arith.addi %mul3A_2, %mul3A_742 : i32
        %jit3A_744 = arith.constant 6 : i32
        %eq3A_745 = arith.constant 0 : i32
        %eq3A_746 = arith.cmpi eq, %jit3A_744, %eq3A_745 : i32
        %jit3A_747 = arith.constant 1 : i32
        %select_n3A_748 = arith.select %eq3A_746, %jit3A_747, %jit3A_744 : i32
        %rem3A_749 = arith.remsi %add3A_740, %select_n3A_748 : i32
        %ne3A_750 = arith.constant 0 : i32
        %ne3A_751 = arith.cmpi ne, %rem3A_749, %ne3A_750 : i32
        %lt3A_752 = arith.constant 0 : i32
        %lt3A_753 = arith.cmpi slt, %rem3A_749, %lt3A_752 : i32
        %lt3A_754 = arith.constant 0 : i32
        %lt3A_755 = arith.cmpi slt, %select_n3A_748, %lt3A_754 : i32
        %ne3A_756 = arith.xori %lt3A_753, %lt3A_755 : i1
        %and3A_757 = arith.andi %ne3A_756, %ne3A_751 : i1
        %add3A_758 = arith.addi %rem3A_749, %select_n3A_748 : i32
        %select_n3A_759 = arith.select %and3A_757, %add3A_758, %rem3A_749 : i32
        %jit3A_760 = arith.constant 2 : i32
        %eq3A_761 = arith.constant 0 : i32
        %eq3A_762 = arith.cmpi eq, %jit3A_760, %eq3A_761 : i32
        %jit3A_763 = arith.constant 1 : i32
        %select_n3A_764 = arith.select %eq3A_762, %jit3A_763, %jit3A_760 : i32
        %rem3A_765 = arith.remsi %add3A_740, %select_n3A_764 : i32
        %ne3A_766 = arith.constant 0 : i32
        %ne3A_767 = arith.cmpi ne, %rem3A_765, %ne3A_766 : i32
        %lt3A_768 = arith.constant 0 : i32
        %lt3A_769 = arith.cmpi slt, %rem3A_765, %lt3A_768 : i32
        %lt3A_770 = arith.constant 0 : i32
        %lt3A_771 = arith.cmpi slt, %select_n3A_764, %lt3A_770 : i32
        %ne3A_772 = arith.xori %lt3A_769, %lt3A_771 : i1
        %and3A_773 = arith.andi %ne3A_772, %ne3A_767 : i1
        %add3A_774 = arith.addi %rem3A_765, %select_n3A_764 : i32
        %select_n3A_775 = arith.select %and3A_773, %add3A_774, %rem3A_765 : i32
        %jit3A_776 = arith.constant 2 : i32
        %eq3A_777 = arith.constant 0 : i32
        %eq3A_778 = arith.cmpi eq, %jit3A_776, %eq3A_777 : i32
        %jit3A_779 = arith.constant 1 : i32
        %select_n3A_780 = arith.select %eq3A_778, %jit3A_779, %jit3A_776 : i32
        %rem3A_781 = arith.remsi %add3A_740, %select_n3A_780 : i32
        %ne3A_782 = arith.constant 0 : i32
        %ne3A_783 = arith.cmpi ne, %rem3A_781, %ne3A_782 : i32
        %lt3A_784 = arith.constant 0 : i32
        %lt3A_785 = arith.cmpi slt, %rem3A_781, %lt3A_784 : i32
        %lt3A_786 = arith.constant 0 : i32
        %lt3A_787 = arith.cmpi slt, %select_n3A_780, %lt3A_786 : i32
        %ne3A_788 = arith.xori %lt3A_785, %lt3A_787 : i1
        %and3A_789 = arith.andi %ne3A_788, %ne3A_783 : i1
        %add3A_790 = arith.addi %rem3A_781, %select_n3A_780 : i32
        %select_n3A_791 = arith.select %and3A_789, %add3A_790, %rem3A_781 : i32
        %dma_start3A_792 = arith.constant 0 : i32
        %dma_start3A_793 = arith.constant 0 : i32
        %dma_start3A_794 = arith.constant 0 : i32
        %dma_start3A_795 = tpu.memref_slice %arg10[%select_n3A_775, %dma_start3A_793, %dma_start3A_794] : memref<2x64x128xf32, #tpu.memory_space<vmem>> -> memref<1x64x128xf32, #tpu.memory_space<vmem>>
        %dma_start3A_796 = tpu.memref_squeeze %dma_start3A_795 : memref<1x64x128xf32, #tpu.memory_space<vmem>> -> memref<64x128xf32, #tpu.memory_space<vmem>>
        %dma_start3A_797 = arith.constant 0 : i32
        %dma_start3A_798 = arith.constant 0 : i32
        %dma_start3A_799 = tpu.memref_slice %arg9[%select_n3A_759, %dma_start3A_797, %dma_start3A_798] : memref<6x2x64xi32, #tpu.memory_space<vmem>> -> memref<1x2x64xi32, #tpu.memory_space<vmem>>
        %dma_start3A_800 = tpu.memref_squeeze %dma_start3A_799 : memref<1x2x64xi32, #tpu.memory_space<vmem>> -> memref<2x64xi32, #tpu.memory_space<vmem>>
        %dma_start3A_801 = arith.constant 0 : i32
        %dma_start3A_802 = tpu.memref_slice %dma_start3A_800[%dma_start3A_792, %dma_start3A_801] : memref<2x64xi32, #tpu.memory_space<vmem>> -> memref<1x64xi32, #tpu.memory_space<vmem>>
        %dma_start3A_803 = tpu.memref_squeeze %dma_start3A_802 : memref<1x64xi32, #tpu.memory_space<vmem>> -> memref<64xi32, #tpu.memory_space<vmem>>
        %dma_start3A_804 = arith.constant 0 : i32
        %dma_start3A_805 = arith.constant 0 : i32
        %dma_start3A_806 = tpu.memref_slice %arg2[%dma_start3A_804, %dma_start3A_805] : memref<10000x128xf32, #tpu.memory_space<hbm>> -> memref<10000x128xf32, #tpu.memory_space<hbm>>
        %dma_start3A_807 = tpu.memref_slice %arg16[%select_n3A_791] : memref<2x!tpu.dma_semaphore, #tpu.memory_space<semaphore_mem>> -> memref<1x!tpu.dma_semaphore, #tpu.memory_space<semaphore_mem>>
        %dma_start3A_808 = tpu.memref_squeeze %dma_start3A_807 : memref<1x!tpu.dma_semaphore, #tpu.memory_space<semaphore_mem>> -> memref<!tpu.dma_semaphore, #tpu.memory_space<semaphore_mem>>
        tpu.enqueue_indirect_dma source(%dma_start3A_806 : memref<10000x128xf32, #tpu.memory_space<hbm>>) target(%dma_start3A_796 : memref<64x128xf32, #tpu.memory_space<vmem>>) offsets(%dma_start3A_803 : memref<64xi32, #tpu.memory_space<vmem>>) semaphore(%dma_start3A_808 : memref<!tpu.dma_semaphore, #tpu.memory_space<semaphore_mem>>)
        %jit3A_809 = arith.constant 2 : i32
        %eq3A_810 = arith.constant 0 : i32
        %eq3A_811 = arith.cmpi eq, %jit3A_809, %eq3A_810 : i32
        %jit3A_812 = arith.constant 1 : i32
        %select_n3A_813 = arith.select %eq3A_811, %jit3A_812, %jit3A_809 : i32
        %rem3A_814 = arith.remsi %add3A_740, %select_n3A_813 : i32
        %ne3A_815 = arith.constant 0 : i32
        %ne3A_816 = arith.cmpi ne, %rem3A_814, %ne3A_815 : i32
        %lt3A_817 = arith.constant 0 : i32
        %lt3A_818 = arith.cmpi slt, %rem3A_814, %lt3A_817 : i32
        %lt3A_819 = arith.constant 0 : i32
        %lt3A_820 = arith.cmpi slt, %select_n3A_813, %lt3A_819 : i32
        %ne3A_821 = arith.xori %lt3A_818, %lt3A_820 : i1
        %and3A_822 = arith.andi %ne3A_821, %ne3A_816 : i1
        %add3A_823 = arith.addi %rem3A_814, %select_n3A_813 : i32
        %select_n3A_824 = arith.select %and3A_822, %add3A_823, %rem3A_814 : i32
        %jit3A_825 = arith.constant 2 : i32
        %eq3A_826 = arith.constant 0 : i32
        %eq3A_827 = arith.cmpi eq, %jit3A_825, %eq3A_826 : i32
        %jit3A_828 = arith.constant 1 : i32
        %select_n3A_829 = arith.select %eq3A_827, %jit3A_828, %jit3A_825 : i32
        %rem3A_830 = arith.remsi %add3A_740, %select_n3A_829 : i32
        %ne3A_831 = arith.constant 0 : i32
        %ne3A_832 = arith.cmpi ne, %rem3A_830, %ne3A_831 : i32
        %lt3A_833 = arith.constant 0 : i32
        %lt3A_834 = arith.cmpi slt, %rem3A_830, %lt3A_833 : i32
        %lt3A_835 = arith.constant 0 : i32
        %lt3A_836 = arith.cmpi slt, %select_n3A_829, %lt3A_835 : i32
        %ne3A_837 = arith.xori %lt3A_834, %lt3A_836 : i1
        %and3A_838 = arith.andi %ne3A_837, %ne3A_832 : i1
        %add3A_839 = arith.addi %rem3A_830, %select_n3A_829 : i32
        %select_n3A_840 = arith.select %and3A_838, %add3A_839, %rem3A_830 : i32
        %dma_start3A_841 = arith.constant 0 : i32
        %dma_start3A_842 = arith.constant 0 : i32
        %dma_start3A_843 = tpu.memref_slice %arg12[%select_n3A_824, %dma_start3A_841, %dma_start3A_842] : memref<2x64x128xf32, #tpu.memory_space<vmem>> -> memref<1x64x128xf32, #tpu.memory_space<vmem>>
        %dma_start3A_844 = tpu.memref_squeeze %dma_start3A_843 : memref<1x64x128xf32, #tpu.memory_space<vmem>> -> memref<64x128xf32, #tpu.memory_space<vmem>>
        %dma_start3A_845 = arith.constant 0 : i32
        %dma_start3A_846 = tpu.memref_slice %arg3[%add3A_743, %dma_start3A_845] : memref<323584x128xf32, #tpu.memory_space<hbm>> -> memref<64x128xf32, #tpu.memory_space<hbm>>
        %dma_start3A_847 = tpu.memref_slice %arg17[%select_n3A_840] : memref<2x!tpu.dma_semaphore, #tpu.memory_space<semaphore_mem>> -> memref<1x!tpu.dma_semaphore, #tpu.memory_space<semaphore_mem>>
        %dma_start3A_848 = tpu.memref_squeeze %dma_start3A_847 : memref<1x!tpu.dma_semaphore, #tpu.memory_space<semaphore_mem>> -> memref<!tpu.dma_semaphore, #tpu.memory_space<semaphore_mem>>
        %dma_start3A_849 = arith.constant 0 : i32
        %dma_start3A_850 = arith.constant 0 : i32
        %dma_start3A_851 = tpu.memref_slice %arg12[%select_n3A_824, %dma_start3A_849, %dma_start3A_850] : memref<2x64x128xf32, #tpu.memory_space<vmem>> -> memref<1x64x128xf32, #tpu.memory_space<vmem>>
        %dma_start3A_852 = tpu.memref_squeeze %dma_start3A_851 : memref<1x64x128xf32, #tpu.memory_space<vmem>> -> memref<64x128xf32, #tpu.memory_space<vmem>>
        %dma_start3A_853 = arith.constant 0 : i32
        %dma_start3A_854 = tpu.memref_slice %arg3[%add3A_743, %dma_start3A_853] : memref<323584x128xf32, #tpu.memory_space<hbm>> -> memref<64x128xf32, #tpu.memory_space<hbm>>
        tpu.enqueue_dma source(%dma_start3A_854 : memref<64x128xf32, #tpu.memory_space<hbm>>) target(%dma_start3A_852 : memref<64x128xf32, #tpu.memory_space<vmem>>) target_semaphore(%dma_start3A_848 : memref<!tpu.dma_semaphore, #tpu.memory_space<semaphore_mem>>)
        %jit3A_855 = arith.constant 2 : i32
        %eq3A_856 = arith.constant 0 : i32
        %eq3A_857 = arith.cmpi eq, %jit3A_855, %eq3A_856 : i32
        %jit3A_858 = arith.constant 1 : i32
        %select_n3A_859 = arith.select %eq3A_857, %jit3A_858, %jit3A_855 : i32
        %rem3A_860 = arith.remsi %add3A_740, %select_n3A_859 : i32
        %ne3A_861 = arith.constant 0 : i32
        %ne3A_862 = arith.cmpi ne, %rem3A_860, %ne3A_861 : i32
        %lt3A_863 = arith.constant 0 : i32
        %lt3A_864 = arith.cmpi slt, %rem3A_860, %lt3A_863 : i32
        %lt3A_865 = arith.constant 0 : i32
        %lt3A_866 = arith.cmpi slt, %select_n3A_859, %lt3A_865 : i32
        %ne3A_867 = arith.xori %lt3A_864, %lt3A_866 : i1
        %and3A_868 = arith.andi %ne3A_867, %ne3A_862 : i1
        %add3A_869 = arith.addi %rem3A_860, %select_n3A_859 : i32
        %select_n3A_870 = arith.select %and3A_868, %add3A_869, %rem3A_860 : i32
        %jit3A_871 = arith.constant 2 : i32
        %eq3A_872 = arith.constant 0 : i32
        %eq3A_873 = arith.cmpi eq, %jit3A_871, %eq3A_872 : i32
        %jit3A_874 = arith.constant 1 : i32
        %select_n3A_875 = arith.select %eq3A_873, %jit3A_874, %jit3A_871 : i32
        %rem3A_876 = arith.remsi %add3A_740, %select_n3A_875 : i32
        %ne3A_877 = arith.constant 0 : i32
        %ne3A_878 = arith.cmpi ne, %rem3A_876, %ne3A_877 : i32
        %lt3A_879 = arith.constant 0 : i32
        %lt3A_880 = arith.cmpi slt, %rem3A_876, %lt3A_879 : i32
        %lt3A_881 = arith.constant 0 : i32
        %lt3A_882 = arith.cmpi slt, %select_n3A_875, %lt3A_881 : i32
        %ne3A_883 = arith.xori %lt3A_880, %lt3A_882 : i1
        %and3A_884 = arith.andi %ne3A_883, %ne3A_878 : i1
        %add3A_885 = arith.addi %rem3A_876, %select_n3A_875 : i32
        %select_n3A_886 = arith.select %and3A_884, %add3A_885, %rem3A_876 : i32
        %dma_start3A_887 = arith.constant 0 : i32
        %dma_start3A_888 = tpu.memref_slice %arg13[%select_n3A_870, %dma_start3A_887] : memref<2x80xf32, #tpu.memory_space<vmem>> -> memref<1x80xf32, #tpu.memory_space<vmem>>
        %dma_start3A_889 = tpu.memref_squeeze %dma_start3A_888 : memref<1x80xf32, #tpu.memory_space<vmem>> -> memref<80xf32, #tpu.memory_space<vmem>>
        %dma_start3A_890 = arith.constant 0 : i32
        %dma_start3A_891 = tpu.memref_slice %dma_start3A_889[%dma_start3A_890] : memref<80xf32, #tpu.memory_space<vmem>> -> memref<64xf32, #tpu.memory_space<vmem>>
        %dma_start3A_892 = tpu.memref_slice %arg4[%add3A_743] : memref<323584xf32, #tpu.memory_space<hbm>> -> memref<64xf32, #tpu.memory_space<hbm>>
        %dma_start3A_893 = tpu.memref_slice %arg18[%select_n3A_886] : memref<2x!tpu.dma_semaphore, #tpu.memory_space<semaphore_mem>> -> memref<1x!tpu.dma_semaphore, #tpu.memory_space<semaphore_mem>>
        %dma_start3A_894 = tpu.memref_squeeze %dma_start3A_893 : memref<1x!tpu.dma_semaphore, #tpu.memory_space<semaphore_mem>> -> memref<!tpu.dma_semaphore, #tpu.memory_space<semaphore_mem>>
        %dma_start3A_895 = arith.constant 0 : i32
        %dma_start3A_896 = tpu.memref_slice %arg13[%select_n3A_870, %dma_start3A_895] : memref<2x80xf32, #tpu.memory_space<vmem>> -> memref<1x80xf32, #tpu.memory_space<vmem>>
        %dma_start3A_897 = tpu.memref_squeeze %dma_start3A_896 : memref<1x80xf32, #tpu.memory_space<vmem>> -> memref<80xf32, #tpu.memory_space<vmem>>
        %dma_start3A_898 = arith.constant 0 : i32
        %dma_start3A_899 = tpu.memref_slice %dma_start3A_897[%dma_start3A_898] : memref<80xf32, #tpu.memory_space<vmem>> -> memref<64xf32, #tpu.memory_space<vmem>>
        %dma_start3A_900 = tpu.memref_slice %arg4[%add3A_743] : memref<323584xf32, #tpu.memory_space<hbm>> -> memref<64xf32, #tpu.memory_space<hbm>>
        tpu.enqueue_dma source(%dma_start3A_900 : memref<64xf32, #tpu.memory_space<hbm>>) target(%dma_start3A_899 : memref<64xf32, #tpu.memory_space<vmem>>) target_semaphore(%dma_start3A_894 : memref<!tpu.dma_semaphore, #tpu.memory_space<semaphore_mem>>)
      } else {
      }
      %add3A_641 = arith.constant 3 : i32
      %add3A_642 = arith.addi %scan3A_391, %add3A_641 : i32
      %lt3A_643 = arith.constant 158 : i32
      %lt3A_644 = arith.cmpi slt, %add3A_642, %lt3A_643 : i32
      %convert_element_type3A_645 = arith.extui %lt3A_644 : i1 to i32
      %cond3A_646 = arith.constant 0 : i32
      %cond3A_647 = arith.cmpi ne, %convert_element_type3A_645, %cond3A_646 : i32
      scf.if %cond3A_647 {
        %add3A_648 = arith.constant 3 : i32
        %add3A_649 = arith.addi %scan3A_391, %add3A_648 : i32
        %mul3A_650 = arith.constant 64 : i32
        %mul3A_651 = arith.muli %add3A_649, %mul3A_650 : i32
        %add3A_652 = arith.addi %mul3A_2, %mul3A_651 : i32
        %jit3A_653 = arith.constant 6 : i32
        %eq3A_654 = arith.constant 0 : i32
        %eq3A_655 = arith.cmpi eq, %jit3A_653, %eq3A_654 : i32
        %jit3A_656 = arith.constant 1 : i32
        %select_n3A_657 = arith.select %eq3A_655, %jit3A_656, %jit3A_653 : i32
        %rem3A_658 = arith.remsi %add3A_649, %select_n3A_657 : i32
        %ne3A_659 = arith.constant 0 : i32
        %ne3A_660 = arith.cmpi ne, %rem3A_658, %ne3A_659 : i32
        %lt3A_661 = arith.constant 0 : i32
        %lt3A_662 = arith.cmpi slt, %rem3A_658, %lt3A_661 : i32
        %lt3A_663 = arith.constant 0 : i32
        %lt3A_664 = arith.cmpi slt, %select_n3A_657, %lt3A_663 : i32
        %ne3A_665 = arith.xori %lt3A_662, %lt3A_664 : i1
        %and3A_666 = arith.andi %ne3A_665, %ne3A_660 : i1
        %add3A_667 = arith.addi %rem3A_658, %select_n3A_657 : i32
        %select_n3A_668 = arith.select %and3A_666, %add3A_667, %rem3A_658 : i32
        %jit3A_669 = arith.constant 6 : i32
        %eq3A_670 = arith.constant 0 : i32
        %eq3A_671 = arith.cmpi eq, %jit3A_669, %eq3A_670 : i32
        %jit3A_672 = arith.constant 1 : i32
        %select_n3A_673 = arith.select %eq3A_671, %jit3A_672, %jit3A_669 : i32
        %rem3A_674 = arith.remsi %add3A_649, %select_n3A_673 : i32
        %ne3A_675 = arith.constant 0 : i32
        %ne3A_676 = arith.cmpi ne, %rem3A_674, %ne3A_675 : i32
        %lt3A_677 = arith.constant 0 : i32
        %lt3A_678 = arith.cmpi slt, %rem3A_674, %lt3A_677 : i32
        %lt3A_679 = arith.constant 0 : i32
        %lt3A_680 = arith.cmpi slt, %select_n3A_673, %lt3A_679 : i32
        %ne3A_681 = arith.xori %lt3A_678, %lt3A_680 : i1
        %and3A_682 = arith.andi %ne3A_681, %ne3A_676 : i1
        %add3A_683 = arith.addi %rem3A_674, %select_n3A_673 : i32
        %select_n3A_684 = arith.select %and3A_682, %add3A_683, %rem3A_674 : i32
        %dma_start3A_685 = arith.constant 0 : i32
        %dma_start3A_686 = arith.constant 0 : i32
        %dma_start3A_687 = arith.constant 0 : i32
        %dma_start3A_688 = tpu.memref_slice %arg9[%select_n3A_668, %dma_start3A_686, %dma_start3A_687] : memref<6x2x64xi32, #tpu.memory_space<vmem>> -> memref<1x2x64xi32, #tpu.memory_space<vmem>>
        %dma_start3A_689 = tpu.memref_squeeze %dma_start3A_688 : memref<1x2x64xi32, #tpu.memory_space<vmem>> -> memref<2x64xi32, #tpu.memory_space<vmem>>
        %dma_start3A_690 = arith.constant 0 : i32
        %dma_start3A_691 = tpu.memref_slice %dma_start3A_689[%dma_start3A_685, %dma_start3A_690] : memref<2x64xi32, #tpu.memory_space<vmem>> -> memref<1x64xi32, #tpu.memory_space<vmem>>
        %dma_start3A_692 = tpu.memref_squeeze %dma_start3A_691 : memref<1x64xi32, #tpu.memory_space<vmem>> -> memref<64xi32, #tpu.memory_space<vmem>>
        %dma_start3A_693 = tpu.memref_slice %arg5[%add3A_652] : memref<323584xi32, #tpu.memory_space<hbm>> -> memref<64xi32, #tpu.memory_space<hbm>>
        %dma_start3A_694 = tpu.memref_slice %arg15[%select_n3A_684] : memref<6x!tpu.dma_semaphore, #tpu.memory_space<semaphore_mem>> -> memref<1x!tpu.dma_semaphore, #tpu.memory_space<semaphore_mem>>
        %dma_start3A_695 = tpu.memref_squeeze %dma_start3A_694 : memref<1x!tpu.dma_semaphore, #tpu.memory_space<semaphore_mem>> -> memref<!tpu.dma_semaphore, #tpu.memory_space<semaphore_mem>>
        %dma_start3A_696 = arith.constant 0 : i32
        %dma_start3A_697 = arith.constant 0 : i32
        %dma_start3A_698 = tpu.memref_slice %arg9[%select_n3A_668, %dma_start3A_696, %dma_start3A_697] : memref<6x2x64xi32, #tpu.memory_space<vmem>> -> memref<1x2x64xi32, #tpu.memory_space<vmem>>
        %dma_start3A_699 = tpu.memref_squeeze %dma_start3A_698 : memref<1x2x64xi32, #tpu.memory_space<vmem>> -> memref<2x64xi32, #tpu.memory_space<vmem>>
        %dma_start3A_700 = arith.constant 0 : i32
        %dma_start3A_701 = tpu.memref_slice %dma_start3A_699[%dma_start3A_685, %dma_start3A_700] : memref<2x64xi32, #tpu.memory_space<vmem>> -> memref<1x64xi32, #tpu.memory_space<vmem>>
        %dma_start3A_702 = tpu.memref_squeeze %dma_start3A_701 : memref<1x64xi32, #tpu.memory_space<vmem>> -> memref<64xi32, #tpu.memory_space<vmem>>
        %dma_start3A_703 = tpu.memref_slice %arg5[%add3A_652] : memref<323584xi32, #tpu.memory_space<hbm>> -> memref<64xi32, #tpu.memory_space<hbm>>
        tpu.enqueue_dma source(%dma_start3A_703 : memref<64xi32, #tpu.memory_space<hbm>>) target(%dma_start3A_702 : memref<64xi32, #tpu.memory_space<vmem>>) target_semaphore(%dma_start3A_695 : memref<!tpu.dma_semaphore, #tpu.memory_space<semaphore_mem>>)
        %jit3A_704 = arith.constant 6 : i32
        %eq3A_705 = arith.constant 0 : i32
        %eq3A_706 = arith.cmpi eq, %jit3A_704, %eq3A_705 : i32
        %jit3A_707 = arith.constant 1 : i32
        %select_n3A_708 = arith.select %eq3A_706, %jit3A_707, %jit3A_704 : i32
        %rem3A_709 = arith.remsi %add3A_649, %select_n3A_708 : i32
        %ne3A_710 = arith.constant 0 : i32
        %ne3A_711 = arith.cmpi ne, %rem3A_709, %ne3A_710 : i32
        %lt3A_712 = arith.constant 0 : i32
        %lt3A_713 = arith.cmpi slt, %rem3A_709, %lt3A_712 : i32
        %lt3A_714 = arith.constant 0 : i32
        %lt3A_715 = arith.cmpi slt, %select_n3A_708, %lt3A_714 : i32
        %ne3A_716 = arith.xori %lt3A_713, %lt3A_715 : i1
        %and3A_717 = arith.andi %ne3A_716, %ne3A_711 : i1
        %add3A_718 = arith.addi %rem3A_709, %select_n3A_708 : i32
        %select_n3A_719 = arith.select %and3A_717, %add3A_718, %rem3A_709 : i32
        %dma_start3A_720 = arith.constant 1 : i32
        %dma_start3A_721 = arith.constant 0 : i32
        %dma_start3A_722 = arith.constant 0 : i32
        %dma_start3A_723 = tpu.memref_slice %arg9[%select_n3A_668, %dma_start3A_721, %dma_start3A_722] : memref<6x2x64xi32, #tpu.memory_space<vmem>> -> memref<1x2x64xi32, #tpu.memory_space<vmem>>
        %dma_start3A_724 = tpu.memref_squeeze %dma_start3A_723 : memref<1x2x64xi32, #tpu.memory_space<vmem>> -> memref<2x64xi32, #tpu.memory_space<vmem>>
        %dma_start3A_725 = arith.constant 0 : i32
        %dma_start3A_726 = tpu.memref_slice %dma_start3A_724[%dma_start3A_720, %dma_start3A_725] : memref<2x64xi32, #tpu.memory_space<vmem>> -> memref<1x64xi32, #tpu.memory_space<vmem>>
        %dma_start3A_727 = tpu.memref_squeeze %dma_start3A_726 : memref<1x64xi32, #tpu.memory_space<vmem>> -> memref<64xi32, #tpu.memory_space<vmem>>
        %dma_start3A_728 = tpu.memref_slice %arg6[%add3A_652] : memref<323584xi32, #tpu.memory_space<hbm>> -> memref<64xi32, #tpu.memory_space<hbm>>
        %dma_start3A_729 = tpu.memref_slice %arg15[%select_n3A_719] : memref<6x!tpu.dma_semaphore, #tpu.memory_space<semaphore_mem>> -> memref<1x!tpu.dma_semaphore, #tpu.memory_space<semaphore_mem>>
        %dma_start3A_730 = tpu.memref_squeeze %dma_start3A_729 : memref<1x!tpu.dma_semaphore, #tpu.memory_space<semaphore_mem>> -> memref<!tpu.dma_semaphore, #tpu.memory_space<semaphore_mem>>
        %dma_start3A_731 = arith.constant 0 : i32
        %dma_start3A_732 = arith.constant 0 : i32
        %dma_start3A_733 = tpu.memref_slice %arg9[%select_n3A_668, %dma_start3A_731, %dma_start3A_732] : memref<6x2x64xi32, #tpu.memory_space<vmem>> -> memref<1x2x64xi32, #tpu.memory_space<vmem>>
        %dma_start3A_734 = tpu.memref_squeeze %dma_start3A_733 : memref<1x2x64xi32, #tpu.memory_space<vmem>> -> memref<2x64xi32, #tpu.memory_space<vmem>>
        %dma_start3A_735 = arith.constant 0 : i32
        %dma_start3A_736 = tpu.memref_slice %dma_start3A_734[%dma_start3A_720, %dma_start3A_735] : memref<2x64xi32, #tpu.memory_space<vmem>> -> memref<1x64xi32, #tpu.memory_space<vmem>>
        %dma_start3A_737 = tpu.memref_squeeze %dma_start3A_736 : memref<1x64xi32, #tpu.memory_space<vmem>> -> memref<64xi32, #tpu.memory_space<vmem>>
        %dma_start3A_738 = tpu.memref_slice %arg6[%add3A_652] : memref<323584xi32, #tpu.memory_space<hbm>> -> memref<64xi32, #tpu.memory_space<hbm>>
        tpu.enqueue_dma source(%dma_start3A_738 : memref<64xi32, #tpu.memory_space<hbm>>) target(%dma_start3A_737 : memref<64xi32, #tpu.memory_space<vmem>>) target_semaphore(%dma_start3A_730 : memref<!tpu.dma_semaphore, #tpu.memory_space<semaphore_mem>>)
      } else {
      }
    }
    %scan3A_339 = arith.constant 158 : i32
    %dma_wait3A_340 = arith.constant 0 : i32
    %dma_wait3A_341 = arith.constant 0 : i32
    %dma_wait3A_342 = arith.constant 1 : i32
    %dma_wait3A_343 = arith.constant 0 : i32
    %dma_wait3A_344 = arith.constant 0 : i32
    %dma_wait3A_345 = arith.constant 0 : i32
    %dma_wait3A_346 = tpu.memref_slice %arg11[%dma_wait3A_340, %dma_wait3A_344, %dma_wait3A_345] : memref<2x64x128xf32, #tpu.memory_space<vmem>> -> memref<1x64x128xf32, #tpu.memory_space<vmem>>
    %dma_wait3A_347 = tpu.memref_squeeze %dma_wait3A_346 : memref<1x64x128xf32, #tpu.memory_space<vmem>> -> memref<64x128xf32, #tpu.memory_space<vmem>>
    %dma_wait3A_348 = arith.constant 0 : i32
    %dma_wait3A_349 = arith.constant 0 : i32
    %dma_wait3A_350 = tpu.memref_slice %arg9[%dma_wait3A_341, %dma_wait3A_348, %dma_wait3A_349] : memref<6x2x64xi32, #tpu.memory_space<vmem>> -> memref<1x2x64xi32, #tpu.memory_space<vmem>>
    %dma_wait3A_351 = tpu.memref_squeeze %dma_wait3A_350 : memref<1x2x64xi32, #tpu.memory_space<vmem>> -> memref<2x64xi32, #tpu.memory_space<vmem>>
    %dma_wait3A_352 = arith.constant 0 : i32
    %dma_wait3A_353 = tpu.memref_slice %dma_wait3A_351[%dma_wait3A_342, %dma_wait3A_352] : memref<2x64xi32, #tpu.memory_space<vmem>> -> memref<1x64xi32, #tpu.memory_space<vmem>>
    %dma_wait3A_354 = tpu.memref_squeeze %dma_wait3A_353 : memref<1x64xi32, #tpu.memory_space<vmem>> -> memref<64xi32, #tpu.memory_space<vmem>>
    %dma_wait3A_355 = arith.constant 0 : i32
    %dma_wait3A_356 = arith.constant 0 : i32
    %dma_wait3A_357 = tpu.memref_slice %arg14[%dma_wait3A_355, %dma_wait3A_356] : memref<10008x128xf32, #tpu.memory_space<vmem_shared>> -> memref<10008x128xf32, #tpu.memory_space<vmem_shared>>
    %dma_wait3A_358 = tpu.memref_slice %arg19[%dma_wait3A_343] : memref<2x!tpu.dma_semaphore, #tpu.memory_space<semaphore_mem>> -> memref<1x!tpu.dma_semaphore, #tpu.memory_space<semaphore_mem>>
    %dma_wait3A_359 = tpu.memref_squeeze %dma_wait3A_358 : memref<1x!tpu.dma_semaphore, #tpu.memory_space<semaphore_mem>> -> memref<!tpu.dma_semaphore, #tpu.memory_space<semaphore_mem>>
    tpu.wait_indirect_dma semaphore(%dma_wait3A_359 : memref<!tpu.dma_semaphore, #tpu.memory_space<semaphore_mem>>) src(%dma_wait3A_347 : memref<64x128xf32, #tpu.memory_space<vmem>>) dst(%dma_wait3A_357 : memref<10008x128xf32, #tpu.memory_space<vmem_shared>>)
    %dma_wait3A_360 = arith.constant 1 : i32
    %dma_wait3A_361 = arith.constant 1 : i32
    %dma_wait3A_362 = arith.constant 1 : i32
    %dma_wait3A_363 = arith.constant 1 : i32
    %dma_wait3A_364 = arith.constant 0 : i32
    %dma_wait3A_365 = arith.constant 0 : i32
    %dma_wait3A_366 = tpu.memref_slice %arg11[%dma_wait3A_360, %dma_wait3A_364, %dma_wait3A_365] : memref<2x64x128xf32, #tpu.memory_space<vmem>> -> memref<1x64x128xf32, #tpu.memory_space<vmem>>
    %dma_wait3A_367 = tpu.memref_squeeze %dma_wait3A_366 : memref<1x64x128xf32, #tpu.memory_space<vmem>> -> memref<64x128xf32, #tpu.memory_space<vmem>>
    %dma_wait3A_368 = arith.constant 0 : i32
    %dma_wait3A_369 = arith.constant 0 : i32
    %dma_wait3A_370 = tpu.memref_slice %arg9[%dma_wait3A_361, %dma_wait3A_368, %dma_wait3A_369] : memref<6x2x64xi32, #tpu.memory_space<vmem>> -> memref<1x2x64xi32, #tpu.memory_space<vmem>>
    %dma_wait3A_371 = tpu.memref_squeeze %dma_wait3A_370 : memref<1x2x64xi32, #tpu.memory_space<vmem>> -> memref<2x64xi32, #tpu.memory_space<vmem>>
    %dma_wait3A_372 = arith.constant 0 : i32
    %dma_wait3A_373 = tpu.memref_slice %dma_wait3A_371[%dma_wait3A_362, %dma_wait3A_372] : memref<2x64xi32, #tpu.memory_space<vmem>> -> memref<1x64xi32, #tpu.memory_space<vmem>>
    %dma_wait3A_374 = tpu.memref_squeeze %dma_wait3A_373 : memref<1x64xi32, #tpu.memory_space<vmem>> -> memref<64xi32, #tpu.memory_space<vmem>>
    %dma_wait3A_375 = arith.constant 0 : i32
    %dma_wait3A_376 = arith.constant 0 : i32
    %dma_wait3A_377 = tpu.memref_slice %arg14[%dma_wait3A_375, %dma_wait3A_376] : memref<10008x128xf32, #tpu.memory_space<vmem_shared>> -> memref<10008x128xf32, #tpu.memory_space<vmem_shared>>
    %dma_wait3A_378 = tpu.memref_slice %arg19[%dma_wait3A_363] : memref<2x!tpu.dma_semaphore, #tpu.memory_space<semaphore_mem>> -> memref<1x!tpu.dma_semaphore, #tpu.memory_space<semaphore_mem>>
    %dma_wait3A_379 = tpu.memref_squeeze %dma_wait3A_378 : memref<1x!tpu.dma_semaphore, #tpu.memory_space<semaphore_mem>> -> memref<!tpu.dma_semaphore, #tpu.memory_space<semaphore_mem>>
    tpu.wait_indirect_dma semaphore(%dma_wait3A_379 : memref<!tpu.dma_semaphore, #tpu.memory_space<semaphore_mem>>) src(%dma_wait3A_367 : memref<64x128xf32, #tpu.memory_space<vmem>>) dst(%dma_wait3A_377 : memref<10008x128xf32, #tpu.memory_space<vmem_shared>>)
    %barrier3A_380 = arith.constant 0 : index
    tpu.barrier barrier_id(%barrier3A_380)
    %lt3A_381 = arith.constant 15 : i32
    %lt3A_382 = arith.cmpi slt, %arg1, %lt3A_381 : i32
    %convert_element_type3A_383 = arith.extui %lt3A_382 : i1 to i32
    %cond3A_384 = arith.constant 0 : i32
    %cond3A_385 = arith.cmpi ne, %convert_element_type3A_383, %cond3A_384 : i32
    scf.if %cond3A_385 {
      %mul3A_391 = arith.constant 632 : i32
      %mul3A_392 = arith.muli %arg1, %mul3A_391 : i32
      "tpu.region"() ({
        %run_scoped3A = tpu.sem_alloc : memref<!tpu.dma_semaphore, #tpu.memory_space<semaphore_mem>>
        %dma_start3A_393 = arith.constant 0 : i32
        %dma_start3A_394 = arith.constant 0 : i32
        %dma_start3A_395 = tpu.memref_slice %arg8[%arg0, %dma_start3A_393, %dma_start3A_394] : memref<2x10008x128xf32, #tpu.memory_space<hbm>> -> memref<1x10008x128xf32, #tpu.memory_space<hbm>>
        %dma_start3A_396 = tpu.memref_squeeze %dma_start3A_395 : memref<1x10008x128xf32, #tpu.memory_space<hbm>> -> memref<10008x128xf32, #tpu.memory_space<hbm>>
        %dma_start3A_397 = arith.constant 0 : i32
        %dma_start3A_398 = tpu.memref_slice %dma_start3A_396[%mul3A_392, %dma_start3A_397] : memref<10008x128xf32, #tpu.memory_space<hbm>> -> memref<632x128xf32, #tpu.memory_space<hbm>>
        %dma_start3A_399 = arith.constant 0 : i32
        %dma_start3A_400 = tpu.memref_slice %arg14[%mul3A_392, %dma_start3A_399] : memref<10008x128xf32, #tpu.memory_space<vmem_shared>> -> memref<632x128xf32, #tpu.memory_space<vmem_shared>>
        tpu.enqueue_dma source(%dma_start3A_400 : memref<632x128xf32, #tpu.memory_space<vmem_shared>>) target(%dma_start3A_398 : memref<632x128xf32, #tpu.memory_space<hbm>>) target_semaphore(%run_scoped3A : memref<!tpu.dma_semaphore, #tpu.memory_space<semaphore_mem>>)
        %dma_wait3A_401 = arith.constant 0 : i32
        %dma_wait3A_402 = arith.constant 0 : i32
        %dma_wait3A_403 = tpu.memref_slice %arg8[%arg0, %dma_wait3A_401, %dma_wait3A_402] : memref<2x10008x128xf32, #tpu.memory_space<hbm>> -> memref<1x10008x128xf32, #tpu.memory_space<hbm>>
        %dma_wait3A_404 = tpu.memref_squeeze %dma_wait3A_403 : memref<1x10008x128xf32, #tpu.memory_space<hbm>> -> memref<10008x128xf32, #tpu.memory_space<hbm>>
        %dma_wait3A_405 = arith.constant 0 : i32
        %dma_wait3A_406 = tpu.memref_slice %dma_wait3A_404[%mul3A_392, %dma_wait3A_405] : memref<10008x128xf32, #tpu.memory_space<hbm>> -> memref<632x128xf32, #tpu.memory_space<hbm>>
        %dma_wait3A_407 = arith.constant 0 : i32
        %dma_wait3A_408 = tpu.memref_slice %arg14[%mul3A_392, %dma_wait3A_407] : memref<10008x128xf32, #tpu.memory_space<vmem_shared>> -> memref<632x128xf32, #tpu.memory_space<vmem_shared>>
        tpu.wait_dma2 semaphore(%run_scoped3A : memref<!tpu.dma_semaphore, #tpu.memory_space<semaphore_mem>>) src(%dma_wait3A_408 : memref<632x128xf32, #tpu.memory_space<vmem_shared>>) dst(%dma_wait3A_406 : memref<632x128xf32, #tpu.memory_space<hbm>>)
        tpu.yield
      }) : () -> ()
    } else {
    }
    %eq3A_386 = arith.constant 15 : i32
    %eq3A_387 = arith.cmpi eq, %arg1, %eq3A_386 : i32
    %convert_element_type3A_388 = arith.extui %eq3A_387 : i1 to i32
    %cond3A_389 = arith.constant 0 : i32
    %cond3A_390 = arith.cmpi ne, %convert_element_type3A_388, %cond3A_389 : i32
    scf.if %cond3A_390 {
      "tpu.region"() ({
        %run_scoped3A = tpu.sem_alloc : memref<!tpu.dma_semaphore, #tpu.memory_space<semaphore_mem>>
        %dma_start3A_391 = arith.constant 0 : i32
        %dma_start3A_392 = arith.constant 0 : i32
        %dma_start3A_393 = tpu.memref_slice %arg8[%arg0, %dma_start3A_391, %dma_start3A_392] : memref<2x10008x128xf32, #tpu.memory_space<hbm>> -> memref<1x10008x128xf32, #tpu.memory_space<hbm>>
        %dma_start3A_394 = tpu.memref_squeeze %dma_start3A_393 : memref<1x10008x128xf32, #tpu.memory_space<hbm>> -> memref<10008x128xf32, #tpu.memory_space<hbm>>
        %dma_start3A_395 = arith.constant 9480 : i32
        %dma_start3A_396 = arith.constant 0 : i32
        %dma_start3A_397 = tpu.memref_slice %dma_start3A_394[%dma_start3A_395, %dma_start3A_396] : memref<10008x128xf32, #tpu.memory_space<hbm>> -> memref<528x128xf32, #tpu.memory_space<hbm>>
        %dma_start3A_398 = arith.constant 9480 : i32
        %dma_start3A_399 = arith.constant 0 : i32
        %dma_start3A_400 = tpu.memref_slice %arg14[%dma_start3A_398, %dma_start3A_399] : memref<10008x128xf32, #tpu.memory_space<vmem_shared>> -> memref<528x128xf32, #tpu.memory_space<vmem_shared>>
        tpu.enqueue_dma source(%dma_start3A_400 : memref<528x128xf32, #tpu.memory_space<vmem_shared>>) target(%dma_start3A_397 : memref<528x128xf32, #tpu.memory_space<hbm>>) target_semaphore(%run_scoped3A : memref<!tpu.dma_semaphore, #tpu.memory_space<semaphore_mem>>)
        %dma_wait3A_401 = arith.constant 0 : i32
        %dma_wait3A_402 = arith.constant 0 : i32
        %dma_wait3A_403 = tpu.memref_slice %arg8[%arg0, %dma_wait3A_401, %dma_wait3A_402] : memref<2x10008x128xf32, #tpu.memory_space<hbm>> -> memref<1x10008x128xf32, #tpu.memory_space<hbm>>
        %dma_wait3A_404 = tpu.memref_squeeze %dma_wait3A_403 : memref<1x10008x128xf32, #tpu.memory_space<hbm>> -> memref<10008x128xf32, #tpu.memory_space<hbm>>
        %dma_wait3A_405 = arith.constant 9480 : i32
        %dma_wait3A_406 = arith.constant 0 : i32
        %dma_wait3A_407 = tpu.memref_slice %dma_wait3A_404[%dma_wait3A_405, %dma_wait3A_406] : memref<10008x128xf32, #tpu.memory_space<hbm>> -> memref<528x128xf32, #tpu.memory_space<hbm>>
        %dma_wait3A_408 = arith.constant 9480 : i32
        %dma_wait3A_409 = arith.constant 0 : i32
        %dma_wait3A_410 = tpu.memref_slice %arg14[%dma_wait3A_408, %dma_wait3A_409] : memref<10008x128xf32, #tpu.memory_space<vmem_shared>> -> memref<528x128xf32, #tpu.memory_space<vmem_shared>>
        tpu.wait_dma2 semaphore(%run_scoped3A : memref<!tpu.dma_semaphore, #tpu.memory_space<semaphore_mem>>) src(%dma_wait3A_410 : memref<528x128xf32, #tpu.memory_space<vmem_shared>>) dst(%dma_wait3A_407 : memref<528x128xf32, #tpu.memory_space<hbm>>)
        tpu.yield
      }) : () -> ()
    } else {
    }
    return
  }
}

module attributes {stable_mosaic.version = 14 : i64} {
  func.func @_pre_body(%arg0: i32, %arg1: memref<1000x128xf32, #tpu.memory_space<vmem>>, %arg2: memref<128x128xf32, #tpu.memory_space<vmem>>, %arg3: memref<1000x128xf32, #tpu.memory_space<vmem>>) attributes {dimension_semantics = [#tpu.dimension_semantics<arbitrary>], iteration_bounds = array<i64: 10>, scalar_prefetch = 0 : i64, scratch_operands = 0 : i64, tpu.core_type = #tpu.core_type<tc>, window_params = [{transform_indices = @transform_0, window_bounds = array<i64: 1000, 128>}, {pipeline_mode = #tpu.pipeline_mode<synchronous>, transform_indices = @transform_1, window_bounds = array<i64: 128, 128>}, {transform_indices = @transform_2, window_bounds = array<i64: 1000, 128>}]} {
    %get3A = arith.constant 0 : index
    %get3A_0 = arith.constant 0 : index
    %get3A_1 = vector.load %arg1[%get3A, %get3A_0] : memref<1000x128xf32, #tpu.memory_space<vmem>>, vector<1000x128xf32>
    %get3A_2 = arith.constant 0 : index
    %get3A_3 = arith.constant 0 : index
    %get3A_4 = vector.load %arg2[%get3A_2, %get3A_3] : memref<128x128xf32, #tpu.memory_space<vmem>>, vector<128x128xf32>
    %dot_general3A = arith.constant dense<0.000000e+00> : vector<1000x128xf32>
    %dot_general3A_5 = tpu.matmul %get3A_1, %get3A_4, %dot_general3A {dimension_numbers = #tpu.dot_dimension_numbers<[1], [0], [0], [1], [0, 0, 1, 1], [], []>, transpose_lhs_hint = false} : vector<1000x128xf32>, vector<128x128xf32>, vector<1000x128xf32> -> vector<1000x128xf32>
    %swap3A = arith.constant 0 : index
    %swap3A_6 = arith.constant 0 : index
    %swap3A_7 = vector.load %arg3[%swap3A, %swap3A_6] : memref<1000x128xf32, #tpu.memory_space<vmem>>, vector<1000x128xf32>
    tpu.vector_store %arg3[%swap3A, %swap3A_6], %dot_general3A_5 {strides = array<i32>} : memref<1000x128xf32, #tpu.memory_space<vmem>>, vector<1000x128xf32>,
    return
  }
  func.func @transform_0(%arg0: i32) -> (i32, i32) {
    %c0_i32 = arith.constant 0 : i32
    %c0_i32_0 = arith.constant 0 : i32
    return %arg0, %c0_i32 : i32, i32
  }
  func.func @transform_1(%arg0: i32) -> (i32, i32) {
    %c0_i32 = arith.constant 0 : i32
    %c0_i32_0 = arith.constant 0 : i32
    %c0_i32_1 = arith.constant 0 : i32
    return %c0_i32, %c0_i32_0 : i32, i32
  }
  func.func @transform_2(%arg0: i32) -> (i32, i32) {
    %c0_i32 = arith.constant 0 : i32
    %c0_i32_0 = arith.constant 0 : i32
    return %arg0, %c0_i32 : i32, i32
  }
}

module attributes {stable_mosaic.version = 14 : i64} {
  func.func @_mlp_body(%arg0: i32, %arg1: memref<8x8192xf32, #tpu.memory_space<vmem>>, %arg2: memref<8x64xf32, #tpu.memory_space<vmem>>, %arg3: memref<64x64xf32, #tpu.memory_space<vmem>>, %arg4: memref<64x128xf32, #tpu.memory_space<vmem>>, %arg5: memref<8192x128xf32, #tpu.memory_space<vmem>>) attributes {dimension_semantics = [#tpu.dimension_semantics<arbitrary>], iteration_bounds = array<i64: 40>, scalar_prefetch = 0 : i64, scratch_operands = 0 : i64, tpu.core_type = #tpu.core_type<tc>, window_params = [{transform_indices = @transform_0, window_bounds = array<i64: 8, 8192>}, {pipeline_mode = #tpu.pipeline_mode<synchronous>, transform_indices = @transform_1, window_bounds = array<i64: 8, 64>}, {pipeline_mode = #tpu.pipeline_mode<synchronous>, transform_indices = @transform_2, window_bounds = array<i64: 64, 64>}, {pipeline_mode = #tpu.pipeline_mode<synchronous>, transform_indices = @transform_3, window_bounds = array<i64: 64, 128>}, {transform_indices = @transform_4, window_bounds = array<i64: 8192, 128>}]} {
    %get3A = arith.constant 0 : index
    %get3A_0 = arith.constant 0 : index
    %get3A_1 = vector.load %arg1[%get3A, %get3A_0] : memref<8x8192xf32, #tpu.memory_space<vmem>>, vector<8x8192xf32>
    %get3A_2 = arith.constant 0 : index
    %get3A_3 = arith.constant 0 : index
    %get3A_4 = vector.load %arg2[%get3A_2, %get3A_3] : memref<8x64xf32, #tpu.memory_space<vmem>>, vector<8x64xf32>
    %dot_general3A = arith.constant dense<0.000000e+00> : vector<8192x64xf32>
    %dot_general3A_5 = tpu.matmul %get3A_1, %get3A_4, %dot_general3A {dimension_numbers = #tpu.dot_dimension_numbers<[0], [0], [1], [1], [0, 1, 1, 1], [], []>, transpose_lhs_hint = false} : vector<8x8192xf32>, vector<8x64xf32>, vector<8192x64xf32> -> vector<8192x64xf32>
    %logistic3A = arith.negf %dot_general3A_5 : vector<8192x64xf32>
    %logistic3A_6 = math.exp %logistic3A : vector<8192x64xf32>
    %logistic3A_7 = arith.constant 1.000000e+00 : f32
    %logistic3A_8 = vector.broadcast %logistic3A_7 : f32 to vector<8192x64xf32>
    %logistic3A_9 = arith.addf %logistic3A_8, %logistic3A_6 : vector<8192x64xf32>
    %logistic3A_10 = arith.divf %logistic3A_8, %logistic3A_9 : vector<8192x64xf32>
    %mul3A = arith.mulf %dot_general3A_5, %logistic3A_10 : vector<8192x64xf32>
    %get3A_11 = arith.constant 0 : index
    %get3A_12 = arith.constant 0 : index
    %get3A_13 = vector.load %arg3[%get3A_11, %get3A_12] : memref<64x64xf32, #tpu.memory_space<vmem>>, vector<64x64xf32>
    %dot_general3A_14 = arith.constant dense<0.000000e+00> : vector<8192x64xf32>
    %dot_general3A_15 = tpu.matmul %mul3A, %get3A_13, %dot_general3A_14 {dimension_numbers = #tpu.dot_dimension_numbers<[1], [0], [0], [1], [0, 0, 1, 1], [], []>, transpose_lhs_hint = false} : vector<8192x64xf32>, vector<64x64xf32>, vector<8192x64xf32> -> vector<8192x64xf32>
    %logistic3A_16 = arith.negf %dot_general3A_15 : vector<8192x64xf32>
    %logistic3A_17 = math.exp %logistic3A_16 : vector<8192x64xf32>
    %logistic3A_18 = arith.constant 1.000000e+00 : f32
    %logistic3A_19 = vector.broadcast %logistic3A_18 : f32 to vector<8192x64xf32>
    %logistic3A_20 = arith.addf %logistic3A_19, %logistic3A_17 : vector<8192x64xf32>
    %logistic3A_21 = arith.divf %logistic3A_19, %logistic3A_20 : vector<8192x64xf32>
    %mul3A_22 = arith.mulf %dot_general3A_15, %logistic3A_21 : vector<8192x64xf32>
    %get3A_23 = arith.constant 0 : index
    %get3A_24 = arith.constant 0 : index
    %get3A_25 = vector.load %arg4[%get3A_23, %get3A_24] : memref<64x128xf32, #tpu.memory_space<vmem>>, vector<64x128xf32>
    %dot_general3A_26 = arith.constant dense<0.000000e+00> : vector<8192x128xf32>
    %dot_general3A_27 = tpu.matmul %mul3A_22, %get3A_25, %dot_general3A_26 {dimension_numbers = #tpu.dot_dimension_numbers<[1], [0], [0], [1], [0, 0, 1, 1], [], []>, transpose_lhs_hint = false} : vector<8192x64xf32>, vector<64x128xf32>, vector<8192x128xf32> -> vector<8192x128xf32>
    %mul3A_28 = arith.constant 8192 : i32
    %mul3A_29 = arith.muli %arg0, %mul3A_28 : i32
    %sub3A = arith.constant 320000 : i32
    %sub3A_30 = arith.subi %sub3A, %mul3A_29 : i32
    %iota3A = tpu.iota {dimensions = array<i32: 0>} : vector<8192x128xi32>
    %lt3A = vector.broadcast %sub3A_30 : i32 to vector<8192x128xi32>
    %lt3A_31 = arith.cmpi slt, %iota3A, %lt3A : vector<8192x128xi32>
    %jit3A = arith.constant 0.000000e+00 : f32
    %broadcast_in_dim3A = vector.broadcast %jit3A : f32 to vector<8192x128xf32>
    %select_n3A = arith.select %lt3A_31, %dot_general3A_27, %broadcast_in_dim3A : vector<8192x128xi1>, vector<8192x128xf32>
    %swap3A = arith.constant 0 : index
    %swap3A_32 = arith.constant 0 : index
    %swap3A_33 = vector.load %arg5[%swap3A, %swap3A_32] : memref<8192x128xf32, #tpu.memory_space<vmem>>, vector<8192x128xf32>
    tpu.vector_store %arg5[%swap3A, %swap3A_32], %select_n3A {strides = array<i32>} : memref<8192x128xf32, #tpu.memory_space<vmem>>, vector<8192x128xf32>,
    return
  }
  func.func @transform_0(%arg0: i32) -> (i32, i32) {
    %min3A = arith.constant 39 : i32
    %min3A_0 = arith.minsi %arg0, %min3A : i32
    %c0_i32 = arith.constant 0 : i32
    %c0_i32_1 = arith.constant 0 : i32
    return %c0_i32, %min3A_0 : i32, i32
  }
  func.func @transform_1(%arg0: i32) -> (i32, i32) {
    %c0_i32 = arith.constant 0 : i32
    %c0_i32_0 = arith.constant 0 : i32
    %c0_i32_1 = arith.constant 0 : i32
    return %c0_i32, %c0_i32_0 : i32, i32
  }
  func.func @transform_2(%arg0: i32) -> (i32, i32) {
    %c0_i32 = arith.constant 0 : i32
    %c0_i32_0 = arith.constant 0 : i32
    %c0_i32_1 = arith.constant 0 : i32
    return %c0_i32, %c0_i32_0 : i32, i32
  }
  func.func @transform_3(%arg0: i32) -> (i32, i32) {
    %c0_i32 = arith.constant 0 : i32
    %c0_i32_0 = arith.constant 0 : i32
    %c0_i32_1 = arith.constant 0 : i32
    return %c0_i32, %c0_i32_0 : i32, i32
  }
  func.func @transform_4(%arg0: i32) -> (i32, i32) {
    %c0_i32 = arith.constant 0 : i32
    %c0_i32_0 = arith.constant 0 : i32
    return %arg0, %c0_i32 : i32, i32
  }
}

module attributes {stable_mosaic.version = 14 : i64} {
  func.func @_post_body(%arg0: i32, %arg1: memref<2x1000x128xf32, #tpu.memory_space<vmem>>, %arg2: memref<1000x128xf32, #tpu.memory_space<vmem>>, %arg3: memref<1000x10xf32, #tpu.memory_space<vmem>>, %arg4: memref<128x128xf32, #tpu.memory_space<vmem>>, %arg5: memref<3x10x128xf32, #tpu.memory_space<vmem>>, %arg6: memref<10x128x128xf32, #tpu.memory_space<vmem>>, %arg7: memref<128x128xf32, #tpu.memory_space<vmem>>, %arg8: memref<1000x128xf32, #tpu.memory_space<vmem>>) attributes {dimension_semantics = [#tpu.dimension_semantics<arbitrary>], iteration_bounds = array<i64: 10>, scalar_prefetch = 0 : i64, scratch_operands = 0 : i64, tpu.core_type = #tpu.core_type<tc>, window_params = [{transform_indices = @transform_0, window_bounds = array<i64: 2, 1000, 128>}, {transform_indices = @transform_1, window_bounds = array<i64: 1000, 128>}, {transform_indices = @transform_2, window_bounds = array<i64: 1000, 10>}, {pipeline_mode = #tpu.pipeline_mode<synchronous>, transform_indices = @transform_3, window_bounds = array<i64: 128, 128>}, {pipeline_mode = #tpu.pipeline_mode<synchronous>, transform_indices = @transform_4, window_bounds = array<i64: 3, 10, 128>}, {pipeline_mode = #tpu.pipeline_mode<synchronous>, transform_indices = @transform_5, window_bounds = array<i64: 10, 128, 128>}, {pipeline_mode = #tpu.pipeline_mode<synchronous>, transform_indices = @transform_6, window_bounds = array<i64: 128, 128>}, {transform_indices = @transform_7, window_bounds = array<i64: 1000, 128>}]} {
    %get3A = arith.constant 0 : index
    %get3A_0 = arith.constant 0 : index
    %get3A_1 = arith.constant 0 : index
    %get3A_2 = vector.load %arg1[%get3A, %get3A_0, %get3A_1] : memref<2x1000x128xf32, #tpu.memory_space<vmem>>, vector<1x1000x128xf32>
    %get3A_3 = vector.shape_cast %get3A_2 : vector<1x1000x128xf32> to vector<1000x128xf32>
    %get3A_4 = arith.constant 1 : index
    %get3A_5 = arith.constant 0 : index
    %get3A_6 = arith.constant 0 : index
    %get3A_7 = vector.load %arg1[%get3A_4, %get3A_5, %get3A_6] : memref<2x1000x128xf32, #tpu.memory_space<vmem>>, vector<1x1000x128xf32>
    %get3A_8 = vector.shape_cast %get3A_7 : vector<1x1000x128xf32> to vector<1000x128xf32>
    %add3A = arith.addf %get3A_3, %get3A_8 : vector<1000x128xf32>
    %get3A_9 = arith.constant 0 : index
    %get3A_10 = arith.constant 0 : index
    %get3A_11 = vector.load %arg4[%get3A_9, %get3A_10] : memref<128x128xf32, #tpu.memory_space<vmem>>, vector<128x128xf32>
    %dot_general3A = arith.constant dense<0.000000e+00> : vector<1000x128xf32>
    %dot_general3A_12 = tpu.matmul %add3A, %get3A_11, %dot_general3A {dimension_numbers = #tpu.dot_dimension_numbers<[1], [0], [0], [1], [0, 0, 1, 1], [], []>, transpose_lhs_hint = false} : vector<1000x128xf32>, vector<128x128xf32>, vector<1000x128xf32> -> vector<1000x128xf32>
    %get3A_13 = arith.constant 0 : index
    %get3A_14 = arith.constant 0 : index
    %get3A_15 = vector.load %arg3[%get3A_13, %get3A_14] : memref<1000x10xf32, #tpu.memory_space<vmem>>, vector<1000x10xf32>
    %mul3A = arith.mulf %dot_general3A_12, %dot_general3A_12 : vector<1000x128xf32>
    %get3A_16 = arith.constant 0 : index
    %get3A_17 = arith.constant 0 : index
    %get3A_18 = arith.constant 0 : index
    %get3A_19 = vector.load %arg5[%get3A_16, %get3A_17, %get3A_18] : memref<3x10x128xf32, #tpu.memory_space<vmem>>, vector<1x10x128xf32>
    %get3A_20 = vector.shape_cast %get3A_19 : vector<1x10x128xf32> to vector<10x128xf32>
    %dot_general3A_21 = arith.constant dense<0.000000e+00> : vector<1000x128xf32>
    %dot_general3A_22 = tpu.matmul %get3A_15, %get3A_20, %dot_general3A_21 {dimension_numbers = #tpu.dot_dimension_numbers<[1], [0], [0], [1], [0, 0, 1, 1], [], []>, transpose_lhs_hint = false} : vector<1000x10xf32>, vector<10x128xf32>, vector<1000x128xf32> -> vector<1000x128xf32>
    %mul3A_23 = arith.mulf %dot_general3A_22, %dot_general3A_12 : vector<1000x128xf32>
    %get3A_24 = arith.constant 1 : index
    %get3A_25 = arith.constant 0 : index
    %get3A_26 = arith.constant 0 : index
    %get3A_27 = vector.load %arg5[%get3A_24, %get3A_25, %get3A_26] : memref<3x10x128xf32, #tpu.memory_space<vmem>>, vector<1x10x128xf32>
    %get3A_28 = vector.shape_cast %get3A_27 : vector<1x10x128xf32> to vector<10x128xf32>
    %dot_general3A_29 = arith.constant dense<0.000000e+00> : vector<1000x128xf32>
    %dot_general3A_30 = tpu.matmul %get3A_15, %get3A_28, %dot_general3A_29 {dimension_numbers = #tpu.dot_dimension_numbers<[1], [0], [0], [1], [0, 0, 1, 1], [], []>, transpose_lhs_hint = false} : vector<1000x10xf32>, vector<10x128xf32>, vector<1000x128xf32> -> vector<1000x128xf32>
    %mul3A_31 = arith.mulf %dot_general3A_30, %mul3A : vector<1000x128xf32>
    %add3A_32 = arith.addf %mul3A_23, %mul3A_31 : vector<1000x128xf32>
    %get3A_33 = arith.constant 2 : index
    %get3A_34 = arith.constant 0 : index
    %get3A_35 = arith.constant 0 : index
    %get3A_36 = vector.load %arg5[%get3A_33, %get3A_34, %get3A_35] : memref<3x10x128xf32, #tpu.memory_space<vmem>>, vector<1x10x128xf32>
    %get3A_37 = vector.shape_cast %get3A_36 : vector<1x10x128xf32> to vector<10x128xf32>
    %dot_general3A_38 = arith.constant dense<0.000000e+00> : vector<1000x128xf32>
    %dot_general3A_39 = tpu.matmul %get3A_15, %get3A_37, %dot_general3A_38 {dimension_numbers = #tpu.dot_dimension_numbers<[1], [0], [0], [1], [0, 0, 1, 1], [], []>, transpose_lhs_hint = false} : vector<1000x10xf32>, vector<10x128xf32>, vector<1000x128xf32> -> vector<1000x128xf32>
    %mul3A_40 = arith.mulf %mul3A, %dot_general3A_12 : vector<1000x128xf32>
    %mul3A_41 = arith.mulf %dot_general3A_39, %mul3A_40 : vector<1000x128xf32>
    %add3A_42 = arith.addf %add3A_32, %mul3A_41 : vector<1000x128xf32>
    %get3A_43 = arith.constant 0 : index
    %get3A_44 = arith.constant 0 : index
    %get3A_45 = vector.load %arg2[%get3A_43, %get3A_44] : memref<1000x128xf32, #tpu.memory_space<vmem>>, vector<1000x128xf32>
    %broadcast_in_dim3A = arith.constant 0.000000e+00 : f32
    %broadcast_in_dim3A_46 = vector.broadcast %broadcast_in_dim3A : f32 to vector<1000x128xf32>
    %slice3A = vector.extract_strided_slice %get3A_15 {offsets = [0, 0], sizes = [1000, 1], strides = [1, 1]} : vector<1000x10xf32> to vector<1000x1xf32>
    %get3A_47 = arith.constant 0 : index
    %get3A_48 = arith.constant 0 : index
    %get3A_49 = arith.constant 0 : index
    %get3A_50 = vector.load %arg6[%get3A_47, %get3A_48, %get3A_49] : memref<10x128x128xf32, #tpu.memory_space<vmem>>, vector<1x128x128xf32>
    %get3A_51 = vector.shape_cast %get3A_50 : vector<1x128x128xf32> to vector<128x128xf32>
    %dot_general3A_52 = arith.constant dense<0.000000e+00> : vector<1000x128xf32>
    %dot_general3A_53 = tpu.matmul %get3A_45, %get3A_51, %dot_general3A_52 {dimension_numbers = #tpu.dot_dimension_numbers<[1], [0], [0], [1], [0, 0, 1, 1], [], []>, transpose_lhs_hint = false} : vector<1000x128xf32>, vector<128x128xf32>, vector<1000x128xf32> -> vector<1000x128xf32>
    %mul3A_54 = vector.broadcast %slice3A : vector<1000x1xf32> to vector<1000x128xf32>
    %mul3A_55 = arith.mulf %mul3A_54, %dot_general3A_53 : vector<1000x128xf32>
    %add3A_56 = arith.addf %broadcast_in_dim3A_46, %mul3A_55 : vector<1000x128xf32>
    %slice3A_57 = vector.extract_strided_slice %get3A_15 {offsets = [0, 1], sizes = [1000, 1], strides = [1, 1]} : vector<1000x10xf32> to vector<1000x1xf32>
    %get3A_58 = arith.constant 1 : index
    %get3A_59 = arith.constant 0 : index
    %get3A_60 = arith.constant 0 : index
    %get3A_61 = vector.load %arg6[%get3A_58, %get3A_59, %get3A_60] : memref<10x128x128xf32, #tpu.memory_space<vmem>>, vector<1x128x128xf32>
    %get3A_62 = vector.shape_cast %get3A_61 : vector<1x128x128xf32> to vector<128x128xf32>
    %dot_general3A_63 = arith.constant dense<0.000000e+00> : vector<1000x128xf32>
    %dot_general3A_64 = tpu.matmul %get3A_45, %get3A_62, %dot_general3A_63 {dimension_numbers = #tpu.dot_dimension_numbers<[1], [0], [0], [1], [0, 0, 1, 1], [], []>, transpose_lhs_hint = false} : vector<1000x128xf32>, vector<128x128xf32>, vector<1000x128xf32> -> vector<1000x128xf32>
    %mul3A_65 = vector.broadcast %slice3A_57 : vector<1000x1xf32> to vector<1000x128xf32>
    %mul3A_66 = arith.mulf %mul3A_65, %dot_general3A_64 : vector<1000x128xf32>
    %add3A_67 = arith.addf %add3A_56, %mul3A_66 : vector<1000x128xf32>
    %slice3A_68 = vector.extract_strided_slice %get3A_15 {offsets = [0, 2], sizes = [1000, 1], strides = [1, 1]} : vector<1000x10xf32> to vector<1000x1xf32>
    %get3A_69 = arith.constant 2 : index
    %get3A_70 = arith.constant 0 : index
    %get3A_71 = arith.constant 0 : index
    %get3A_72 = vector.load %arg6[%get3A_69, %get3A_70, %get3A_71] : memref<10x128x128xf32, #tpu.memory_space<vmem>>, vector<1x128x128xf32>
    %get3A_73 = vector.shape_cast %get3A_72 : vector<1x128x128xf32> to vector<128x128xf32>
    %dot_general3A_74 = arith.constant dense<0.000000e+00> : vector<1000x128xf32>
    %dot_general3A_75 = tpu.matmul %get3A_45, %get3A_73, %dot_general3A_74 {dimension_numbers = #tpu.dot_dimension_numbers<[1], [0], [0], [1], [0, 0, 1, 1], [], []>, transpose_lhs_hint = false} : vector<1000x128xf32>, vector<128x128xf32>, vector<1000x128xf32> -> vector<1000x128xf32>
    %mul3A_76 = vector.broadcast %slice3A_68 : vector<1000x1xf32> to vector<1000x128xf32>
    %mul3A_77 = arith.mulf %mul3A_76, %dot_general3A_75 : vector<1000x128xf32>
    %add3A_78 = arith.addf %add3A_67, %mul3A_77 : vector<1000x128xf32>
    %slice3A_79 = vector.extract_strided_slice %get3A_15 {offsets = [0, 3], sizes = [1000, 1], strides = [1, 1]} : vector<1000x10xf32> to vector<1000x1xf32>
    %get3A_80 = arith.constant 3 : index
    %get3A_81 = arith.constant 0 : index
    %get3A_82 = arith.constant 0 : index
    %get3A_83 = vector.load %arg6[%get3A_80, %get3A_81, %get3A_82] : memref<10x128x128xf32, #tpu.memory_space<vmem>>, vector<1x128x128xf32>
    %get3A_84 = vector.shape_cast %get3A_83 : vector<1x128x128xf32> to vector<128x128xf32>
    %dot_general3A_85 = arith.constant dense<0.000000e+00> : vector<1000x128xf32>
    %dot_general3A_86 = tpu.matmul %get3A_45, %get3A_84, %dot_general3A_85 {dimension_numbers = #tpu.dot_dimension_numbers<[1], [0], [0], [1], [0, 0, 1, 1], [], []>, transpose_lhs_hint = false} : vector<1000x128xf32>, vector<128x128xf32>, vector<1000x128xf32> -> vector<1000x128xf32>
    %mul3A_87 = vector.broadcast %slice3A_79 : vector<1000x1xf32> to vector<1000x128xf32>
    %mul3A_88 = arith.mulf %mul3A_87, %dot_general3A_86 : vector<1000x128xf32>
    %add3A_89 = arith.addf %add3A_78, %mul3A_88 : vector<1000x128xf32>
    %slice3A_90 = vector.extract_strided_slice %get3A_15 {offsets = [0, 4], sizes = [1000, 1], strides = [1, 1]} : vector<1000x10xf32> to vector<1000x1xf32>
    %get3A_91 = arith.constant 4 : index
    %get3A_92 = arith.constant 0 : index
    %get3A_93 = arith.constant 0 : index
    %get3A_94 = vector.load %arg6[%get3A_91, %get3A_92, %get3A_93] : memref<10x128x128xf32, #tpu.memory_space<vmem>>, vector<1x128x128xf32>
    %get3A_95 = vector.shape_cast %get3A_94 : vector<1x128x128xf32> to vector<128x128xf32>
    %dot_general3A_96 = arith.constant dense<0.000000e+00> : vector<1000x128xf32>
    %dot_general3A_97 = tpu.matmul %get3A_45, %get3A_95, %dot_general3A_96 {dimension_numbers = #tpu.dot_dimension_numbers<[1], [0], [0], [1], [0, 0, 1, 1], [], []>, transpose_lhs_hint = false} : vector<1000x128xf32>, vector<128x128xf32>, vector<1000x128xf32> -> vector<1000x128xf32>
    %mul3A_98 = vector.broadcast %slice3A_90 : vector<1000x1xf32> to vector<1000x128xf32>
    %mul3A_99 = arith.mulf %mul3A_98, %dot_general3A_97 : vector<1000x128xf32>
    %add3A_100 = arith.addf %add3A_89, %mul3A_99 : vector<1000x128xf32>
    %slice3A_101 = vector.extract_strided_slice %get3A_15 {offsets = [0, 5], sizes = [1000, 1], strides = [1, 1]} : vector<1000x10xf32> to vector<1000x1xf32>
    %get3A_102 = arith.constant 5 : index
    %get3A_103 = arith.constant 0 : index
    %get3A_104 = arith.constant 0 : index
    %get3A_105 = vector.load %arg6[%get3A_102, %get3A_103, %get3A_104] : memref<10x128x128xf32, #tpu.memory_space<vmem>>, vector<1x128x128xf32>
    %get3A_106 = vector.shape_cast %get3A_105 : vector<1x128x128xf32> to vector<128x128xf32>
    %dot_general3A_107 = arith.constant dense<0.000000e+00> : vector<1000x128xf32>
    %dot_general3A_108 = tpu.matmul %get3A_45, %get3A_106, %dot_general3A_107 {dimension_numbers = #tpu.dot_dimension_numbers<[1], [0], [0], [1], [0, 0, 1, 1], [], []>, transpose_lhs_hint = false} : vector<1000x128xf32>, vector<128x128xf32>, vector<1000x128xf32> -> vector<1000x128xf32>
    %mul3A_109 = vector.broadcast %slice3A_101 : vector<1000x1xf32> to vector<1000x128xf32>
    %mul3A_110 = arith.mulf %mul3A_109, %dot_general3A_108 : vector<1000x128xf32>
    %add3A_111 = arith.addf %add3A_100, %mul3A_110 : vector<1000x128xf32>
    %slice3A_112 = vector.extract_strided_slice %get3A_15 {offsets = [0, 6], sizes = [1000, 1], strides = [1, 1]} : vector<1000x10xf32> to vector<1000x1xf32>
    %get3A_113 = arith.constant 6 : index
    %get3A_114 = arith.constant 0 : index
    %get3A_115 = arith.constant 0 : index
    %get3A_116 = vector.load %arg6[%get3A_113, %get3A_114, %get3A_115] : memref<10x128x128xf32, #tpu.memory_space<vmem>>, vector<1x128x128xf32>
    %get3A_117 = vector.shape_cast %get3A_116 : vector<1x128x128xf32> to vector<128x128xf32>
    %dot_general3A_118 = arith.constant dense<0.000000e+00> : vector<1000x128xf32>
    %dot_general3A_119 = tpu.matmul %get3A_45, %get3A_117, %dot_general3A_118 {dimension_numbers = #tpu.dot_dimension_numbers<[1], [0], [0], [1], [0, 0, 1, 1], [], []>, transpose_lhs_hint = false} : vector<1000x128xf32>, vector<128x128xf32>, vector<1000x128xf32> -> vector<1000x128xf32>
    %mul3A_120 = vector.broadcast %slice3A_112 : vector<1000x1xf32> to vector<1000x128xf32>
    %mul3A_121 = arith.mulf %mul3A_120, %dot_general3A_119 : vector<1000x128xf32>
    %add3A_122 = arith.addf %add3A_111, %mul3A_121 : vector<1000x128xf32>
    %slice3A_123 = vector.extract_strided_slice %get3A_15 {offsets = [0, 7], sizes = [1000, 1], strides = [1, 1]} : vector<1000x10xf32> to vector<1000x1xf32>
    %get3A_124 = arith.constant 7 : index
    %get3A_125 = arith.constant 0 : index
    %get3A_126 = arith.constant 0 : index
    %get3A_127 = vector.load %arg6[%get3A_124, %get3A_125, %get3A_126] : memref<10x128x128xf32, #tpu.memory_space<vmem>>, vector<1x128x128xf32>
    %get3A_128 = vector.shape_cast %get3A_127 : vector<1x128x128xf32> to vector<128x128xf32>
    %dot_general3A_129 = arith.constant dense<0.000000e+00> : vector<1000x128xf32>
    %dot_general3A_130 = tpu.matmul %get3A_45, %get3A_128, %dot_general3A_129 {dimension_numbers = #tpu.dot_dimension_numbers<[1], [0], [0], [1], [0, 0, 1, 1], [], []>, transpose_lhs_hint = false} : vector<1000x128xf32>, vector<128x128xf32>, vector<1000x128xf32> -> vector<1000x128xf32>
    %mul3A_131 = vector.broadcast %slice3A_123 : vector<1000x1xf32> to vector<1000x128xf32>
    %mul3A_132 = arith.mulf %mul3A_131, %dot_general3A_130 : vector<1000x128xf32>
    %add3A_133 = arith.addf %add3A_122, %mul3A_132 : vector<1000x128xf32>
    %slice3A_134 = vector.extract_strided_slice %get3A_15 {offsets = [0, 8], sizes = [1000, 1], strides = [1, 1]} : vector<1000x10xf32> to vector<1000x1xf32>
    %get3A_135 = arith.constant 8 : index
    %get3A_136 = arith.constant 0 : index
    %get3A_137 = arith.constant 0 : index
    %get3A_138 = vector.load %arg6[%get3A_135, %get3A_136, %get3A_137] : memref<10x128x128xf32, #tpu.memory_space<vmem>>, vector<1x128x128xf32>
    %get3A_139 = vector.shape_cast %get3A_138 : vector<1x128x128xf32> to vector<128x128xf32>
    %dot_general3A_140 = arith.constant dense<0.000000e+00> : vector<1000x128xf32>
    %dot_general3A_141 = tpu.matmul %get3A_45, %get3A_139, %dot_general3A_140 {dimension_numbers = #tpu.dot_dimension_numbers<[1], [0], [0], [1], [0, 0, 1, 1], [], []>, transpose_lhs_hint = false} : vector<1000x128xf32>, vector<128x128xf32>, vector<1000x128xf32> -> vector<1000x128xf32>
    %mul3A_142 = vector.broadcast %slice3A_134 : vector<1000x1xf32> to vector<1000x128xf32>
    %mul3A_143 = arith.mulf %mul3A_142, %dot_general3A_141 : vector<1000x128xf32>
    %add3A_144 = arith.addf %add3A_133, %mul3A_143 : vector<1000x128xf32>
    %slice3A_145 = vector.extract_strided_slice %get3A_15 {offsets = [0, 9], sizes = [1000, 1], strides = [1, 1]} : vector<1000x10xf32> to vector<1000x1xf32>
    %get3A_146 = arith.constant 9 : index
    %get3A_147 = arith.constant 0 : index
    %get3A_148 = arith.constant 0 : index
    %get3A_149 = vector.load %arg6[%get3A_146, %get3A_147, %get3A_148] : memref<10x128x128xf32, #tpu.memory_space<vmem>>, vector<1x128x128xf32>
    %get3A_150 = vector.shape_cast %get3A_149 : vector<1x128x128xf32> to vector<128x128xf32>
    %dot_general3A_151 = arith.constant dense<0.000000e+00> : vector<1000x128xf32>
    %dot_general3A_152 = tpu.matmul %get3A_45, %get3A_150, %dot_general3A_151 {dimension_numbers = #tpu.dot_dimension_numbers<[1], [0], [0], [1], [0, 0, 1, 1], [], []>, transpose_lhs_hint = false} : vector<1000x128xf32>, vector<128x128xf32>, vector<1000x128xf32> -> vector<1000x128xf32>
    %mul3A_153 = vector.broadcast %slice3A_145 : vector<1000x1xf32> to vector<1000x128xf32>
    %mul3A_154 = arith.mulf %mul3A_153, %dot_general3A_152 : vector<1000x128xf32>
    %add3A_155 = arith.addf %add3A_144, %mul3A_154 : vector<1000x128xf32>
    %add3A_156 = arith.addf %add3A_42, %add3A_155 : vector<1000x128xf32>
    %get3A_157 = arith.constant 0 : index
    %get3A_158 = arith.constant 0 : index
    %get3A_159 = vector.load %arg7[%get3A_157, %get3A_158] : memref<128x128xf32, #tpu.memory_space<vmem>>, vector<128x128xf32>
    %dot_general3A_160 = arith.constant dense<0.000000e+00> : vector<1000x128xf32>
    %dot_general3A_161 = tpu.matmul %add3A_156, %get3A_159, %dot_general3A_160 {dimension_numbers = #tpu.dot_dimension_numbers<[1], [0], [0], [1], [0, 0, 1, 1], [], []>, transpose_lhs_hint = false} : vector<1000x128xf32>, vector<128x128xf32>, vector<1000x128xf32> -> vector<1000x128xf32>
    %swap3A = arith.constant 0 : index
    %swap3A_162 = arith.constant 0 : index
    %swap3A_163 = vector.load %arg8[%swap3A, %swap3A_162] : memref<1000x128xf32, #tpu.memory_space<vmem>>, vector<1000x128xf32>
    tpu.vector_store %arg8[%swap3A, %swap3A_162], %dot_general3A_161 {strides = array<i32>} : memref<1000x128xf32, #tpu.memory_space<vmem>>, vector<1000x128xf32>,
    return
  }
  func.func @transform_0(%arg0: i32) -> (i32, i32, i32) {
    %c0_i32 = arith.constant 0 : i32
    %c0_i32_0 = arith.constant 0 : i32
    %c0_i32_1 = arith.constant 0 : i32
    return %c0_i32, %arg0, %c0_i32_0 : i32, i32, i32
  }
  func.func @transform_1(%arg0: i32) -> (i32, i32) {
    %c0_i32 = arith.constant 0 : i32
    %c0_i32_0 = arith.constant 0 : i32
    return %arg0, %c0_i32 : i32, i32
  }
  func.func @transform_2(%arg0: i32) -> (i32, i32) {
    %c0_i32 = arith.constant 0 : i32
    %c0_i32_0 = arith.constant 0 : i32
    return %arg0, %c0_i32 : i32, i32
  }
  func.func @transform_3(%arg0: i32) -> (i32, i32) {
    %c0_i32 = arith.constant 0 : i32
    %c0_i32_0 = arith.constant 0 : i32
    %c0_i32_1 = arith.constant 0 : i32
    return %c0_i32, %c0_i32_0 : i32, i32
  }
  func.func @transform_4(%arg0: i32) -> (i32, i32, i32) {
    %c0_i32 = arith.constant 0 : i32
    %c0_i32_0 = arith.constant 0 : i32
    %c0_i32_1 = arith.constant 0 : i32
    %c0_i32_2 = arith.constant 0 : i32
    return %c0_i32, %c0_i32_0, %c0_i32_1 : i32, i32, i32
  }
  func.func @transform_5(%arg0: i32) -> (i32, i32, i32) {
    %c0_i32 = arith.constant 0 : i32
    %c0_i32_0 = arith.constant 0 : i32
    %c0_i32_1 = arith.constant 0 : i32
    %c0_i32_2 = arith.constant 0 : i32
    return %c0_i32, %c0_i32_0, %c0_i32_1 : i32, i32, i32
  }
  func.func @transform_6(%arg0: i32) -> (i32, i32) {
    %c0_i32 = arith.constant 0 : i32
    %c0_i32_0 = arith.constant 0 : i32
    %c0_i32_1 = arith.constant 0 : i32
    return %c0_i32, %c0_i32_0 : i32, i32
  }
  func.func @transform_7(%arg0: i32) -> (i32, i32) {
    %c0_i32 = arith.constant 0 : i32
    %c0_i32_0 = arith.constant 0 : i32
    return %arg0, %c0_i32 : i32, i32
  }
}

</mosaic_0001>

<sc_bundles>
// kernel: kernel.6.cloned.1.call-start
scs
__scs_entry_jumppad:
0x0: {  	(pc) =	sbr.rel $0x88, $3  }
0x1: {  	(tag) =	ssettag $0x0;
	lr =	simm.s32 $0x1  }
0x2: {  	[smem:$0x3F94] =	sst lr;
	_ =	strace $0xD0000000  }
0x3: {  	_ = 	snop  }
0x4: {  	_ = 	snop  }
0x5: {  	_ = 	snop  }
0x6: {  	_ = 	snop  }
0x7: {  	_ = 	snop  }
__scs_overlays_trampoline_lowered:
0x8: {  	[smem:$0x3FA3] =	sst s0  }
0x9: {  	[smem:$0x3FA4] =	sst s1  }
0xa: {  	[smem:$0x3FA5] =	sst s2  }
0xb: {  	[smem:$0x3FA6] =	sst s3  }
0xc: {  	[smem:$0x3FA7] =	sst s4  }
0xd: {  	[smem:$0x3FA8] =	sst s5  }
0xe: {  	[smem:$0x3FA9] =	sst s6  }
0xf: {  	[smem:$0x3FAA] =	sst s7  }
0x10: {  	[smem:$0x3FAB] =	sst s8  }
0x11: {  	[smem:$0x3FAC] =	sst s9;
	s0 =	simm.s32 @!p0 $0x0  }
0x12: {  	s1 =	sld [smem:$0x3F92];
	s0 =	simm.s32 @p0 $0x1  }
0x13: {  	[smem:$0x3FAD] =	sst s0;
	s0 =	simm.s32 @!p1 $0x0  }
0x14: {  	s2 =	sld [smem:$0x3F91];
	s0 =	simm.s32 @p1 $0x1  }
0x15: {  	[smem:$0x3FAE] =	sst s0;
	s0 =	simm.s32 @!p2 $0x0  }
0x16: {  	s3 =	sld [smem:$0x3FDB];
	s0 =	simm.s32 @p2 $0x1  }
0x17: {  	s4 =	simm.s32 $0x1BF5;
	[smem:$0x3FB0] =	sst s0  }
0x18: {  	s0 =	sld [smem:$0x3F93];
	_ =	swait.ge [sflag:s4], $0x0  }
0x19: {  	s7 =	sld [smem:$0x3F94]  }
0x1a: {  	s8 =	sadd.s32 $0xFFFFE003, lr  }
0x1b: {  	s9 =	sadd.s32 $0xFFFFFEF7, lr;
	s5 =	simm.s32 $0xFFFFFFFF;
	p2 =	slt.u32 s8, $0xFFFFF086  }
0x1c: {  	p1 =	slt.u32 s9, $0xF7A;
	s5 =	simm.s32 @!p2 $0x0  }
0x1d: {  	s5 =	simm.s32 @p1 $0x1;
	p0 =	seq.s32 s7, s2  }
0x1e: {  	s7 =	smul.u32 @!p0 $0xF7A, s2;
	p2 =	seq.s32 @!p0 s5, $0x0  }
0x1f: {  	s9 =	smul.u32 $0xF7A, s1;
	s8 =	simm.s32 @!p0 $0x1BF5;
	p2 =	por !p2, p0  }
0x20: {  	[sflag:s8] =	ssyncset.s32 @!p0 $0xFFFFF086;
	s6 =	sadd.s32 @!p0 s3, s7;
	s7 =	simm.s32 @!p0 $0x108  }
0x21: {  	s3 =	sadd.s32 s3, s9;
	s6 =	sadd.s32 @!p0 $0x88, s6;
	s7 =	simm.s32 @p2 $0x1082  }
0x22: {  	[simem:s7], [sflag:s8] =	dma.local @!p0 [hbm:s6], $0xF7A  }
0x23: {  	s9 =	sor.u32 $0xD0000000, s2;
	s6 =	simm.s32 $0x108;
	_ =	swait.ge @!p0 [sflag:s8], $0x0  }
0x24: {  	s3 =	sadd.s32 $0x88, s3;
	s6 =	simm.s32 @!p1 $0x1082;
	[sflag:s4] =	ssyncset.s32 $0xFFFFF086  }
0x25: {  	[simem:s6], [sflag:s4] =	dma.local [hbm:s3], $0xF7A  }
0x26: {  	[smem:$0x3F94] =	sst s1;
	(tag) =	ssettag s2;
	_ =	strace s9  }
0x27: {  	s1 =	sld [smem:$0x3FA4]  }
0x28: {  	s2 =	sld [smem:$0x3FA5]  }
0x29: {  	s4 =	sld [smem:$0x3FA7]  }
0x2a: {  	p0 =	seq.s32 s5, $0x0;
	s5 =	sld [smem:$0x3FA8]  }
0x2b: {  	s6 =	sld [smem:$0x3FA9]  }
0x2c: {  	s7 =	sld [smem:$0x3FAA]  }
0x2d: {  	s3 =	simm.s32 $0x108;
	s8 =	sld [smem:$0x3FAB]  }
0x2e: {  	s3 =	simm.s32 @!p0 $0x1082;
	s9 =	sld [smem:$0x3FAC]  }
0x2f: {  	lr =	sadd.s32 s0, s3;
	s0 =	sld [smem:$0x3FA3]  }
0x30: {  	s3 =	sld [smem:$0x3FA6]  }
0x31: {  	[smem:$0x3FAF] =	sst s10  }
0x32: {  	s10 =	sld [smem:$0x3FAD];
	_ =	sdelay $0x3  }
0x33: {  	p0 =	seq.s32 s10, $0x1;
	s10 =	sld [smem:$0x3FAF];
	_ =	sdelay $0x3  }
0x34: {  	[smem:$0x3FAF] =	sst s10  }
0x35: {  	s10 =	sld [smem:$0x3FAE];
	_ =	sdelay $0x3  }
0x36: {  	p1 =	seq.s32 s10, $0x1;
	s10 =	sld [smem:$0x3FAF];
	_ =	sdelay $0x3  }
0x37: {  	[smem:$0x3FAF] =	sst s10  }
0x38: {  	s10 =	sld [smem:$0x3FB0]  }
0x39: {  	_ = 	snop;
	(pc) =	sbr.ind lr, $3  }
0x3a: {  	_ = 	snop  }
0x3b: {  	_ = 	snop  }
0x3c: {  	p2 =	seq.s32 s10, $0x1;
	s10 =	sld [smem:$0x3FAF]  }
0x3d: {  	_ =	shalt  }
0x3e: {  	_ =	shalt  }
0x3f: {  	_ =	shalt  }
0x40: {  	_ =	shalt  }
0x41: {  	_ =	shalt  }
0x42: {  	_ =	shalt  }
0x43: {  	_ =	shalt  }
0x44: {  	_ =	shalt  }
0x45: {  	_ =	shalt  }
0x46: {  	_ =	shalt  }
0x47: {  	_ =	shalt  }
0x48: {  	_ =	shalt  }
0x49: {  	_ =	shalt  }
0x4a: {  	_ =	shalt  }
0x4b: {  	_ =	shalt  }
0x4c: {  	_ =	shalt  }
0x4d: {  	_ =	shalt  }
0x4e: {  	_ =	shalt  }
0x4f: {  	_ =	shalt  }
0x50: {  	_ =	shalt  }
0x51: {  	_ =	shalt  }
0x52: {  	_ =	shalt  }
0x53: {  	_ =	shalt  }
0x54: {  	_ =	shalt  }
0x55: {  	_ =	shalt  }
0x56: {  	_ =	shalt  }
0x57: {  	_ =	shalt  }
0x58: {  	_ =	shalt  }
0x59: {  	_ =	shalt  }
0x5a: {  	_ =	shalt  }
0x5b: {  	_ =	shalt  }
0x5c: {  	_ =	shalt  }
0x5d: {  	_ =	shalt  }
0x5e: {  	_ =	shalt  }
0x5f: {  	_ =	shalt  }
0x60: {  	_ =	shalt  }
0x61: {  	_ =	shalt  }
0x62: {  	_ =	shalt  }
0x63: {  	_ =	shalt  }
0x64: {  	_ =	shalt  }
0x65: {  	_ =	shalt  }
0x66: {  	_ =	shalt  }
0x67: {  	_ =	shalt  }
0x68: {  	_ =	shalt  }
0x69: {  	_ =	shalt  }
0x6a: {  	_ =	shalt  }
0x6b: {  	_ =	shalt  }
0x6c: {  	_ =	shalt  }
0x6d: {  	_ =	shalt  }
0x6e: {  	_ =	shalt  }
0x6f: {  	_ =	shalt  }
0x70: {  	_ =	shalt  }
0x71: {  	_ =	shalt  }
0x72: {  	_ =	shalt  }
0x73: {  	_ =	shalt  }
0x74: {  	_ =	shalt  }
0x75: {  	_ =	shalt  }
0x76: {  	_ =	shalt  }
0x77: {  	_ =	shalt  }
0x78: {  	_ =	shalt  }
0x79: {  	_ =	shalt  }
0x7a: {  	_ =	shalt  }
0x7b: {  	_ =	shalt  }
0x7c: {  	_ =	shalt  }
0x7d: {  	_ =	shalt  }
0x7e: {  	_ =	shalt  }
0x7f: {  	_ =	shalt  }
0x80: {  	_ =	shalt  }
0x81: {  	_ =	shalt  }
0x82: {  	_ =	shalt  }
0x83: {  	_ =	shalt  }
0x84: {  	_ =	shalt  }
0x85: {  	_ =	shalt  }
0x86: {  	_ =	shalt  }
0x87: {  	_ =	shalt  }
.Lfunc_end0:
.L_simem_size_0:
called_computation_lowered:
.L_overlay_start_0:
0x88: {  	s2 =	sld [smem:$0x3FD9]  }
0x89: {  	s3 =	sld [smem:$0x3FFE];
	_ =	sdelay $0x1  }
0x8a: {  	s1 =	srdreg.scid  }
0x8b: {  	s0 =	sand.u32 $0x1, s1  }
0x8c: {  	s17 =	sshll.u32 s0, $0xA;
	s2 =	sadd.s32 s3, s2  }
0x8d: {  	s2 =	sadd.s32 s2, s17  }
0x8e: {  	[smem:$0x3FBB] =	sst s2  }
0x8f: {  	_ = 	snop  }
0x90: {  	s2 =	sld [smem:$0x3FD0];
	(tm) =	ssettm $0x1  }
0x91: {  	s18 =	sld [smem:$0x3FFB];
	_ =	sdelay $0x3  }
0x92: {  	_ =	strace s18  }
0x93: {  	s3 =	sld [smem:$0x3FFC];
	_ =	sdelay $0x3  }
0x94: {  	_ =	strace s3  }
0x95: {  	s3 =	sld [smem:$0x3FFD];
	_ =	sdelay $0x3  }
0x96: {  	_ =	strace s3  }
0x97: {  	_ =	strace $0x8FFFFFFF  }
0x98: {  	s19 =	sld [smem:$0x3FDB];
	_ =	sdelay $0x1  }
0x99: {  	s4 =	simm.s32 $_scs_section_size  }
0x9a: {  	s5 =	simm.s32 $_size__tile_overlayer_lowered;
	s6 =	simm.s32 $_tile_overlayer_lowered  }
0x9b: {  	s22 =	simm.s32 $0x1BFF;
	s21 =	sshll.u32 s6, $0x1;
	s3 =	sadd.s32 s4, s19  }
0x9c: {  	s7 =	simm.s32 $0x0;
	s20 =	sshll.u32 s5, $0x1;
	s5 =	sadd.s32 s21, s3  }
0x9d: {  	[timem:s7], [sflag:s22] =	dma.local [hbm:s5], s20  }
0x9e: {  	_ =	swait.ge [sflag:s22], s20  }
0x9f: {  	s4 =	ssub.s32 $0x0, s20;
	[sflag:s22] =	ssyncset.done $0x0  }
0xa0: {  	[sflag:s22] =	ssyncadd.s32 s4;
	_ =	sdelay $0x1  }
0xa1: {  	s23 =	simm.s32 $0x1B8B  }
0xa2: {  	_ =	swait.ge [sflag:s23], $0x1  }
0xa3: {  	[sflag:s23] =	ssyncset.done $0x0  }
0xa4: {  	s25 =	simm.s32 $0x1B8E;
	s24 =	sld [smem:$0x3FFE];
	[sflag:s23] =	ssyncadd.s32 $0xFFFFFFFF  }
0xa5: {  	s26 =	simm.s32 $execute0_lowered;
	[smem:$0x3FD2] =	sst s25  }
0xa6: {  	s5 =	sshll.u32 s26, $0x1;
	_ =	strace $0x80000046;
	[dreg:$0x1] =	wrdreg $0xFFFFFFFF  }
0xa7: {  	s28 =	simm.s32 $_size_execute0_lowered;
	s3 =	sadd.s32 s3, s5;
	[dreg:$0x0] =	wrdreg $0x0  }
0xa8: {  	s5 =	sshll.u32 s28, $0x1;
	[dreg:$0x2] =	wrdreg s3  }
0xa9: {  	[dreg:$0x3] =	wrdreg s5  }
0xaa: {  	[dreg:$0x4] =	wrdreg $0xC0  }
0xab: {  	_ =	task [dreg:s7], $0x5FFFF  }
0xac: {  	[dreg:$0x1] =	wrdreg $0xFFFFFFFF  }
0xad: {  	[dreg:$0x0] =	wrdreg $0x60  }
0xae: {  	[dreg:$0x2] =	wrdreg s2  }
0xaf: {  	[dreg:$0x3] =	wrdreg s24  }
0xb0: {  	[dreg:$0x4] =	wrdreg $0xC7000  }
0xb1: {  	[dreg:$0x5] =	wrdreg $0x9  }
0xb2: {  	_ =	task.clear_ibuf [dreg:s7], $0x6FFFF;
	_ =	strace $0x90000046  }
0xb3: {  	s29 =	simm.s32 $0x9;
	_ =	strace $0x80000048  }
0xb4: {  	_ =	swait.ge [sflag:s29], $0x1  }
0xb5: {  	[sflag:s29] =	ssyncadd.s32 $0xFFFFFFFF  }
0xb6: {  	_ =	strace $0x90000048  }
0xb7: {  	_ =	sfence  }
0xb8: {  	s30 =	sld [smem:$0x0];
	_ =	sdelay $0x2  }
0xb9: {  	s31 =	sshll.u32 s1, $0xD;
	s1 =	sshrl.u32 s1, $0x2  }
0xba: {  	s3 =	sand.u32 $0x4000, s31;
	s1 =	sadd.s32 s1, s30  }
0xbb: {  	s0 =	sor.u32 s3, s0;
	s1 =	sshll.u32 s1, $0x11  }
0xbc: {  	s0 =	sor.u32 s1, s0  }
0xbd: {  	s0 =	sadd.s32 $0x8F2B, s0  }
0xbe: {  	[sflag:s0] =	ssyncadd.remote.s32 $0x1  }
0xbf: {  	_ =	sfence.sel $0xFFFF  }
0xc0: {  	[dreg:$0x0] =	wrdreg $0xFFFFFFFF;
	(pc) =	sbr.abs _section_cstart, $3  }
0xc1: {  	[dreg:$0x1] =	wrdreg $0xFFFFFFFF  }
0xc2: {  	_ =	task.clear_ibuf [dreg:s7], $0x2FFFF;
	_ =	strace $0x9FFFFFFF  }
0xc3: {  	(tm) =	ssettm $0x7FFFFFFF  }
tec
execute0_lowered:
.L_overlay_start_1:
0x0: {  	(tag) =	ssettag $0x1  }
0x1: {  	s1 =	rddreg [dreg:$0x0]  }
0x2: {  	s0 =	rddreg [dreg:$0x1]  }
0x3: {  	s3 =	rddreg [dreg:$0x2]  }
0x4: {  	s4 =	simm.s32 $0x0;
	s15 =	stileid.u32;
	s5 =	srdreg.scid  }
0x5: {  	[smem:$0x7FF] =	sst s4;
	s2 =	smul.u32 $0x2780, s15  }
0x6: {  	s6 =	sadd.s32 $0x1F800, s0;
	s7 =	sadd.s32 $0x1E00, s0;
	s8 =	sadd.s32 $0x15A00, s0  }
0x7: {  	s9 =	sadd.s32 $0xBC00, s0;
	s5 =	sand.u32 $0x1, s5;
	s11 =	smul.u32 $0x4F000, s15  }
0x8: {  	s10 =	sshll.u32 s15, $0x1;
	s31 =	sadd.s32 $0x128400, s3;
	_ =	strace $0x80000047  }
0x9: {  	s12 =	smul.u32 $0x27180, s5;
	s13 =	ssub.s32 $0x2, s5;
	[dreg:$0x14] =	wrdreg s31  }
0xa: {  	s5 =	sor.u32 s5, s10;
	[dreg:$0x4] =	wrdreg s2;
	s11 =	sshrl.u32 s11, $0x2  }
0xb: {  	s2 =	sadd.s32 s2, s0;
	s10 =	smul.u32 $0x2780, s5;
	s11 =	sadd.s32 s11, s3  }
0xc: {  	s5 =	smul.u32 $0x27800, s5;
	s2 =	sadd.s32 $0x50F800, s2;
	[dreg:$0x5] =	wrdreg s11  }
0xd: {  	s12 =	sadd.s32 s12, s0;
	s0 =	sadd.s32 $0x534880, s0;
	[dreg:$0x6] =	wrdreg s2  }
0xe: {  	s14 =	sshrl.u32 s13, $0x1;
	[dreg:$0x7] =	wrdreg s0;
	s5 =	sadd.s32 s6, s5  }
0xf: {  	s13 =	ssub.s32 s13, s14;
	s28 =	sadd.s32 $0x536A00, s12;
	[dreg:$0xe] =	wrdreg s5  }
0x10: {  	s17 =	sshrl.u32 s10, $0x3;
	s29 =	smax.u32 s13, $0x1;
	[dreg:$0x12] =	wrdreg s28  }
0x11: {  	s18 =	sadd.s32 s8, s17;
	[dreg:$0x13] =	wrdreg s29  }
0x12: {  	s20 =	sor.u32 $0x40, s10;
	s19 =	sadd.s32 s9, s17;
	[dreg:$0x8] =	wrdreg s18  }
0x13: {  	s21 =	sshrl.u32 s20, $0x3;
	s0 =	sadd.s32 s7, s17;
	[dreg:$0x9] =	wrdreg s19  }
0x14: {  	s16 =	sadd.s32 s8, s21;
	[dreg:$0xf] =	wrdreg s0  }
0x15: {  	s22 =	sadd.s32 $0x10, s17;
	s23 =	sadd.s32 s9, s21;
	[dreg:$0xa] =	wrdreg s16  }
0x16: {  	s24 =	sadd.s32 s8, s22;
	[dreg:$0xb] =	wrdreg s23  }
0x17: {  	s2 =	sshll.u32 s20, $0x4;
	s14 =	sadd.s32 s9, s22;
	[dreg:$0xc] =	wrdreg s24  }
0x18: {  	s25 =	sadd.s32 s6, s2;
	[dreg:$0xd] =	wrdreg s14  }
0x19: {  	s30 =	simm.s32 $0x40;
	s26 =	sadd.s32 s7, s21;
	[dreg:$0x10] =	wrdreg s25  }
0x1a: {  	p0 =	seq.s32 s15, $0xF;
	s11 =	simm.s32 $0x0;
	[dreg:$0x11] =	wrdreg s26  }
.LBB2_1:
0x1b: {  	s0 =	rddreg [dreg:$0x14]  }
0x1c: {  	s2 =	rddreg [dreg:$0x7];
	s5 =	sshrl.u32 @p0 s0, $0x3  }
0x1d: {  	s0 =	simm.s32 @p0 $0x1FCF;
	[dreg:$0x15] =	wrdreg s5  }
0x1e: {  	[spmem:s5], [sflag:s0] =	dma.local @p0 [hbm:s2], $0x2100  }
0x1f: {  	s0 =	simm.s32 @p0 $0xF  }
0x20: {  	s2 =	stileid.u32;
	_ =	swait.ge @p0 [sflag:s0], $0x2100  }
0x21: {  	s2 =	sshll.u32 @!p0 s2, $0x6;
	[sflag:s0] =	ssyncset.done @p0 $0x0  }
0x22: {  	s2 =	sor.u32 @!p0 $0x1C0F, s2;
	[sflag:s0] =	ssyncadd.s32 @p0 $0xFFFFDF00;
	s0 =	rddreg [dreg:$0x5]  }
0x23: {  	[dreg:$0x16] =	wrdreg s2  }
0x24: {  	s5 =	sshrl.u32 @!p0 s0, $0x3;
	s0 =	rddreg [dreg:$0x6]  }
0x25: {  	[dreg:$0x17] =	wrdreg s5  }
0x26: {  	[spmem:s5], [sflag:s2] =	dma.local @!p0 [hbm:s0], $0x2780  }
0x27: {  	s0 =	simm.s32 @!p0 $0xF  }
0x28: {  	_ =	swait.ge @!p0 [sflag:s0], $0x2780  }
0x29: {  	[sflag:s0] =	ssyncset.done @!p0 $0x0  }
0x2a: {  	s25 =	rddreg [dreg:$0x8];
	[sflag:s0] =	ssyncadd.s32 @!p0 $0xFFFFD880  }
0x2b: {  	[tilespmem:s4], [sflag:$0x1] =	stream.linear.gather [hbm4b:s25+s4], $0x40, $0x38;
	v63 =	vld [tilespmem:$0x0]  }
0x2c: {  	s28 =	simm.s32 $0x80;
	s26 =	rddreg [dreg:$0x9]  }
0x2d: {  	[tilespmem:s28], [sflag:$0x1] =	stream.linear.gather [hbm4b:s26+s4], $0x40, $0x38;
	v63 =	vld [tilespmem:$0x0]  }
0x2e: {  	s31 =	simm.s32 $0x100;
	s29 =	rddreg [dreg:$0xa]  }
0x2f: {  	[tilespmem:s31], [sflag:$0x2] =	stream.linear.gather [hbm4b:s29+s4], $0x40, $0x38;
	v63 =	vld [tilespmem:$0x0]  }
0x30: {  	s13 =	simm.s32 $0x180;
	s12 =	rddreg [dreg:$0xb]  }
0x31: {  	[tilespmem:s13], [sflag:$0x2] =	stream.linear.gather [hbm4b:s12+s4], $0x40, $0x38;
	v63 =	vld [tilespmem:$0x0]  }
0x32: {  	s15 =	simm.s32 $0x200;
	s14 =	rddreg [dreg:$0xc]  }
0x33: {  	[tilespmem:s15], [sflag:$0x3] =	stream.linear.gather [hbm4b:s14+s4], $0x40, $0x38;
	v63 =	vld [tilespmem:$0x0]  }
0x34: {  	s17 =	simm.s32 $0x280;
	s18 =	simm.s32 $0x1;
	s16 =	rddreg [dreg:$0xd]  }
0x35: {  	[tilespmem:s17], [sflag:$0x3] =	stream.linear.gather [hbm4b:s16+s4], $0x40, $0x38;
	v63 =	vld [tilespmem:$0x0]  }
0x36: {  	_ =	swait.ge [sflag:s18], $0x40  }
0x37: {  	[sflag:s18] =	ssyncset.done $0x0  }
0x38: {  	[sflag:s18] =	ssyncadd.s32 $0xFFFFFFC0  }
0x39: {  	_ =	swait.ge [sflag:s18], $0x40  }
0x3a: {  	[sflag:s18] =	ssyncset.done $0x0  }
0x3b: {  	s19 =	simm.s32 $0x600;
	[sflag:s18] =	ssyncadd.s32 $0xFFFFFFC0  }
0x3c: {  	[tilespmem:s19], [sflag:$0x7] =	stream.indirect.gather [hbm4b:s1+s30], $0x80, s4, s30, $0xb8;
	v63 =	vld [tilespmem:$0x0]  }
0x3d: {  	s21 =	simm.s32 $0x8600;
	s20 =	rddreg [dreg:$0xe]  }
0x3e: {  	[tilespmem:s21], [sflag:$0x9] =	stream.linear.gather [hbm4b:s20+s4], $0x2000, $0x38;
	v63 =	vld [tilespmem:$0x0]  }
0x3f: {  	s23 =	simm.s32 $0xC600;
	s24 =	simm.s32 $0x2;
	s22 =	rddreg [dreg:$0xf]  }
0x40: {  	[tilespmem:s23], [sflag:$0xB] =	stream.linear.gather [hbm4b:s22+s4], $0x40, $0x38;
	v63 =	vld [tilespmem:$0x0]  }
0x41: {  	_ =	swait.ge [sflag:s24], $0x40  }
0x42: {  	[sflag:s24] =	ssyncset.done $0x0  }
0x43: {  	[sflag:s24] =	ssyncadd.s32 $0xFFFFFFC0  }
0x44: {  	_ =	swait.ge [sflag:s24], $0x40  }
0x45: {  	[sflag:s24] =	ssyncset.done $0x0  }
0x46: {  	s25 =	simm.s32 $0x2600;
	[sflag:s24] =	ssyncadd.s32 $0xFFFFFFC0  }
0x47: {  	[tilespmem:s25], [sflag:$0x8] =	stream.indirect.gather [hbm4b:s1+s30], $0x80, s31, s30, $0xb8;
	v63 =	vld [tilespmem:$0x0]  }
0x48: {  	s28 =	simm.s32 $0xA600;
	s26 =	rddreg [dreg:$0x10]  }
0x49: {  	[tilespmem:s28], [sflag:$0xA] =	stream.linear.gather [hbm4b:s26+s4], $0x2000, $0x38;
	v63 =	vld [tilespmem:$0x0]  }
0x4a: {  	s29 =	rddreg [dreg:$0x11];
	s31 =	simm.s32 $0xC680  }
0x4b: {  	[tilespmem:s31], [sflag:$0xC] =	stream.linear.gather [hbm4b:s29+s4], $0x40, $0x38;
	v63 =	vld [tilespmem:$0x0]  }
0x4c: {  	p1 =	por $0x0, $0x0;
	s14 =	simm.s32 $0x0;
	[bflag:$0x0] =	sbarrier.arrive $0xFFFF  }
.LBB2_2:
0x4d: {  	s18 =	sand.u32 $0x1, s14  }
0x4e: {  	s17 =	sadd.s32 $0x7, s18  }
0x4f: {  	_ =	swait.ge [sflag:s17], $0x2000  }
0x50: {  	[sflag:s17] =	ssyncset.done $0x0  }
0x51: {  	s16 =	sadd.s32 $0x9, s18;
	[sflag:s17] =	ssyncadd.s32 $0xFFFFE000  }
0x52: {  	_ =	swait.ge [sflag:s16], $0x2000  }
0x53: {  	[sflag:s16] =	ssyncset.done $0x0  }
0x54: {  	s15 =	sadd.s32 $0xB, s18;
	[sflag:s16] =	ssyncadd.s32 $0xFFFFE000  }
0x55: {  	_ =	swait.ge [sflag:s15], $0x40  }
0x56: {  	p2 =	slt.u32 s14, $0x2;
	[sflag:s15] =	ssyncset.done $0x0  }
0x57: {  	s0 =	simm.s32 $0x1;
	s2 =	sadd.s32 @!p2 $0xD, s18;
	[sflag:s15] =	ssyncadd.s32 $0xFFFFFFC0  }
0x58: {  	s0 =	simm.s32 @!p1 $0x0;
	_ =	swait.ge @!p2 [sflag:s2], $0x2000  }
0x59: {  	s5 =	sshll.u32 s0, $0xD;
	[sflag:s2] =	ssyncset.done @!p2 $0x0  }
0x5a: {  	s31 =	sor.u32 $0x680, s5;
	[sflag:s2] =	ssyncadd.s32 @!p2 $0xFFFFE000  }
0x5b: {  	s12 =	sor.u32 $0x8680, s5;
	v0 =	vld [tilespmem:s31+$0x0]  }
0x5c: {  	s0 =	sshll.u32 s0, $0x7;
	v1 =	vld [tilespmem:s12+$0x0]  }
0x5d: {  	s0 =	sor.u32 $0xC601, s0  }
0x5e: {  	v6 =	vld.msk [tilespmem:s0+$0x0 ss:$0x0], $0xffff  }
0x5f: {  	v2 =	vld [tilespmem:s12+$0xFFFFFF80]  }
0x60: {  	v3 =	vld [tilespmem:s31+$0xFFFFFF80]  }
0x61: {  	v0 =	vmul.f32 v1, v0  }
0x62: {  	v5 =	vld.msk [tilespmem:s0+$0xFFFFFFFF ss:$0x0], $0xffff  }
0x63: {  	v0 =	vmul.f32 v0, v6  }
0x64: {  	s19 =	sor.u32 $0x4680, s5  }
0x65: {  	[tilespmem:s19+$0x0] =	vst v0;
	v0 =	vmul.f32 v2, v3  }
0x66: {  	v1 =	vld [tilespmem:s31+$0x10]  }
0x67: {  	v2 =	vld [tilespmem:s12+$0x10];
	v0 =	vmul.f32 v0, v5;
	_ =	sdelay $0x1  }
0x68: {  	[tilespmem:s19+$0xFFFFFF80] =	vst v0  }
0x69: {  	v0 =	vld [tilespmem:s31+$0xFFFFFF90]  }
0x6a: {  	v3 =	vld [tilespmem:s12+$0xFFFFFF90]  }
0x6b: {  	v1 =	vmul.f32 v2, v1;
	_ =	sdelay $0x1  }
0x6c: {  	v1 =	vmul.f32 v1, v6;
	_ =	sdelay $0x1  }
0x6d: {  	[tilespmem:s19+$0x10] =	vst v1;
	v0 =	vmul.f32 v3, v0  }
0x6e: {  	v1 =	vld [tilespmem:s31+$0x20]  }
0x6f: {  	v2 =	vld [tilespmem:s12+$0x20];
	v0 =	vmul.f32 v0, v5;
	_ =	sdelay $0x1  }
0x70: {  	[tilespmem:s19+$0xFFFFFF90] =	vst v0  }
0x71: {  	v0 =	vld [tilespmem:s31+$0xFFFFFFA0]  }
0x72: {  	v3 =	vld [tilespmem:s12+$0xFFFFFFA0]  }
0x73: {  	s20 =	sadd.s32 $0x100, s12;
	v1 =	vmul.f32 v2, v1  }
0x74: {  	v4 =	vld [tilespmem:s20+$0x0]  }
0x75: {  	s0 =	sadd.s32 $0x2, s0;
	v8 =	vld [tilespmem:s20+$0xFFFFFF80];
	v1 =	vmul.f32 v1, v6  }
0x76: {  	s21 =	sadd.s32 $0x100, s31;
	v7 =	vld.msk [tilespmem:s0+$0x0 ss:$0x0], $0xffff  }
0x77: {  	v2 =	vld [tilespmem:s21+$0x0];
	[tilespmem:s19+$0x20] =	vst v1;
	v0 =	vmul.f32 v3, v0  }
0x78: {  	v1 =	vld [tilespmem:s31+$0x30]  }
0x79: {  	v3 =	vld [tilespmem:s12+$0x30];
	v0 =	vmul.f32 v0, v5  }
0x7a: {  	v9 =	vld [tilespmem:s21+$0xFFFFFF80]  }
0x7b: {  	[tilespmem:s19+$0xFFFFFFA0] =	vst v0;
	v0 =	vld.msk [tilespmem:s0+$0xFFFFFFFF ss:$0x0], $0xffff  }
0x7c: {  	v2 =	vmul.f32 v4, v2;
	v4 =	vld [tilespmem:s31+$0xFFFFFFB0]  }
0x7d: {  	v10 =	vld [tilespmem:s12+$0xFFFFFFB0]  }
0x7e: {  	v2 =	vmul.f32 v2, v7;
	v1 =	vmul.f32 v3, v1  }
0x7f: {  	s29 =	sadd.s32 $0x100, s19  }
0x80: {  	[tilespmem:s29+$0x0] =	vst v2;
	v2 =	vmul.f32 v8, v9;
	v1 =	vmul.f32 v1, v6  }
0x81: {  	v3 =	vld [tilespmem:s21+$0x10]  }
0x82: {  	v8 =	vld [tilespmem:s20+$0x10];
	[tilespmem:s19+$0x30] =	vst v1;
	v1 =	vmul.f32 v2, v0;
	v2 =	vmul.f32 v10, v4  }
0x83: {  	v4 =	vld [tilespmem:s31+$0x40]  }
0x84: {  	[tilespmem:s29+$0xFFFFFF80] =	vst v1;
	v1 =	vmul.f32 v2, v5;
	v2 =	vld [tilespmem:s12+$0x40]  }
0x85: {  	v9 =	vld [tilespmem:s21+$0xFFFFFF90]  }
0x86: {  	v10 =	vld [tilespmem:s20+$0xFFFFFF90]  }
0x87: {  	[tilespmem:s19+$0xFFFFFFB0] =	vst v1;
	v1 =	vmul.f32 v8, v3;
	_ =	sdelay $0x1  }
0x88: {  	v3 =	vld [tilespmem:s31+$0xFFFFFFC0];
	v1 =	vmul.f32 v1, v7  }
0x89: {  	s22 =	sadd.s32 $0x100, s21;
	v8 =	vld [tilespmem:s12+$0xFFFFFFC0];
	v2 =	vmul.f32 v2, v4  }
0x8a: {  	v12 =	vld [tilespmem:s22+$0x0];
	v4 =	vmul.f32 v10, v9;
	[tilespmem:s29+$0x10] =	vst v1  }
0x8b: {  	v1 =	vmul.f32 v2, v6;
	v2 =	vld [tilespmem:s21+$0x20]  }
0x8c: {  	s23 =	sadd.s32 $0x100, s20;
	v9 =	vld [tilespmem:s20+$0x20];
	v4 =	vmul.f32 v4, v0  }
0x8d: {  	v13 =	vld [tilespmem:s23+$0x0]  }
0x8e: {  	v14 =	vld [tilespmem:s22+$0xFFFFFF80];
	v3 =	vmul.f32 v8, v3;
	[tilespmem:s29+$0xFFFFFF90] =	vst v4  }
0x8f: {  	v4 =	vld [tilespmem:s21+$0xFFFFFFA0]  }
0x90: {  	[tilespmem:s19+$0x40] =	vst v1;
	v1 =	vmul.f32 v3, v5;
	v10 =	vld [tilespmem:s20+$0xFFFFFFA0]  }
0x91: {  	v8 =	vld [tilespmem:s31+$0x50];
	v2 =	vmul.f32 v9, v2  }
0x92: {  	v3 =	vld [tilespmem:s12+$0x50];
	[tilespmem:s19+$0xFFFFFFC0] =	vst v1  }
0x93: {  	v9 =	vld [tilespmem:s31+$0xFFFFFFD0];
	v2 =	vmul.f32 v2, v7  }
0x94: {  	s0 =	sadd.s32 $0x2, s0;
	v11 =	vld [tilespmem:s12+$0xFFFFFFD0]  }
0x95: {  	v1 =	vld.msk [tilespmem:s0+$0x0 ss:$0x0], $0xffff;
	[tilespmem:s29+$0x20] =	vst v2;
	v2 =	vmul.f32 v10, v4  }
0x96: {  	v4 =	vld [tilespmem:s21+$0x30]  }
0x97: {  	v3 =	vmul.f32 v3, v8;
	v10 =	vld [tilespmem:s20+$0x30];
	v2 =	vmul.f32 v2, v0  }
0x98: {  	v8 =	vld [tilespmem:s23+$0xFFFFFF80]  }
0x99: {  	v3 =	vmul.f32 v3, v6;
	v9 =	vmul.f32 v11, v9;
	[tilespmem:s29+$0xFFFFFFA0] =	vst v2;
	v2 =	vld.msk [tilespmem:s0+$0xFFFFFFFF ss:$0x0], $0xffff  }
0x9a: {  	v11 =	vmul.f32 v13, v12;
	v12 =	vld [tilespmem:s21+$0xFFFFFFB0]  }
0x9b: {  	[tilespmem:s19+$0x50] =	vst v3;
	v3 =	vmul.f32 v9, v5;
	v9 =	vld [tilespmem:s20+$0xFFFFFFB0]  }
0x9c: {  	v13 =	vld [tilespmem:s31+$0x60];
	v11 =	vmul.f32 v11, v1;
	v4 =	vmul.f32 v10, v4  }
0x9d: {  	s25 =	sadd.s32 $0x100, s29;
	s28 =	sadd.s32 $0x100, s23;
	v10 =	vld [tilespmem:s12+$0x60];
	[tilespmem:s19+$0xFFFFFFD0] =	vst v3  }
0x9e: {  	v18 =	vld [tilespmem:s28+$0x0];
	[tilespmem:s25+$0x0] =	vst v11;
	v3 =	vmul.f32 v4, v7;
	v4 =	vmul.f32 v8, v14  }
0x9f: {  	v8 =	vld [tilespmem:s22+$0x10]  }
0xa0: {  	v14 =	vld [tilespmem:s23+$0x10];
	[tilespmem:s29+$0x30] =	vst v3;
	v3 =	vmul.f32 v4, v2;
	v4 =	vmul.f32 v9, v12  }
0xa1: {  	v9 =	vld [tilespmem:s21+$0x40]  }
0xa2: {  	v10 =	vmul.f32 v10, v13;
	[tilespmem:s25+$0xFFFFFF80] =	vst v3;
	v3 =	vmul.f32 v4, v0;
	v4 =	vld [tilespmem:s20+$0x40]  }
0xa3: {  	v12 =	vld [tilespmem:s22+$0xFFFFFF90]  }
0xa4: {  	v10 =	vmul.f32 v10, v6;
	v13 =	vld [tilespmem:s23+$0xFFFFFF90];
	[tilespmem:s29+$0xFFFFFFB0] =	vst v3  }
0xa5: {  	v3 =	vmul.f32 v14, v8;
	v8 =	vld [tilespmem:s21+$0xFFFFFFC0]  }
0xa6: {  	[tilespmem:s19+$0x60] =	vst v10;
	v10 =	vld [tilespmem:s20+$0xFFFFFFC0]  }
0xa7: {  	s24 =	sadd.s32 $0x100, s22;
	v53 =	vld [tilespmem:s28+$0xFFFFFF80];
	v3 =	vmul.f32 v3, v1;
	v4 =	vmul.f32 v4, v9  }
0xa8: {  	v20 =	vld [tilespmem:s24+$0xFFFFFF80]  }
0xa9: {  	v11 =	vld [tilespmem:s31+$0xFFFFFFE0];
	[tilespmem:s25+$0x10] =	vst v3;
	v3 =	vmul.f32 v4, v7  }
0xaa: {  	v12 =	vmul.f32 v13, v12;
	v4 =	vld [tilespmem:s22+$0x20]  }
0xab: {  	v13 =	vld [tilespmem:s23+$0x20];
	v8 =	vmul.f32 v10, v8;
	[tilespmem:s29+$0x40] =	vst v3  }
0xac: {  	v12 =	vmul.f32 v12, v2;
	v10 =	vld [tilespmem:s21+$0x50]  }
0xad: {  	v3 =	vmul.f32 v8, v0;
	v8 =	vld [tilespmem:s20+$0x50]  }
0xae: {  	v15 =	vld [tilespmem:s12+$0xFFFFFFE0];
	[tilespmem:s25+$0xFFFFFF90] =	vst v12  }
0xaf: {  	v12 =	vld [tilespmem:s22+$0xFFFFFFA0]  }
0xb0: {  	s0 =	sadd.s32 $0x2, s0;
	v16 =	vld [tilespmem:s23+$0xFFFFFFA0];
	v4 =	vmul.f32 v13, v4  }
0xb1: {  	[tilespmem:s29+$0xFFFFFFC0] =	vst v3;
	v3 =	vld.msk [tilespmem:s0+$0x0 ss:$0x0], $0xffff  }
0xb2: {  	v13 =	vld [tilespmem:s21+$0xFFFFFFD0];
	v4 =	vmul.f32 v4, v1;
	v8 =	vmul.f32 v8, v10  }
0xb3: {  	v17 =	vld [tilespmem:s20+$0xFFFFFFD0]  }
0xb4: {  	v10 =	vld [tilespmem:s24+$0x0];
	[tilespmem:s25+$0x20] =	vst v4;
	v4 =	vmul.f32 v8, v7  }
0xb5: {  	v8 =	vld [tilespmem:s22+$0x30]  }
0xb6: {  	v19 =	vld [tilespmem:s23+$0x30];
	[tilespmem:s29+$0x50] =	vst v4  }
0xb7: {  	v4 =	vmul.f32 v16, v12;
	v12 =	vld [tilespmem:s21+$0x60]  }
0xb8: {  	v52 =	vld [tilespmem:s20+$0x60]  }
0xb9: {  	v14 =	vld [tilespmem:s31+$0x70];
	v13 =	vmul.f32 v17, v13;
	v4 =	vmul.f32 v4, v2  }
0xba: {  	v9 =	vld [tilespmem:s12+$0x70];
	v10 =	vmul.f32 v18, v10  }
0xbb: {  	v13 =	vmul.f32 v13, v0;
	[tilespmem:s25+$0xFFFFFFA0] =	vst v4;
	v4 =	vld.msk [tilespmem:s0+$0xFFFFFFFF ss:$0x0], $0xffff  }
0xbc: {  	v10 =	vmul.f32 v10, v3;
	v8 =	vmul.f32 v19, v8;
	v54 =	vld [tilespmem:s22+$0xFFFFFFB0]  }
0xbd: {  	s26 =	sadd.s32 $0x100, s25;
	[tilespmem:s29+$0xFFFFFFD0] =	vst v13;
	v13 =	vld [tilespmem:s23+$0xFFFFFFB0];
	v12 =	vmul.f32 v52, v12  }
0xbe: {  	[tilespmem:s26+$0x0] =	vst v10;
	v8 =	vmul.f32 v8, v1;
	v10 =	vld [tilespmem:s21+$0xFFFFFFE0]  }
0xbf: {  	v55 =	vld [tilespmem:s24+$0x10];
	v12 =	vmul.f32 v12, v7  }
0xc0: {  	v17 =	vmul.f32 v53, v20;
	v56 =	vld [tilespmem:s28+$0x10];
	[tilespmem:s25+$0x30] =	vst v8  }
0xc1: {  	v8 =	vld [tilespmem:s22+$0x40];
	[tilespmem:s29+$0x60] =	vst v12  }
0xc2: {  	v12 =	vmul.f32 v17, v4;
	v13 =	vmul.f32 v13, v54;
	v57 =	vld [tilespmem:s21+$0x70]  }
0xc3: {  	v58 =	vld [tilespmem:s20+$0x70]  }
0xc4: {  	[tilespmem:s26+$0xFFFFFF80] =	vst v12;
	v12 =	vmul.f32 v13, v2;
	v13 =	vld [tilespmem:s23+$0x40]  }
0xc5: {  	v11 =	vmul.f32 v15, v11;
	v15 =	vld [tilespmem:s24+$0xFFFFFF90]  }
0xc6: {  	v59 =	vld [tilespmem:s28+$0xFFFFFF90];
	[tilespmem:s25+$0xFFFFFFB0] =	vst v12  }
0xc7: {  	v11 =	vmul.f32 v11, v5;
	v12 =	vmul.f32 v56, v55;
	v60 =	vld [tilespmem:s22+$0xFFFFFFC0]  }
0xc8: {  	v61 =	vld [tilespmem:s23+$0xFFFFFFC0]  }
0xc9: {  	[tilespmem:s19+$0xFFFFFFE0] =	vst v11;
	v11 =	vmul.f32 v12, v3;
	v12 =	vld [tilespmem:s20+$0xFFFFFFE0];
	v8 =	vmul.f32 v13, v8  }
0xca: {  	v13 =	vld [tilespmem:s31+$0xFFFFFFF0]  }
0xcb: {  	v15 =	vmul.f32 v59, v15;
	[tilespmem:s26+$0x10] =	vst v11;
	v11 =	vld [tilespmem:s12+$0xFFFFFFF0];
	v8 =	vmul.f32 v8, v1  }
0xcc: {  	v9 =	vmul.f32 v9, v14;
	v14 =	vld [tilespmem:s24+$0x20]  }
0xcd: {  	v62 =	vld [tilespmem:s28+$0x20];
	v16 =	vmul.f32 v61, v60;
	v15 =	vmul.f32 v15, v4;
	[tilespmem:s25+$0x40] =	vst v8  }
0xce: {  	v9 =	vmul.f32 v9, v6;
	v17 =	vmul.f32 v58, v57;
	v6 =	vld [tilespmem:s22+$0x50]  }
0xcf: {  	v12 =	vmul.f32 v12, v10;
	[tilespmem:s26+$0xFFFFFF90] =	vst v15;
	v15 =	vmul.f32 v16, v2;
	v8 =	vld [tilespmem:s23+$0x50]  }
0xd0: {  	[tilespmem:s19+$0x70] =	vst v9;
	v7 =	vmul.f32 v17, v7;
	v10 =	vld [tilespmem:s24+$0xFFFFFFA0];
	v13 =	vmul.f32 v11, v13  }
0xd1: {  	s13 =	sshll.u32 s18, $0x7;
	v9 =	vmul.f32 v12, v0;
	v11 =	vld [tilespmem:s28+$0xFFFFFFA0];
	[tilespmem:s25+$0xFFFFFFC0] =	vst v15  }
0xd2: {  	s2 =	sshll.u32 s18, $0xD;
	s5 =	sadd.s32 $0x2, s0;
	s0 =	smov.u32 s24;
	[tilespmem:s29+$0x70] =	vst v7;
	v12 =	vmul.f32 v62, v14;
	v7 =	vld [tilespmem:s22+$0xFFFFFFD0];
	v5 =	vmul.f32 v13, v5  }
0xd3: {  	s31 =	sor.u32 $0xC600, s13;
	s13 =	simm.s32 $0x6;
	s12 =	smov.u32 s28;
	[tilespmem:s29+$0xFFFFFFE0] =	vst v9;
	v9 =	vld [tilespmem:s23+$0xFFFFFFD0]  }
.LBB2_3:
0xd4: {  	v13 =	vld.msk [tilespmem:s5+$0x0 ss:$0x0], $0xffff;
	v12 =	vmul.f32 v12, v3;
	s24 =	sadd.s32 $0x100, s24;
	v6 =	vmul.f32 v8, v6;
	[tilespmem:s19+$0xFFFFFFF0] =	vst v5;
	s19 =	smov.u32 s29;
	s29 =	smov.u32 s25  }
0xd5: {  	s28 =	sadd.s32 $0x100, s28;
	s25 =	smov.u32 s26;
	v5 =	vld [tilespmem:s24+$0x0]  }
0xd6: {  	v8 =	vld [tilespmem:s28+$0x0];
	v10 =	vmul.f32 v11, v10;
	[tilespmem:s26+$0x20] =	vst v12;
	v6 =	vmul.f32 v6, v1  }
0xd7: {  	v11 =	vld [tilespmem:s0+$0x30]  }
0xd8: {  	v10 =	vmul.f32 v10, v4;
	v12 =	vld [tilespmem:s12+$0x30];
	v7 =	vmul.f32 v9, v7;
	[tilespmem:s29+$0x50] =	vst v6  }
0xd9: {  	v6 =	vld [tilespmem:s22+$0x60]  }
0xda: {  	[tilespmem:s26+$0xFFFFFFA0] =	vst v10;
	v7 =	vmul.f32 v7, v2;
	v9 =	vld [tilespmem:s23+$0x60]  }
0xdb: {  	v10 =	vld [tilespmem:s28+$0xFFFFFF80]  }
0xdc: {  	v5 =	vmul.f32 v8, v5;
	v14 =	vld [tilespmem:s24+$0xFFFFFF80];
	[tilespmem:s29+$0xFFFFFFD0] =	vst v7  }
0xdd: {  	v15 =	vld.msk [tilespmem:s5+$0xFFFFFFFF ss:$0x0], $0xffff  }
0xde: {  	v5 =	vmul.f32 v5, v13;
	v8 =	vmul.f32 v12, v11;
	v7 =	vld [tilespmem:s0+$0xFFFFFFB0]  }
0xdf: {  	s26 =	sadd.s32 $0x100, s26;
	v11 =	vld [tilespmem:s12+$0xFFFFFFB0];
	v6 =	vmul.f32 v9, v6  }
0xe0: {  	[tilespmem:s26+$0x0] =	vst v5;
	v5 =	vmul.f32 v8, v3;
	v8 =	vld [tilespmem:s22+$0xFFFFFFE0]  }
0xe1: {  	v9 =	vmul.f32 v10, v14;
	v10 =	vld [tilespmem:s24+$0x10];
	v6 =	vmul.f32 v6, v1  }
0xe2: {  	v12 =	vld [tilespmem:s28+$0x10];
	[tilespmem:s25+$0x30] =	vst v5  }
0xe3: {  	s13 =	sadd.s32 $0x2, s13;
	v5 =	vmul.f32 v9, v15;
	v9 =	vld [tilespmem:s0+$0x40];
	[tilespmem:s29+$0x60] =	vst v6  }
0xe4: {  	p2 =	slt.u32 s13, $0x3E;
	v6 =	vmul.f32 v11, v7;
	v7 =	vld [tilespmem:s22+$0x70]  }
0xe5: {  	[tilespmem:s26+$0xFFFFFF80] =	vst v5;
	v5 =	vld [tilespmem:s23+$0x70]  }
0xe6: {  	v6 =	vmul.f32 v6, v4;
	v11 =	vld [tilespmem:s12+$0x40]  }
0xe7: {  	v14 =	vld [tilespmem:s24+$0xFFFFFF90]  }
0xe8: {  	v16 =	vld [tilespmem:s28+$0xFFFFFF90];
	[tilespmem:s25+$0xFFFFFFB0] =	vst v6  }
0xe9: {  	v6 =	vmul.f32 v12, v10;
	v10 =	vld [tilespmem:s0+$0xFFFFFFC0]  }
0xea: {  	v12 =	vld [tilespmem:s12+$0xFFFFFFC0];
	v5 =	vmul.f32 v5, v7  }
0xeb: {  	v6 =	vmul.f32 v6, v13;
	v7 =	vmul.f32 v11, v9;
	v9 =	vld [tilespmem:s23+$0xFFFFFFE0]  }
0xec: {  	v5 =	vmul.f32 v5, v1;
	v11 =	vld [tilespmem:s21+$0xFFFFFFF0];
	v1 =	vmov v3;
	v3 =	vmov v13;
	s21 =	smov.u32 s22;
	s22 =	smov.u32 s0;
	s0 =	smov.u32 s24  }
0xed: {  	v13 =	vmul.f32 v16, v14;
	[tilespmem:s26+$0x10] =	vst v6;
	v6 =	vmul.f32 v7, v1;
	v7 =	vld [tilespmem:s20+$0xFFFFFFF0];
	s20 =	smov.u32 s23;
	s23 =	smov.u32 s12;
	s12 =	smov.u32 s28  }
0xee: {  	v14 =	vld [tilespmem:s24+$0x20];
	[tilespmem:s29+$0x70] =	vst v5  }
0xef: {  	v5 =	vmul.f32 v13, v15;
	v13 =	vld [tilespmem:s28+$0x20];
	v10 =	vmul.f32 v12, v10;
	[tilespmem:s25+$0x40] =	vst v6  }
0xf0: {  	v6 =	vld [tilespmem:s22+$0x50];
	v9 =	vmul.f32 v9, v8  }
.Ltmp0:
0xf1: {  	[tilespmem:s26+$0xFFFFFF90] =	vst v5;
	v5 =	vmul.f32 v10, v4;
	v8 =	vld [tilespmem:s23+$0x50];
	(pc) =	sbr.rel @p2 .LBB2_3-.Ltmp0, $4  }
0xf2: {  	v10 =	vld [tilespmem:s24+$0xFFFFFFA0];
	v9 =	vmul.f32 v9, v2;
	v16 =	vmul.f32 v7, v11  }
0xf3: {  	v11 =	vld [tilespmem:s28+$0xFFFFFFA0];
	[tilespmem:s25+$0xFFFFFFC0] =	vst v5  }
0xf4: {  	v12 =	vmul.f32 v13, v14;
	v7 =	vld [tilespmem:s22+$0xFFFFFFD0];
	[tilespmem:s29+$0xFFFFFFE0] =	vst v9;
	v5 =	vmul.f32 v16, v0;
	v0 =	vmovc v2;
	v2 =	vmov v4  }
0xf5: {  	s5 =	sadd.s32 $0x2, s5;
	v4 =	vmov v15;
	v9 =	vld [tilespmem:s23+$0xFFFFFFD0]  }
0xf6: {  	_ =	sdelay $0x1  }
0xf7: {  	v12 =	vmul.f32 v12, v3;
	v10 =	vmul.f32 v11, v10;
	_ =	sdelay $0x1  }
0xf8: {  	[tilespmem:s26+$0x20] =	vst v12;
	v10 =	vmul.f32 v10, v4  }
0xf9: {  	v33 =	vld [tilespmem:s0+$0x30]  }
0xfa: {  	v12 =	vld [tilespmem:s12+$0x30];
	[tilespmem:s26+$0xFFFFFFA0] =	vst v10  }
0xfb: {  	v10 =	vld [tilespmem:s0+$0xFFFFFFB0]  }
0xfc: {  	v13 =	vld [tilespmem:s12+$0xFFFFFFB0];
	_ =	sdelay $0x2  }
0xfd: {  	v11 =	vmul.f32 v12, v33;
	_ =	sdelay $0x1  }
0xfe: {  	v11 =	vmul.f32 v11, v3;
	v10 =	vmul.f32 v13, v10;
	_ =	sdelay $0x1  }
0xff: {  	[tilespmem:s26+$0x30] =	vst v11;
	v10 =	vmul.f32 v10, v4  }
0x100: {  	v11 =	vld [tilespmem:s0+$0x40]  }
0x101: {  	v34 =	vld [tilespmem:s12+$0x40];
	[tilespmem:s26+$0xFFFFFFB0] =	vst v10  }
0x102: {  	v10 =	vld [tilespmem:s0+$0xFFFFFFC0]  }
0x103: {  	v35 =	vld [tilespmem:s12+$0xFFFFFFC0];
	_ =	sdelay $0x2  }
0x104: {  	v11 =	vmul.f32 v34, v11;
	_ =	sdelay $0x1  }
0x105: {  	v11 =	vmul.f32 v11, v3;
	v10 =	vmul.f32 v35, v10;
	_ =	sdelay $0x1  }
0x106: {  	[tilespmem:s26+$0x40] =	vst v11;
	v10 =	vmul.f32 v10, v4  }
0x107: {  	v11 =	vld [tilespmem:s0+$0x50]  }
0x108: {  	v36 =	vld [tilespmem:s12+$0x50];
	[tilespmem:s26+$0xFFFFFFC0] =	vst v10  }
0x109: {  	v6 =	vmul.f32 v8, v6;
	v37 =	vld [tilespmem:s0+$0xFFFFFFD0]  }
0x10a: {  	v10 =	vld [tilespmem:s12+$0xFFFFFFD0]  }
0x10b: {  	v6 =	vmul.f32 v6, v1;
	v7 =	vmul.f32 v9, v7;
	_ =	sdelay $0x1  }
0x10c: {  	[tilespmem:s25+$0x50] =	vst v6;
	v7 =	vmul.f32 v7, v2;
	v38 =	vmul.f32 v36, v11  }
0x10d: {  	v39 =	vld [tilespmem:s22+$0x60]  }
0x10e: {  	v40 =	vld [tilespmem:s23+$0x60];
	[tilespmem:s25+$0xFFFFFFD0] =	vst v7;
	v6 =	vmul.f32 v38, v3;
	v8 =	vmul.f32 v10, v37  }
0x10f: {  	v43 =	vld [tilespmem:s22+$0xFFFFFFE0]  }
0x110: {  	v44 =	vld [tilespmem:s23+$0xFFFFFFE0];
	[tilespmem:s26+$0x50] =	vst v6;
	v41 =	vmul.f32 v8, v4  }
0x111: {  	v6 =	vld [tilespmem:s0+$0x60]  }
0x112: {  	v42 =	vld [tilespmem:s12+$0x60];
	[tilespmem:s26+$0xFFFFFFD0] =	vst v41  }
0x113: {  	v9 =	vmul.f32 v40, v39;
	v46 =	vld [tilespmem:s0+$0xFFFFFFE0]  }
0x114: {  	v47 =	vld [tilespmem:s12+$0xFFFFFFE0]  }
0x115: {  	v45 =	vmul.f32 v9, v1;
	v10 =	vmul.f32 v44, v43  }
0x116: {  	v49 =	vld [tilespmem:s21+$0xFFFFFFF0]  }
0x117: {  	v50 =	vld [tilespmem:s20+$0xFFFFFFF0];
	[tilespmem:s25+$0x60] =	vst v45;
	v10 =	vmul.f32 v10, v2;
	v6 =	vmul.f32 v42, v6  }
0x118: {  	v7 =	vld [tilespmem:s22+$0x70]  }
0x119: {  	v48 =	vld [tilespmem:s23+$0x70];
	[tilespmem:s25+$0xFFFFFFE0] =	vst v10;
	v6 =	vmul.f32 v6, v3;
	v51 =	vmul.f32 v47, v46  }
0x11a: {  	v54 =	vld [tilespmem:s22+$0xFFFFFFF0]  }
0x11b: {  	v14 =	vld [tilespmem:s23+$0xFFFFFFF0];
	[tilespmem:s26+$0x60] =	vst v6;
	v6 =	vmul.f32 v51, v4  }
0x11c: {  	v52 =	vld [tilespmem:s0+$0x70]  }
0x11d: {  	v53 =	vld [tilespmem:s12+$0x70];
	[tilespmem:s26+$0xFFFFFFE0] =	vst v6  }
0x11e: {  	v6 =	vld [tilespmem:s0+$0xFFFFFFF0]  }
0x11f: {  	v15 =	vld [tilespmem:s12+$0xFFFFFFF0]  }
0x120: {  	v55 =	vmul.f32 v50, v49  }
0x121: {  	s28 =	smulhi.u32 $0xAAAAAAAB, s14;
	p2 =	sgt.u32 s14, $0x9B;
	v7 =	vmul.f32 v48, v7  }
0x122: {  	s5 =	sadd.s32 @!p2 $0x2, s14;
	v0 =	vmul.f32 v55, v0;
	v58 =	vmul.f32 v14, v54  }
0x123: {  	[tilespmem:s19+$0xFFFFFFF0] =	vst v5;
	v56 =	vmul.f32 v7, v1;
	s0 =	sshrl.u32 s28, $0x2;
	s12 =	smul.u32 @!p2 $0xAB, s5;
	v57 =	vmul.f32 v53, v52  }
0x124: {  	[tilespmem:s29+$0xFFFFFFF0] =	vst v0;
	v61 =	vmul.f32 v58, v2;
	s0 =	smul.u32 $0x6, s0;
	v60 =	vmul.f32 v15, v6  }
0x125: {  	[tilespmem:s25+$0x70] =	vst v56;
	v59 =	vmul.f32 v57, v3  }
0x126: {  	[tilespmem:s25+$0xFFFFFFF0] =	vst v61;
	s12 =	sshrl.u32 @!p2 s12, $0xA;
	s0 =	ssub.s32 s14, s0;
	v62 =	vmul.f32 v60, v4  }
0x127: {  	s13 =	sor.u32 $0x4600, s2;
	s12 =	sand.u32 @!p2 $0x3F, s12;
	s0 =	sshll.u32 s0, $0x8;
	[tilespmem:s26+$0x70] =	vst v59  }
0x128: {  	s18 =	sadd.s32 $0xD, s18;
	s12 =	smul.u32 @!p2 $0x6, s12;
	s0 =	sor.u32 $0x80, s0;
	[tilespmem:s26+$0xFFFFFFF0] =	vst v62  }
0x129: {  	[spmem:s3] =	stream.indirect.scatter.add.f32 [tilespmem:s13], [sflag:s18], $0x80, s0, s30, $0xb8;
	v63 =	vld [tilespmem:$0x0]  }
0x12a: {  	s0 =	ssub.s32 @!p2 s5, s12  }
0x12b: {  	s0 =	sand.u32 @!p2 $0xFF, s0  }
0x12c: {  	s12 =	sadd.s32 @!p2 $0x1, s0  }
0x12d: {  	_ =	swait.ge @!p2 [sflag:s12], $0x40  }
0x12e: {  	[sflag:s12] =	ssyncset.done @!p2 $0x0  }
0x12f: {  	[sflag:s12] =	ssyncadd.s32 @!p2 $0xFFFFFFC0  }
0x130: {  	_ =	swait.ge @!p2 [sflag:s12], $0x40  }
0x131: {  	s13 =	simm.s32 @!p2 $0x40;
	[sflag:s12] =	ssyncset.done @!p2 $0x0  }
0x132: {  	s0 =	sshll.u32 @!p2 s0, $0x8;
	[sflag:s12] =	ssyncadd.s32 @!p2 $0xFFFFFFC0;
	s12 =	sadd.s32 @!p2 $0x600, s2  }
0x133: {  	[tilespmem:s12], [sflag:s17] =	stream.indirect.gather @!p2 [hbm4b:s1+s13], $0x80, s0, s13, $0xb8;
	v63 =	vld [tilespmem:$0x0]  }
0x134: {  	p3 =	seq.s32 @!p2 s14, $0x9B;
	s0 =	sshll.u32 @!p2 s5, $0x6  }
0x135: {  	p3 =	por p3, p2;
	s0 =	sadd.s32 @!p2 s10, s0  }
0x136: {  	s2 =	sadd.s32 @!p2 $0x8600, s2;
	s12 =	sadd.s32 @!p3 $0x3, s14;
	s5 =	sshll.u32 @!p2 s0, $0x4  }
0x137: {  	s13 =	simm.s32 @!p2 $0x0;
	s17 =	smul.u32 @!p3 $0xAB, s12;
	s5 =	sadd.s32 @!p2 s6, s5  }
0x138: {  	[tilespmem:s2], [sflag:s16] =	stream.linear.gather @!p2 [hbm4b:s5+s13], $0x2000, $0x38;
	v63 =	vld [tilespmem:$0x0]  }
0x139: {  	s2 =	sshrl.u32 @!p3 s17, $0xA  }
0x13a: {  	s0 =	sshrl.u32 @!p2 s0, $0x3;
	s2 =	sand.u32 @!p3 $0x3F, s2  }
0x13b: {  	s0 =	sadd.s32 @!p2 s7, s0;
	s2 =	smul.u32 @!p3 $0x6, s2  }
0x13c: {  	[tilespmem:s31], [sflag:s15] =	stream.linear.gather @!p2 [hbm4b:s0+s13], $0x40, $0x38;
	v63 =	vld [tilespmem:$0x0]  }
0x13d: {  	s14 =	sadd.s32 $0x1, s14;
	s0 =	ssub.s32 @!p3 s12, s2;
	s2 =	sshll.u32 @!p3 s12, $0x6  }
0x13e: {  	s13 =	simm.s32 @!p3 $0x0;
	p2 =	sne.s32 s14, $0x9E;
	s2 =	sadd.s32 @!p3 s10, s2  }
.Ltmp1:
0x13f: {  	s0 =	sand.u32 @!p3 $0xFF, s0;
	s2 =	sshrl.u32 @!p3 s2, $0x3;
	(pc) =	sbr.rel @p2 .LBB2_2-.Ltmp1, $4  }
0x140: {  	s5 =	sadd.s32 @!p3 $0x1, s0;
	s0 =	sshll.u32 @!p3 s0, $0x8;
	s12 =	sadd.s32 @!p3 s8, s2  }
0x141: {  	[tilespmem:s0], [sflag:s5] =	stream.linear.gather @!p3 [hbm4b:s12+s13], $0x40, $0x38;
	v63 =	vld [tilespmem:$0x0]  }
0x142: {  	p1 =	por !p1, !p1;
	s2 =	sadd.s32 @!p3 s9, s2;
	s0 =	sor.u32 @!p3 $0x80, s0  }
0x143: {  	[tilespmem:s0], [sflag:s5] =	stream.linear.gather @!p3 [hbm4b:s2+s13], $0x40, $0x38;
	v63 =	vld [tilespmem:$0x0]  }
0x144: {  	s0 =	simm.s32 $0xD  }
0x145: {  	_ =	swait.ge [sflag:s0], $0x2000  }
0x146: {  	[sflag:s0] =	ssyncset.done $0x0  }
0x147: {  	s29 =	simm.s32 $0xE;
	[sflag:s0] =	ssyncadd.s32 $0xFFFFE000  }
0x148: {  	_ =	swait.ge [sflag:s29], $0x2000  }
0x149: {  	[sflag:s29] =	ssyncset.done $0x0  }
0x14a: {  	[sflag:s29] =	ssyncadd.s32 $0xFFFFE000  }
0x14b: {  	[bflag:$0x0] =	sbarrier.arrive $0xFFFF  }
0x14c: {  	s5 =	rddreg [dreg:$0x12]  }
0x14d: {  	s2 =	simm.s32 @p0 $0x1FCF;
	s12 =	rddreg [dreg:$0x15];
	s0 =	sadd.s32 @p0 $0x25080, s5  }
0x14e: {  	[hbm:s0], [sflag:s2] =	dma.local @p0 [spmem:s12], $0x2100  }
0x14f: {  	s0 =	simm.s32 @p0 $0xF  }
0x150: {  	_ =	swait.ge @p0 [sflag:s0], $0x2100  }
0x151: {  	[sflag:s0] =	ssyncset.done @p0 $0x0;
	s2 =	rddreg [dreg:$0x16]  }
0x152: {  	[sflag:s0] =	ssyncadd.s32 @p0 $0xFFFFDF00;
	s0 =	rddreg [dreg:$0x4]  }
0x153: {  	s0 =	sadd.s32 @!p0 s0, s5;
	s5 =	rddreg [dreg:$0x17]  }
0x154: {  	[hbm:s0], [sflag:s2] =	dma.local @!p0 [spmem:s5], $0x2780  }
0x155: {  	s0 =	simm.s32 @!p0 $0xF  }
0x156: {  	_ =	swait.ge @!p0 [sflag:s0], $0x2780  }
0x157: {  	s11 =	sadd.s32 $0x1, s11;
	s31 =	rddreg [dreg:$0x13]  }
0x158: {  	p1 =	sne.s32 s11, s31  }
.Ltmp2:
0x159: {  	_ = 	snop;
	(pc) =	sbr.rel @p1 .LBB2_1-.Ltmp2, $3  }
0x15a: {  	_ =	sdelay $0x1  }
0x15b: {  	[sflag:s0] =	ssyncset.done @!p0 $0x0  }
0x15c: {  	[sflag:s0] =	ssyncadd.s32 @!p0 $0xFFFFD880  }
0x15d: {  	_ =	sfence.sel $0x180000  }
0x15e: {  	[bflag:$0x0] =	sbarrier.arrive $0xFFFF  }
0x15f: {  	_ =	strace $0x90000047  }
0x160: {  	s0 =	stileid.u32;
	[bflag:$0x2] =	sbarrier.arrive $0xFFFF  }
0x161: {  	p0 =	sne.s32 s0, $0x0;
	s0 =	rddreg [dreg:$0x3]  }
0x162: {  	s0 =	sadd.s32 @!p0 $0x100000, s0  }
0x163: {  	[sflag:s0] =	ssyncadd.tile.s32 @!p0 $0x1;
	_ =	shalt  }
.Lfunc_end2:
_tile_overlayer_lowered:
.L_overlay_start_2:
0x164: {  	(tag) =	ssettag $0x2  }
0x165: {  	s0 =	rddreg [dreg:$0x0];
	s2 =	stileid.u32  }
0x166: {  	s1 =	rddreg [dreg:$0x1];
	p0 =	sne.s32 s2, $0x0  }
0x167: {  	s3 =	rddreg [dreg:$0x2];
	[bflag:$0x3] =	sbarrier.arrive $0xFFFF;
	s2 =	simm.s32 @!p0 $0x1C0F  }
0x168: {  	[timem:s3], [sflag:s2] =	dma.local @!p0 [hbm:s0], s1  }
0x169: {  	s0 =	simm.s32 @!p0 $0xF  }
0x16a: {  	_ =	swait.ge @!p0 [sflag:s0], s1  }
0x16b: {  	s1 =	ssub.s32 @!p0 $0x0, s1;
	[sflag:s0] =	ssyncset.done @!p0 $0x0  }
0x16c: {  	[sflag:s0] =	ssyncadd.s32 @!p0 s1  }
0x16d: {  	[bflag:$0x3] =	sbarrier.arrive $0xFFFF  }
0x16e: {  	_ =	shalt  }

</sc_bundles>
